<compile_context>
chip_gen: v7x
topology: tpu7x:2x2x1
jax: 0.10.2.dev20260603
libtpu: 0.0.44.dev20260713+nightly
codegen_flags: <defaults>
</compile_context>

<pallas_src>
import functools

import numpy as np
import jax
import jax.numpy as jnp
from jax import lax
from jax.experimental import pallas as pl
from jax.experimental.pallas import tpu as pltpu
from jax.experimental.pallas import tpu_sc as plsc

N = 10000
E = 320000
D = 128
EPS = 1e-5

NC = 2
NS = 16
NW = NC * NS
K = 128
CHUNKS = 80
EPAD = NW * CHUNKS * K
NPAD = 10240
STRIPE = NPAD // NS
NB = 2
NSTAGE = 2
QMAX = CHUNKS // NSTAGE
CROWS = EPAD // K + QMAX

_PADV = (np.arange(CROWS * K - E, dtype=np.int32) % (NPAD - N)) + N
_EPAD_CONST = np.stack([_PADV, _PADV])

_mesh = plsc.VectorSubcoreMesh(core_axis_name="c", subcore_axis_name="s",
                               num_cores=NC, num_subcores=NS)


WAVE = 16


@functools.partial(
    pl.kernel,
    out_type=jax.ShapeDtypeStruct((NC, 2, NPAD), jnp.float32),
    mesh=_mesh,
    scratch_types=[
        pltpu.VMEM((CHUNKS, K), jnp.int32),
        pltpu.VMEM((CHUNKS, K), jnp.int32),
        pltpu.VMEM((K,), jnp.float32),
        pltpu.VMEM((STRIPE,), jnp.float32),
        pltpu.VMEM_SHARED((NPAD,), jnp.float32),
        pltpu.VMEM_SHARED((NPAD,), jnp.float32),
        pltpu.SemaphoreType.DMA,
    ],
)
def _sc_degrees(src_hbm, dst_hbm, out_hbm, sbuf, dbuf, ones_v, zero_v,
                outd_s, ind_s, dsem):
    c = lax.axis_index("c")
    s = lax.axis_index("s")
    wid = c * NS + s
    for i in range(K // 16):
        ones_v[pl.ds(i * 16, 16)] = jnp.ones((16,), jnp.float32)

    @pl.loop(0, STRIPE // 16)
    def _(i):
        zero_v[pl.ds(i * 16, 16)] = jnp.zeros((16,), jnp.float32)

    rows = pl.ds(s * STRIPE, STRIPE)
    pltpu.sync_copy(zero_v, outd_s.at[rows])
    pltpu.sync_copy(zero_v, ind_s.at[rows])
    pltpu.sync_copy(src_hbm.at[pl.ds(wid * CHUNKS, CHUNKS), :], sbuf)
    pltpu.sync_copy(dst_hbm.at[pl.ds(wid * CHUNKS, CHUNKS), :], dbuf)
    plsc.subcore_barrier()

    @pl.loop(0, CHUNKS // WAVE)
    def _(w):
        for j in range(WAVE):
            i = w * WAVE + j
            pltpu.async_copy(ones_v, outd_s.at[sbuf.at[i]], dsem, add=True)
            pltpu.async_copy(ones_v, ind_s.at[dbuf.at[i]], dsem, add=True)
        for j in range(WAVE):
            i = w * WAVE + j
            pltpu.make_async_copy(ones_v, outd_s.at[sbuf.at[i]], dsem).wait()
            pltpu.make_async_copy(ones_v, ind_s.at[dbuf.at[i]], dsem).wait()

    plsc.subcore_barrier()
    pltpu.sync_copy(outd_s.at[rows], out_hbm.at[c, 0, rows])
    pltpu.sync_copy(ind_s.at[rows], out_hbm.at[c, 1, rows])


@functools.partial(
    pl.kernel,
    out_type=jax.ShapeDtypeStruct((NC, NPAD, D), jnp.float32),
    mesh=_mesh,
    scratch_types=[
        pltpu.VMEM((QMAX, K), jnp.int32),
        pltpu.VMEM((QMAX, K), jnp.int32),
        pltpu.VMEM((NB, K, D), jnp.float32),
        pltpu.VMEM_SHARED((NPAD, D), jnp.float32),
        pltpu.SemaphoreType.DMA((NB,)),
    ],
)
def _sc_aggregate(t_hbm, src_hbm, dst_hbm, out_hbm, sbuf, dbuf,
                  rows_v, acc_s, gsem):
    c = lax.axis_index("c")
    s = lax.axis_index("s")
    wid = c * NS + s
    rows = pl.ds(s * STRIPE, STRIPE)

    @pl.loop(0, K)
    def _(r):
        for j in range(D // 16):
            rows_v[0, r, pl.ds(j * 16, 16)] = jnp.zeros((16,), jnp.float32)

    @pl.loop(0, STRIPE // K)
    def _(j):
        pltpu.sync_copy(rows_v.at[0],
                        acc_s.at[pl.ds(s * STRIPE + j * K, K)])
    plsc.subcore_barrier()

    @pl.loop(0, NSTAGE)
    def _(h):
        cbase = pl.multiple_of(wid * CHUNKS + h * QMAX, 8)
        pltpu.sync_copy(src_hbm.at[pl.ds(cbase, QMAX), :], sbuf)
        pltpu.sync_copy(dst_hbm.at[pl.ds(cbase, QMAX), :], dbuf)
        for b in range(NB):
            pltpu.async_copy(t_hbm.at[sbuf.at[b]], rows_v.at[b], gsem.at[b])

        @pl.loop(0, QMAX // NB - 1)
        def _(g):
            for b in range(NB):
                i = g * NB + b
                pltpu.make_async_copy(t_hbm.at[sbuf.at[i]], rows_v.at[b],
                                      gsem.at[b]).wait()
                pltpu.sync_copy(rows_v.at[b], acc_s.at[dbuf.at[i]], add=True)
                pltpu.async_copy(t_hbm.at[sbuf.at[i + NB]], rows_v.at[b],
                                 gsem.at[b])

        for b in range(NB):
            i = QMAX - NB + b
            pltpu.make_async_copy(t_hbm.at[sbuf.at[i]], rows_v.at[b],
                                  gsem.at[b]).wait()
            pltpu.sync_copy(rows_v.at[b], acc_s.at[dbuf.at[i]], add=True)

    plsc.subcore_barrier()
    pltpu.sync_copy(acc_s.at[rows], out_hbm.at[c, rows])


R = 1024
GRID = NPAD // R
RO = 1000
GRIDO = N // RO


def _norms(deg_blk):
    out_deg = deg_blk[:, 0:1] + deg_blk[:, 2:3]
    in_deg = deg_blk[:, 1:2] + deg_blk[:, 3:4]
    out_norm = lax.rsqrt(jnp.maximum(out_deg, 1.0))
    in_norm = lax.rsqrt(jnp.maximum(in_deg, 1.0))
    return out_norm, in_norm


def _layer_norm_relu(x, g, be):
    mu = jnp.mean(x, axis=-1, keepdims=True)
    var = jnp.mean((x - mu) ** 2, axis=-1, keepdims=True)
    return jnp.maximum((x - mu) * lax.rsqrt(var + EPS) * g + be, 0.0)


def _tc1_body(f_ref, deg_ref, w_ref, t_ref):
    out_norm, _ = _norms(deg_ref[...])
    t_ref[...] = jnp.dot(f_ref[...] * out_norm, w_ref[...],
                         preferred_element_type=jnp.float32)


def _tc2_body(agg_ref, deg_ref, b_ref, g_ref, be_ref, w_ref, t_ref):
    out_norm, in_norm = _norms(deg_ref[...])
    x = (agg_ref[0] + agg_ref[1]) * in_norm + b_ref[...]
    h = _layer_norm_relu(x, g_ref[...], be_ref[...])
    t_ref[...] = jnp.dot(h * out_norm, w_ref[...],
                         preferred_element_type=jnp.float32)


def _tc3_body(agg_ref, deg_ref, b_ref, g_ref, be_ref, o_ref):
    _, in_norm = _norms(deg_ref[...])
    x = (agg_ref[0] + agg_ref[1]) * in_norm + b_ref[...]
    o_ref[...] = _layer_norm_relu(x, g_ref[...], be_ref[...])


def _specs(r):
    return (pl.BlockSpec((r, D), lambda i: (i, 0)),
            pl.BlockSpec((r, 4), lambda i: (i, 0)),
            pl.BlockSpec((NC, r, D), lambda i: (0, i, 0)))


_row_spec, _deg_spec, _agg_spec = _specs(R)
_rowo_spec, _dego_spec, _aggo_spec = _specs(RO)
_w_spec = pl.BlockSpec((D, D), lambda i: (0, 0))
_vec_spec = pl.BlockSpec((1, D), lambda i: (0, 0))

_tc1 = pl.pallas_call(
    _tc1_body,
    grid=(GRID,),
    in_specs=[_row_spec, _deg_spec, _w_spec],
    out_specs=_row_spec,
    out_shape=jax.ShapeDtypeStruct((NPAD, D), jnp.float32),
)

_tc2 = pl.pallas_call(
    _tc2_body,
    grid=(GRID,),
    in_specs=[_agg_spec, _deg_spec, _vec_spec, _vec_spec, _vec_spec, _w_spec],
    out_specs=_row_spec,
    out_shape=jax.ShapeDtypeStruct((NPAD, D), jnp.float32),
)

_tc3 = pl.pallas_call(
    _tc3_body,
    grid=(GRIDO,),
    in_specs=[_aggo_spec, _dego_spec, _vec_spec, _vec_spec, _vec_spec],
    out_specs=_rowo_spec,
    out_shape=jax.ShapeDtypeStruct((N, D), jnp.float32),
)


def kernel(features, edge_index, W1, b1, g1, be1, W2, b2, g2, be2):
    padc = jnp.asarray(_EPAD_CONST)
    src2d = jnp.concatenate([edge_index[0], padc[0]]).reshape(CROWS, K)
    dst2d = jnp.concatenate([edge_index[1], padc[1]]).reshape(CROWS, K)

    degp = _sc_degrees(src2d, dst2d)
    degs = jnp.moveaxis(degp.reshape(4, NPAD), 0, 1)

    t1 = _tc1(features, degs, W1)
    agg1 = _sc_aggregate(t1, src2d, dst2d)
    t2 = _tc2(agg1, degs, b1.reshape(1, D), g1.reshape(1, D),
              be1.reshape(1, D), W2)
    agg2 = _sc_aggregate(t2, src2d, dst2d)
    return _tc3(agg2, degs, b2.reshape(1, D), g2.reshape(1, D),
                be2.reshape(1, D))

# --- scband reference (transcript-rebuilt; emitter-appended) ---
"""Pipeline reference for scband-gcn-7524782702754 (READ-ONLY COPY).

The authoritative reference and input builder live on the scoring server;
editing this copy changes nothing except your own understanding.
"""

import jax, jax.numpy as jnp
import numpy as np

N_NODES = 10000
N_EDGES = 320000
D_IN = 128
HIDDEN = [128, 128]
EPS = 1e-5


def setup_inputs(seed: int = 0) -> dict:
    key = jax.random.key(seed)
    ks = jax.random.split(key, 12)
    features = jax.random.normal(ks[0], (N_NODES, D_IN), dtype=jnp.float32)
    edge_index = jax.random.randint(ks[1], (2, N_EDGES), 0, N_NODES, dtype=jnp.int32)
    # layer 1 params (GraphConv weight/bias + LayerNorm gamma/beta)
    W1 = jax.random.normal(ks[2], (D_IN, HIDDEN[0]), dtype=jnp.float32) * (1.0 / np.sqrt(D_IN))
    b1 = jnp.zeros((HIDDEN[0],), dtype=jnp.float32)
    g1 = jnp.ones((HIDDEN[0],), dtype=jnp.float32)
    be1 = jnp.zeros((HIDDEN[0],), dtype=jnp.float32)
    # layer 2 params
    W2 = jax.random.normal(ks[3], (HIDDEN[0], HIDDEN[1]), dtype=jnp.float32) * (1.0 / np.sqrt(HIDDEN[0]))
    b2 = jnp.zeros((HIDDEN[1],), dtype=jnp.float32)
    g2 = jnp.ones((HIDDEN[1],), dtype=jnp.float32)
    be2 = jnp.zeros((HIDDEN[1],), dtype=jnp.float32)
    return {"features": features, "edge_index": edge_index,
            "W1": W1, "b1": b1, "g1": g1, "be1": be1,
            "W2": W2, "b2": b2, "g2": g2, "be2": be2}


def _graph_conv(h, src, dst, W, b):
    # DGL GraphConv with norm='both': D_out^{-1/2} on src feats, sum-aggregate, D_in^{-1/2} on dst
    ones = jnp.ones((src.shape[0],), dtype=h.dtype)
    out_deg = jax.ops.segment_sum(ones, src, num_segments=N_NODES)
    in_deg = jax.ops.segment_sum(ones, dst, num_segments=N_NODES)
    out_norm = jnp.clip(out_deg, 1.0, None) ** (-0.5)
    in_norm = jnp.clip(in_deg, 1.0, None) ** (-0.5)
    h = h * out_norm[:, None]
    msg = jnp.take(h, src, axis=0)
    agg = jax.ops.segment_sum(msg, dst, num_segments=N_NODES)
    agg = agg * in_norm[:, None]
    return agg @ W + b


def _layer_norm(x, gamma, beta):
    mu = jnp.mean(x, axis=-1, keepdims=True)
    var = jnp.mean((x - mu) ** 2, axis=-1, keepdims=True)
    return (x - mu) / jnp.sqrt(var + EPS) * gamma + beta


def reference(features, edge_index, W1, b1, g1, be1, W2, b2, g2, be2):
    src = edge_index[0]
    dst = edge_index[1]
    h = features
    # layer 1: conv -> layernorm -> relu (dropout p=0.0)
    h = _graph_conv(h, src, dst, W1, b1)
    h = jax.nn.relu(_layer_norm(h, g1, be1))
    # layer 2
    h = _graph_conv(h, src, dst, W2, b2)
    h = jax.nn.relu(_layer_norm(h, g2, be2))
    return h

if __name__ == "__main__":
    import jax
    _d = setup_inputs()
    print(jax.jit(kernel)(*tuple(_d.values())))

</pallas_src>

<mosaic_0001>
#map = affine_map<(d0, d1) -> (0, 0)>
#map1 = affine_map<(d0, d1) -> (0, 0, 0)>
module attributes {stable_mosaic.version = 14 : i64} {
  func.func @_sc_aggregate(%arg0: i32, %arg1: i32, %arg2: memref<10240x128xf32, #tpu.memory_space<hbm>>, %arg3: memref<2600x128xi32, #tpu.memory_space<hbm>>, %arg4: memref<2600x128xi32, #tpu.memory_space<hbm>>, %arg5: memref<2x10240x128xf32, #tpu.memory_space<hbm>>, %arg6: memref<40x128xi32, #tpu.memory_space<vmem>>, %arg7: memref<40x128xi32, #tpu.memory_space<vmem>>, %arg8: memref<2x128x128xf32, #tpu.memory_space<vmem>>, %arg9: memref<10240x128xf32, #tpu.memory_space<vmem_shared>>, %arg10: memref<2x!tpu.dma_semaphore, #tpu.memory_space<semaphore_mem>>) attributes {dimension_semantics = [#tpu.dimension_semantics<core_parallel>, #tpu.dimension_semantics<subcore_parallel>], iteration_bounds = array<i64: 2, 16>, scalar_prefetch = 0 : i64, scratch_operands = 5 : i64, tpu.core_type = #tpu.core_type<sc_vector_subcore>, window_params = [{transform_indices = #map}, {transform_indices = #map}, {transform_indices = #map}, {transform_indices = #map1}]} {
    %mul3A = arith.constant 16 : i32
    %mul3A_0 = arith.muli %arg0, %mul3A : i32
    %add3A = arith.addi %mul3A_0, %arg1 : i32
    %mul3A_1 = arith.constant 640 : i32
    %mul3A_2 = arith.muli %arg1, %mul3A_1 : i32
    %scan3A = arith.constant 0 : i32
    %scan3A_3 = arith.constant 128 : i32
    %scan3A_4 = arith.addi %scan3A, %scan3A_3 : i32
    %scan3A_5 = arith.constant 1 : i32
    scf.for %scan3A_18 = %scan3A to %scan3A_4 step %scan3A_5  : i32 {
      %mul3A_19 = arith.constant 1 : i32
      %mul3A_20 = arith.muli %scan3A_18, %mul3A_19 : i32
      %add3A_21 = arith.constant 0 : i32
      %add3A_22 = arith.addi %add3A_21, %mul3A_20 : i32
      %broadcast_in_dim3A = arith.constant 0.000000e+00 : f32
      %broadcast_in_dim3A_23 = vector.broadcast %broadcast_in_dim3A : f32 to vector<16xf32>
      %swap3A = arith.constant 0 : i32
      %swap3A_24 = arith.index_cast %swap3A : i32 to index
      %swap3A_25 = arith.index_cast %add3A_22 : i32 to index
      %swap3A_26 = arith.constant 0 : index
      %swap3A_27 = tpu.vector_load %arg8[%swap3A_24, %swap3A_25, %swap3A_26] {strides = array<i32>} : memref<2x128x128xf32, #tpu.memory_space<vmem>>, vector<1x1x16xf32>,
      %swap3A_28 = vector.shape_cast %swap3A_27 : vector<1x1x16xf32> to vector<16xf32>
      %swap3A_29 = vector.shape_cast %broadcast_in_dim3A_23 : vector<16xf32> to vector<1x1x16xf32>
      tpu.vector_store %arg8[%swap3A_24, %swap3A_25, %swap3A_26], %swap3A_29 {strides = array<i32>} : memref<2x128x128xf32, #tpu.memory_space<vmem>>, vector<1x1x16xf32>,
      %broadcast_in_dim3A_30 = arith.constant 0.000000e+00 : f32
      %broadcast_in_dim3A_31 = vector.broadcast %broadcast_in_dim3A_30 : f32 to vector<16xf32>
      %swap3A_32 = arith.constant 0 : i32
      %swap3A_33 = arith.index_cast %swap3A_32 : i32 to index
      %swap3A_34 = arith.index_cast %add3A_22 : i32 to index
      %swap3A_35 = arith.constant 16 : index
      %swap3A_36 = tpu.vector_load %arg8[%swap3A_33, %swap3A_34, %swap3A_35] {strides = array<i32>} : memref<2x128x128xf32, #tpu.memory_space<vmem>>, vector<1x1x16xf32>,
      %swap3A_37 = vector.shape_cast %swap3A_36 : vector<1x1x16xf32> to vector<16xf32>
      %swap3A_38 = vector.shape_cast %broadcast_in_dim3A_31 : vector<16xf32> to vector<1x1x16xf32>
      tpu.vector_store %arg8[%swap3A_33, %swap3A_34, %swap3A_35], %swap3A_38 {strides = array<i32>} : memref<2x128x128xf32, #tpu.memory_space<vmem>>, vector<1x1x16xf32>,
      %broadcast_in_dim3A_39 = arith.constant 0.000000e+00 : f32
      %broadcast_in_dim3A_40 = vector.broadcast %broadcast_in_dim3A_39 : f32 to vector<16xf32>
      %swap3A_41 = arith.constant 0 : i32
      %swap3A_42 = arith.index_cast %swap3A_41 : i32 to index
      %swap3A_43 = arith.index_cast %add3A_22 : i32 to index
      %swap3A_44 = arith.constant 32 : index
      %swap3A_45 = tpu.vector_load %arg8[%swap3A_42, %swap3A_43, %swap3A_44] {strides = array<i32>} : memref<2x128x128xf32, #tpu.memory_space<vmem>>, vector<1x1x16xf32>,
      %swap3A_46 = vector.shape_cast %swap3A_45 : vector<1x1x16xf32> to vector<16xf32>
      %swap3A_47 = vector.shape_cast %broadcast_in_dim3A_40 : vector<16xf32> to vector<1x1x16xf32>
      tpu.vector_store %arg8[%swap3A_42, %swap3A_43, %swap3A_44], %swap3A_47 {strides = array<i32>} : memref<2x128x128xf32, #tpu.memory_space<vmem>>, vector<1x1x16xf32>,
      %broadcast_in_dim3A_48 = arith.constant 0.000000e+00 : f32
      %broadcast_in_dim3A_49 = vector.broadcast %broadcast_in_dim3A_48 : f32 to vector<16xf32>
      %swap3A_50 = arith.constant 0 : i32
      %swap3A_51 = arith.index_cast %swap3A_50 : i32 to index
      %swap3A_52 = arith.index_cast %add3A_22 : i32 to index
      %swap3A_53 = arith.constant 48 : index
      %swap3A_54 = tpu.vector_load %arg8[%swap3A_51, %swap3A_52, %swap3A_53] {strides = array<i32>} : memref<2x128x128xf32, #tpu.memory_space<vmem>>, vector<1x1x16xf32>,
      %swap3A_55 = vector.shape_cast %swap3A_54 : vector<1x1x16xf32> to vector<16xf32>
      %swap3A_56 = vector.shape_cast %broadcast_in_dim3A_49 : vector<16xf32> to vector<1x1x16xf32>
      tpu.vector_store %arg8[%swap3A_51, %swap3A_52, %swap3A_53], %swap3A_56 {strides = array<i32>} : memref<2x128x128xf32, #tpu.memory_space<vmem>>, vector<1x1x16xf32>,
      %broadcast_in_dim3A_57 = arith.constant 0.000000e+00 : f32
      %broadcast_in_dim3A_58 = vector.broadcast %broadcast_in_dim3A_57 : f32 to vector<16xf32>
      %swap3A_59 = arith.constant 0 : i32
      %swap3A_60 = arith.index_cast %swap3A_59 : i32 to index
      %swap3A_61 = arith.index_cast %add3A_22 : i32 to index
      %swap3A_62 = arith.constant 64 : index
      %swap3A_63 = tpu.vector_load %arg8[%swap3A_60, %swap3A_61, %swap3A_62] {strides = array<i32>} : memref<2x128x128xf32, #tpu.memory_space<vmem>>, vector<1x1x16xf32>,
      %swap3A_64 = vector.shape_cast %swap3A_63 : vector<1x1x16xf32> to vector<16xf32>
      %swap3A_65 = vector.shape_cast %broadcast_in_dim3A_58 : vector<16xf32> to vector<1x1x16xf32>
      tpu.vector_store %arg8[%swap3A_60, %swap3A_61, %swap3A_62], %swap3A_65 {strides = array<i32>} : memref<2x128x128xf32, #tpu.memory_space<vmem>>, vector<1x1x16xf32>,
      %broadcast_in_dim3A_66 = arith.constant 0.000000e+00 : f32
      %broadcast_in_dim3A_67 = vector.broadcast %broadcast_in_dim3A_66 : f32 to vector<16xf32>
      %swap3A_68 = arith.constant 0 : i32
      %swap3A_69 = arith.index_cast %swap3A_68 : i32 to index
      %swap3A_70 = arith.index_cast %add3A_22 : i32 to index
      %swap3A_71 = arith.constant 80 : index
      %swap3A_72 = tpu.vector_load %arg8[%swap3A_69, %swap3A_70, %swap3A_71] {strides = array<i32>} : memref<2x128x128xf32, #tpu.memory_space<vmem>>, vector<1x1x16xf32>,
      %swap3A_73 = vector.shape_cast %swap3A_72 : vector<1x1x16xf32> to vector<16xf32>
      %swap3A_74 = vector.shape_cast %broadcast_in_dim3A_67 : vector<16xf32> to vector<1x1x16xf32>
      tpu.vector_store %arg8[%swap3A_69, %swap3A_70, %swap3A_71], %swap3A_74 {strides = array<i32>} : memref<2x128x128xf32, #tpu.memory_space<vmem>>, vector<1x1x16xf32>,
      %broadcast_in_dim3A_75 = arith.constant 0.000000e+00 : f32
      %broadcast_in_dim3A_76 = vector.broadcast %broadcast_in_dim3A_75 : f32 to vector<16xf32>
      %swap3A_77 = arith.constant 0 : i32
      %swap3A_78 = arith.index_cast %swap3A_77 : i32 to index
      %swap3A_79 = arith.index_cast %add3A_22 : i32 to index
      %swap3A_80 = arith.constant 96 : index
      %swap3A_81 = tpu.vector_load %arg8[%swap3A_78, %swap3A_79, %swap3A_80] {strides = array<i32>} : memref<2x128x128xf32, #tpu.memory_space<vmem>>, vector<1x1x16xf32>,
      %swap3A_82 = vector.shape_cast %swap3A_81 : vector<1x1x16xf32> to vector<16xf32>
      %swap3A_83 = vector.shape_cast %broadcast_in_dim3A_76 : vector<16xf32> to vector<1x1x16xf32>
      tpu.vector_store %arg8[%swap3A_78, %swap3A_79, %swap3A_80], %swap3A_83 {strides = array<i32>} : memref<2x128x128xf32, #tpu.memory_space<vmem>>, vector<1x1x16xf32>,
      %broadcast_in_dim3A_84 = arith.constant 0.000000e+00 : f32
      %broadcast_in_dim3A_85 = vector.broadcast %broadcast_in_dim3A_84 : f32 to vector<16xf32>
      %swap3A_86 = arith.constant 0 : i32
      %swap3A_87 = arith.index_cast %swap3A_86 : i32 to index
      %swap3A_88 = arith.index_cast %add3A_22 : i32 to index
      %swap3A_89 = arith.constant 112 : index
      %swap3A_90 = tpu.vector_load %arg8[%swap3A_87, %swap3A_88, %swap3A_89] {strides = array<i32>} : memref<2x128x128xf32, #tpu.memory_space<vmem>>, vector<1x1x16xf32>,
      %swap3A_91 = vector.shape_cast %swap3A_90 : vector<1x1x16xf32> to vector<16xf32>
      %swap3A_92 = vector.shape_cast %broadcast_in_dim3A_85 : vector<16xf32> to vector<1x1x16xf32>
      tpu.vector_store %arg8[%swap3A_87, %swap3A_88, %swap3A_89], %swap3A_92 {strides = array<i32>} : memref<2x128x128xf32, #tpu.memory_space<vmem>>, vector<1x1x16xf32>,
    }
    %scan3A_6 = arith.constant 128 : i32
    %scan3A_7 = arith.constant 0 : i32
    %scan3A_8 = arith.constant 5 : i32
    %scan3A_9 = arith.addi %scan3A_7, %scan3A_8 : i32
    %scan3A_10 = arith.constant 1 : i32
    scf.for %scan3A_18 = %scan3A_7 to %scan3A_9 step %scan3A_10  : i32 {
      %mul3A_19 = arith.constant 1 : i32
      %mul3A_20 = arith.muli %scan3A_18, %mul3A_19 : i32
      %add3A_21 = arith.constant 0 : i32
      %add3A_22 = arith.addi %add3A_21, %mul3A_20 : i32
      %mul3A_23 = arith.constant 640 : i32
      %mul3A_24 = arith.muli %arg1, %mul3A_23 : i32
      %mul3A_25 = arith.constant 128 : i32
      %mul3A_26 = arith.muli %add3A_22, %mul3A_25 : i32
      %add3A_27 = arith.addi %mul3A_24, %mul3A_26 : i32
      %run_scoped3A = arith.constant 0 : i32
      "tpu.region"() ({
        %run_scoped3A_28 = tpu.sem_alloc : memref<!tpu.dma_semaphore, #tpu.memory_space<semaphore_mem>>
        %dma_start3A = arith.constant 0 : i32
        %dma_start3A_29 = arith.constant 0 : i32
        %dma_start3A_30 = tpu.memref_slice %arg8[%run_scoped3A, %dma_start3A, %dma_start3A_29] : memref<2x128x128xf32, #tpu.memory_space<vmem>> -> memref<1x128x128xf32, #tpu.memory_space<vmem>>
        %dma_start3A_31 = tpu.memref_squeeze %dma_start3A_30 : memref<1x128x128xf32, #tpu.memory_space<vmem>> -> memref<128x128xf32, #tpu.memory_space<vmem>>
        %dma_start3A_32 = arith.constant 0 : i32
        %dma_start3A_33 = tpu.memref_slice %arg9[%add3A_27, %dma_start3A_32] : memref<10240x128xf32, #tpu.memory_space<vmem_shared>> -> memref<128x128xf32, #tpu.memory_space<vmem_shared>>
        %dma_start3A_34 = arith.constant 0 : i32
        %dma_start3A_35 = tpu.memref_slice %arg9[%add3A_27, %dma_start3A_34] : memref<10240x128xf32, #tpu.memory_space<vmem_shared>> -> memref<128x128xf32, #tpu.memory_space<vmem_shared>>
        %dma_start3A_36 = arith.constant 0 : i32
        %dma_start3A_37 = arith.constant 0 : i32
        %dma_start3A_38 = tpu.memref_slice %arg8[%run_scoped3A, %dma_start3A_36, %dma_start3A_37] : memref<2x128x128xf32, #tpu.memory_space<vmem>> -> memref<1x128x128xf32, #tpu.memory_space<vmem>>
        %dma_start3A_39 = tpu.memref_squeeze %dma_start3A_38 : memref<1x128x128xf32, #tpu.memory_space<vmem>> -> memref<128x128xf32, #tpu.memory_space<vmem>>
        tpu.enqueue_dma source(%dma_start3A_39 : memref<128x128xf32, #tpu.memory_space<vmem>>) target(%dma_start3A_35 : memref<128x128xf32, #tpu.memory_space<vmem_shared>>) target_semaphore(%run_scoped3A_28 : memref<!tpu.dma_semaphore, #tpu.memory_space<semaphore_mem>>)
        %dma_wait3A = arith.constant 0 : i32
        %dma_wait3A_40 = arith.constant 0 : i32
        %dma_wait3A_41 = tpu.memref_slice %arg8[%run_scoped3A, %dma_wait3A, %dma_wait3A_40] : memref<2x128x128xf32, #tpu.memory_space<vmem>> -> memref<1x128x128xf32, #tpu.memory_space<vmem>>
        %dma_wait3A_42 = tpu.memref_squeeze %dma_wait3A_41 : memref<1x128x128xf32, #tpu.memory_space<vmem>> -> memref<128x128xf32, #tpu.memory_space<vmem>>
        %dma_wait3A_43 = arith.constant 0 : i32
        %dma_wait3A_44 = tpu.memref_slice %arg9[%add3A_27, %dma_wait3A_43] : memref<10240x128xf32, #tpu.memory_space<vmem_shared>> -> memref<128x128xf32, #tpu.memory_space<vmem_shared>>
        %dma_wait3A_45 = arith.constant 0 : i32
        %dma_wait3A_46 = tpu.memref_slice %arg9[%add3A_27, %dma_wait3A_45] : memref<10240x128xf32, #tpu.memory_space<vmem_shared>> -> memref<128x128xf32, #tpu.memory_space<vmem_shared>>
        %dma_wait3A_47 = arith.constant 0 : i32
        %dma_wait3A_48 = arith.constant 0 : i32
        %dma_wait3A_49 = tpu.memref_slice %arg8[%run_scoped3A, %dma_wait3A_47, %dma_wait3A_48] : memref<2x128x128xf32, #tpu.memory_space<vmem>> -> memref<1x128x128xf32, #tpu.memory_space<vmem>>
        %dma_wait3A_50 = tpu.memref_squeeze %dma_wait3A_49 : memref<1x128x128xf32, #tpu.memory_space<vmem>> -> memref<128x128xf32, #tpu.memory_space<vmem>>
        tpu.wait_dma2 semaphore(%run_scoped3A_28 : memref<!tpu.dma_semaphore, #tpu.memory_space<semaphore_mem>>) src(%dma_wait3A_50 : memref<128x128xf32, #tpu.memory_space<vmem>>) dst(%dma_wait3A_46 : memref<128x128xf32, #tpu.memory_space<vmem_shared>>)
        tpu.yield
      }) : () -> ()
    }
    %scan3A_11 = arith.constant 5 : i32
    %barrier3A = arith.constant 0 : index
    tpu.barrier barrier_id(%barrier3A)
    %scan3A_12 = arith.constant 0 : i32
    %scan3A_13 = arith.constant 2 : i32
    %scan3A_14 = arith.addi %scan3A_12, %scan3A_13 : i32
    %scan3A_15 = arith.constant 1 : i32
    scf.for %scan3A_18 = %scan3A_12 to %scan3A_14 step %scan3A_15  : i32 {
      %mul3A_19 = arith.constant 1 : i32
      %mul3A_20 = arith.muli %scan3A_18, %mul3A_19 : i32
      %add3A_21 = arith.constant 0 : i32
      %add3A_22 = arith.addi %add3A_21, %mul3A_20 : i32
      %mul3A_23 = arith.constant 80 : i32
      %mul3A_24 = arith.muli %add3A, %mul3A_23 : i32
      %mul3A_25 = arith.constant 40 : i32
      %mul3A_26 = arith.muli %add3A_22, %mul3A_25 : i32
      %add3A_27 = arith.addi %mul3A_24, %mul3A_26 : i32
      %multiple_of3A = tpu.assume_multiple %add3A_27, 8 : i32
      "tpu.region"() ({
        %run_scoped3A_94 = tpu.sem_alloc : memref<!tpu.dma_semaphore, #tpu.memory_space<semaphore_mem>>
        %dma_start3A_95 = arith.constant 0 : i32
        %dma_start3A_96 = tpu.memref_slice %arg3[%multiple_of3A, %dma_start3A_95] : memref<2600x128xi32, #tpu.memory_space<hbm>> -> memref<40x128xi32, #tpu.memory_space<hbm>>
        %dma_start3A_97 = arith.constant 0 : i32
        %dma_start3A_98 = tpu.memref_slice %arg3[%multiple_of3A, %dma_start3A_97] : memref<2600x128xi32, #tpu.memory_space<hbm>> -> memref<40x128xi32, #tpu.memory_space<hbm>>
        tpu.enqueue_dma source(%dma_start3A_98 : memref<40x128xi32, #tpu.memory_space<hbm>>) target(%arg6 : memref<40x128xi32, #tpu.memory_space<vmem>>) target_semaphore(%run_scoped3A_94 : memref<!tpu.dma_semaphore, #tpu.memory_space<semaphore_mem>>)
        %dma_wait3A_99 = arith.constant 0 : i32
        %dma_wait3A_100 = tpu.memref_slice %arg3[%multiple_of3A, %dma_wait3A_99] : memref<2600x128xi32, #tpu.memory_space<hbm>> -> memref<40x128xi32, #tpu.memory_space<hbm>>
        %dma_wait3A_101 = arith.constant 0 : i32
        %dma_wait3A_102 = tpu.memref_slice %arg3[%multiple_of3A, %dma_wait3A_101] : memref<2600x128xi32, #tpu.memory_space<hbm>> -> memref<40x128xi32, #tpu.memory_space<hbm>>
        tpu.wait_dma2 semaphore(%run_scoped3A_94 : memref<!tpu.dma_semaphore, #tpu.memory_space<semaphore_mem>>) src(%dma_wait3A_102 : memref<40x128xi32, #tpu.memory_space<hbm>>) dst(%arg6 : memref<40x128xi32, #tpu.memory_space<vmem>>)
        tpu.yield
      }) : () -> ()
      "tpu.region"() ({
        %run_scoped3A_94 = tpu.sem_alloc : memref<!tpu.dma_semaphore, #tpu.memory_space<semaphore_mem>>
        %dma_start3A_95 = arith.constant 0 : i32
        %dma_start3A_96 = tpu.memref_slice %arg4[%multiple_of3A, %dma_start3A_95] : memref<2600x128xi32, #tpu.memory_space<hbm>> -> memref<40x128xi32, #tpu.memory_space<hbm>>
        %dma_start3A_97 = arith.constant 0 : i32
        %dma_start3A_98 = tpu.memref_slice %arg4[%multiple_of3A, %dma_start3A_97] : memref<2600x128xi32, #tpu.memory_space<hbm>> -> memref<40x128xi32, #tpu.memory_space<hbm>>
        tpu.enqueue_dma source(%dma_start3A_98 : memref<40x128xi32, #tpu.memory_space<hbm>>) target(%arg7 : memref<40x128xi32, #tpu.memory_space<vmem>>) target_semaphore(%run_scoped3A_94 : memref<!tpu.dma_semaphore, #tpu.memory_space<semaphore_mem>>)
        %dma_wait3A_99 = arith.constant 0 : i32
        %dma_wait3A_100 = tpu.memref_slice %arg4[%multiple_of3A, %dma_wait3A_99] : memref<2600x128xi32, #tpu.memory_space<hbm>> -> memref<40x128xi32, #tpu.memory_space<hbm>>
        %dma_wait3A_101 = arith.constant 0 : i32
        %dma_wait3A_102 = tpu.memref_slice %arg4[%multiple_of3A, %dma_wait3A_101] : memref<2600x128xi32, #tpu.memory_space<hbm>> -> memref<40x128xi32, #tpu.memory_space<hbm>>
        tpu.wait_dma2 semaphore(%run_scoped3A_94 : memref<!tpu.dma_semaphore, #tpu.memory_space<semaphore_mem>>) src(%dma_wait3A_102 : memref<40x128xi32, #tpu.memory_space<hbm>>) dst(%arg7 : memref<40x128xi32, #tpu.memory_space<vmem>>)
        tpu.yield
      }) : () -> ()
      %dma_start3A = arith.constant 0 : i32
      %dma_start3A_28 = arith.constant 0 : i32
      %dma_start3A_29 = arith.constant 0 : i32
      %dma_start3A_30 = arith.constant 0 : i32
      %dma_start3A_31 = arith.constant 0 : i32
      %dma_start3A_32 = tpu.memref_slice %arg8[%dma_start3A_28, %dma_start3A_30, %dma_start3A_31] : memref<2x128x128xf32, #tpu.memory_space<vmem>> -> memref<1x128x128xf32, #tpu.memory_space<vmem>>
      %dma_start3A_33 = tpu.memref_squeeze %dma_start3A_32 : memref<1x128x128xf32, #tpu.memory_space<vmem>> -> memref<128x128xf32, #tpu.memory_space<vmem>>
      %dma_start3A_34 = arith.constant 0 : i32
      %dma_start3A_35 = tpu.memref_slice %arg6[%dma_start3A, %dma_start3A_34] : memref<40x128xi32, #tpu.memory_space<vmem>> -> memref<1x128xi32, #tpu.memory_space<vmem>>
      %dma_start3A_36 = tpu.memref_squeeze %dma_start3A_35 : memref<1x128xi32, #tpu.memory_space<vmem>> -> memref<128xi32, #tpu.memory_space<vmem>>
      %dma_start3A_37 = arith.constant 0 : i32
      %dma_start3A_38 = arith.constant 0 : i32
      %dma_start3A_39 = tpu.memref_slice %arg2[%dma_start3A_37, %dma_start3A_38] : memref<10240x128xf32, #tpu.memory_space<hbm>> -> memref<10240x128xf32, #tpu.memory_space<hbm>>
      %dma_start3A_40 = tpu.memref_slice %arg10[%dma_start3A_29] : memref<2x!tpu.dma_semaphore, #tpu.memory_space<semaphore_mem>> -> memref<1x!tpu.dma_semaphore, #tpu.memory_space<semaphore_mem>>
      %dma_start3A_41 = tpu.memref_squeeze %dma_start3A_40 : memref<1x!tpu.dma_semaphore, #tpu.memory_space<semaphore_mem>> -> memref<!tpu.dma_semaphore, #tpu.memory_space<semaphore_mem>>
      tpu.enqueue_indirect_dma source(%dma_start3A_39 : memref<10240x128xf32, #tpu.memory_space<hbm>>) target(%dma_start3A_33 : memref<128x128xf32, #tpu.memory_space<vmem>>) offsets(%dma_start3A_36 : memref<128xi32, #tpu.memory_space<vmem>>) semaphore(%dma_start3A_41 : memref<!tpu.dma_semaphore, #tpu.memory_space<semaphore_mem>>)
      %dma_start3A_42 = arith.constant 1 : i32
      %dma_start3A_43 = arith.constant 1 : i32
      %dma_start3A_44 = arith.constant 1 : i32
      %dma_start3A_45 = arith.constant 0 : i32
      %dma_start3A_46 = arith.constant 0 : i32
      %dma_start3A_47 = tpu.memref_slice %arg8[%dma_start3A_43, %dma_start3A_45, %dma_start3A_46] : memref<2x128x128xf32, #tpu.memory_space<vmem>> -> memref<1x128x128xf32, #tpu.memory_space<vmem>>
      %dma_start3A_48 = tpu.memref_squeeze %dma_start3A_47 : memref<1x128x128xf32, #tpu.memory_space<vmem>> -> memref<128x128xf32, #tpu.memory_space<vmem>>
      %dma_start3A_49 = arith.constant 0 : i32
      %dma_start3A_50 = tpu.memref_slice %arg6[%dma_start3A_42, %dma_start3A_49] : memref<40x128xi32, #tpu.memory_space<vmem>> -> memref<1x128xi32, #tpu.memory_space<vmem>>
      %dma_start3A_51 = tpu.memref_squeeze %dma_start3A_50 : memref<1x128xi32, #tpu.memory_space<vmem>> -> memref<128xi32, #tpu.memory_space<vmem>>
      %dma_start3A_52 = arith.constant 0 : i32
      %dma_start3A_53 = arith.constant 0 : i32
      %dma_start3A_54 = tpu.memref_slice %arg2[%dma_start3A_52, %dma_start3A_53] : memref<10240x128xf32, #tpu.memory_space<hbm>> -> memref<10240x128xf32, #tpu.memory_space<hbm>>
      %dma_start3A_55 = tpu.memref_slice %arg10[%dma_start3A_44] : memref<2x!tpu.dma_semaphore, #tpu.memory_space<semaphore_mem>> -> memref<1x!tpu.dma_semaphore, #tpu.memory_space<semaphore_mem>>
      %dma_start3A_56 = tpu.memref_squeeze %dma_start3A_55 : memref<1x!tpu.dma_semaphore, #tpu.memory_space<semaphore_mem>> -> memref<!tpu.dma_semaphore, #tpu.memory_space<semaphore_mem>>
      tpu.enqueue_indirect_dma source(%dma_start3A_54 : memref<10240x128xf32, #tpu.memory_space<hbm>>) target(%dma_start3A_48 : memref<128x128xf32, #tpu.memory_space<vmem>>) offsets(%dma_start3A_51 : memref<128xi32, #tpu.memory_space<vmem>>) semaphore(%dma_start3A_56 : memref<!tpu.dma_semaphore, #tpu.memory_space<semaphore_mem>>)
      %scan3A_57 = arith.constant 0 : i32
      %scan3A_58 = arith.constant 19 : i32
      %scan3A_59 = arith.addi %scan3A_57, %scan3A_58 : i32
      %scan3A_60 = arith.constant 1 : i32
      scf.for %scan3A_94 = %scan3A_57 to %scan3A_59 step %scan3A_60  : i32 {
        %mul3A_95 = arith.constant 1 : i32
        %mul3A_96 = arith.muli %scan3A_94, %mul3A_95 : i32
        %add3A_97 = arith.constant 0 : i32
        %add3A_98 = arith.addi %add3A_97, %mul3A_96 : i32
        %mul3A_99 = arith.constant 2 : i32
        %mul3A_100 = arith.muli %add3A_98, %mul3A_99 : i32
        %add3A_101 = arith.constant 0 : i32
        %add3A_102 = arith.addi %mul3A_100, %add3A_101 : i32
        %dma_wait3A_103 = arith.constant 0 : i32
        %dma_wait3A_104 = arith.constant 0 : i32
        %dma_wait3A_105 = arith.constant 0 : i32
        %dma_wait3A_106 = arith.constant 0 : i32
        %dma_wait3A_107 = tpu.memref_slice %arg8[%dma_wait3A_103, %dma_wait3A_105, %dma_wait3A_106] : memref<2x128x128xf32, #tpu.memory_space<vmem>> -> memref<1x128x128xf32, #tpu.memory_space<vmem>>
        %dma_wait3A_108 = tpu.memref_squeeze %dma_wait3A_107 : memref<1x128x128xf32, #tpu.memory_space<vmem>> -> memref<128x128xf32, #tpu.memory_space<vmem>>
        %dma_wait3A_109 = arith.constant 0 : i32
        %dma_wait3A_110 = tpu.memref_slice %arg6[%add3A_102, %dma_wait3A_109] : memref<40x128xi32, #tpu.memory_space<vmem>> -> memref<1x128xi32, #tpu.memory_space<vmem>>
        %dma_wait3A_111 = tpu.memref_squeeze %dma_wait3A_110 : memref<1x128xi32, #tpu.memory_space<vmem>> -> memref<128xi32, #tpu.memory_space<vmem>>
        %dma_wait3A_112 = arith.constant 0 : i32
        %dma_wait3A_113 = arith.constant 0 : i32
        %dma_wait3A_114 = tpu.memref_slice %arg2[%dma_wait3A_112, %dma_wait3A_113] : memref<10240x128xf32, #tpu.memory_space<hbm>> -> memref<10240x128xf32, #tpu.memory_space<hbm>>
        %dma_wait3A_115 = tpu.memref_slice %arg10[%dma_wait3A_104] : memref<2x!tpu.dma_semaphore, #tpu.memory_space<semaphore_mem>> -> memref<1x!tpu.dma_semaphore, #tpu.memory_space<semaphore_mem>>
        %dma_wait3A_116 = tpu.memref_squeeze %dma_wait3A_115 : memref<1x!tpu.dma_semaphore, #tpu.memory_space<semaphore_mem>> -> memref<!tpu.dma_semaphore, #tpu.memory_space<semaphore_mem>>
        tpu.wait_indirect_dma semaphore(%dma_wait3A_116 : memref<!tpu.dma_semaphore, #tpu.memory_space<semaphore_mem>>) src(%dma_wait3A_114 : memref<10240x128xf32, #tpu.memory_space<hbm>>) dst(%dma_wait3A_108 : memref<128x128xf32, #tpu.memory_space<vmem>>)
        %run_scoped3A_117 = arith.constant 0 : i32
        "tpu.region"() ({
          %run_scoped3A_169 = tpu.sem_alloc : memref<!tpu.dma_semaphore, #tpu.memory_space<semaphore_mem>>
          %dma_start3A_170 = arith.constant 0 : i32
          %dma_start3A_171 = arith.constant 0 : i32
          %dma_start3A_172 = tpu.memref_slice %arg8[%run_scoped3A_117, %dma_start3A_170, %dma_start3A_171] : memref<2x128x128xf32, #tpu.memory_space<vmem>> -> memref<1x128x128xf32, #tpu.memory_space<vmem>>
          %dma_start3A_173 = tpu.memref_squeeze %dma_start3A_172 : memref<1x128x128xf32, #tpu.memory_space<vmem>> -> memref<128x128xf32, #tpu.memory_space<vmem>>
          %dma_start3A_174 = arith.constant 0 : i32
          %dma_start3A_175 = tpu.memref_slice %arg7[%add3A_102, %dma_start3A_174] : memref<40x128xi32, #tpu.memory_space<vmem>> -> memref<1x128xi32, #tpu.memory_space<vmem>>
          %dma_start3A_176 = tpu.memref_squeeze %dma_start3A_175 : memref<1x128xi32, #tpu.memory_space<vmem>> -> memref<128xi32, #tpu.memory_space<vmem>>
          %dma_start3A_177 = arith.constant 0 : i32
          %dma_start3A_178 = arith.constant 0 : i32
          %dma_start3A_179 = tpu.memref_slice %arg9[%dma_start3A_177, %dma_start3A_178] : memref<10240x128xf32, #tpu.memory_space<vmem_shared>> -> memref<10240x128xf32, #tpu.memory_space<vmem_shared>>
          tpu.enqueue_indirect_dma source(%dma_start3A_173 : memref<128x128xf32, #tpu.memory_space<vmem>>) target(%dma_start3A_179 : memref<10240x128xf32, #tpu.memory_space<vmem_shared>>) offsets(%dma_start3A_176 : memref<128xi32, #tpu.memory_space<vmem>>) semaphore(%run_scoped3A_169 : memref<!tpu.dma_semaphore, #tpu.memory_space<semaphore_mem>>) {add = true}
          %dma_wait3A_180 = arith.constant 0 : i32
          %dma_wait3A_181 = arith.constant 0 : i32
          %dma_wait3A_182 = tpu.memref_slice %arg8[%run_scoped3A_117, %dma_wait3A_180, %dma_wait3A_181] : memref<2x128x128xf32, #tpu.memory_space<vmem>> -> memref<1x128x128xf32, #tpu.memory_space<vmem>>
          %dma_wait3A_183 = tpu.memref_squeeze %dma_wait3A_182 : memref<1x128x128xf32, #tpu.memory_space<vmem>> -> memref<128x128xf32, #tpu.memory_space<vmem>>
          %dma_wait3A_184 = arith.constant 0 : i32
          %dma_wait3A_185 = tpu.memref_slice %arg7[%add3A_102, %dma_wait3A_184] : memref<40x128xi32, #tpu.memory_space<vmem>> -> memref<1x128xi32, #tpu.memory_space<vmem>>
          %dma_wait3A_186 = tpu.memref_squeeze %dma_wait3A_185 : memref<1x128xi32, #tpu.memory_space<vmem>> -> memref<128xi32, #tpu.memory_space<vmem>>
          %dma_wait3A_187 = arith.constant 0 : i32
          %dma_wait3A_188 = arith.constant 0 : i32
          %dma_wait3A_189 = tpu.memref_slice %arg9[%dma_wait3A_187, %dma_wait3A_188] : memref<10240x128xf32, #tpu.memory_space<vmem_shared>> -> memref<10240x128xf32, #tpu.memory_space<vmem_shared>>
          tpu.wait_indirect_dma semaphore(%run_scoped3A_169 : memref<!tpu.dma_semaphore, #tpu.memory_space<semaphore_mem>>) src(%dma_wait3A_183 : memref<128x128xf32, #tpu.memory_space<vmem>>) dst(%dma_wait3A_189 : memref<10240x128xf32, #tpu.memory_space<vmem_shared>>)
          tpu.yield
        }) : () -> ()
        %add3A_118 = arith.constant 2 : i32
        %add3A_119 = arith.addi %add3A_102, %add3A_118 : i32
        %dma_start3A_120 = arith.constant 0 : i32
        %dma_start3A_121 = arith.constant 0 : i32
        %dma_start3A_122 = arith.constant 0 : i32
        %dma_start3A_123 = arith.constant 0 : i32
        %dma_start3A_124 = tpu.memref_slice %arg8[%dma_start3A_120, %dma_start3A_122, %dma_start3A_123] : memref<2x128x128xf32, #tpu.memory_space<vmem>> -> memref<1x128x128xf32, #tpu.memory_space<vmem>>
        %dma_start3A_125 = tpu.memref_squeeze %dma_start3A_124 : memref<1x128x128xf32, #tpu.memory_space<vmem>> -> memref<128x128xf32, #tpu.memory_space<vmem>>
        %dma_start3A_126 = arith.constant 0 : i32
        %dma_start3A_127 = tpu.memref_slice %arg6[%add3A_119, %dma_start3A_126] : memref<40x128xi32, #tpu.memory_space<vmem>> -> memref<1x128xi32, #tpu.memory_space<vmem>>
        %dma_start3A_128 = tpu.memref_squeeze %dma_start3A_127 : memref<1x128xi32, #tpu.memory_space<vmem>> -> memref<128xi32, #tpu.memory_space<vmem>>
        %dma_start3A_129 = arith.constant 0 : i32
        %dma_start3A_130 = arith.constant 0 : i32
        %dma_start3A_131 = tpu.memref_slice %arg2[%dma_start3A_129, %dma_start3A_130] : memref<10240x128xf32, #tpu.memory_space<hbm>> -> memref<10240x128xf32, #tpu.memory_space<hbm>>
        %dma_start3A_132 = tpu.memref_slice %arg10[%dma_start3A_121] : memref<2x!tpu.dma_semaphore, #tpu.memory_space<semaphore_mem>> -> memref<1x!tpu.dma_semaphore, #tpu.memory_space<semaphore_mem>>
        %dma_start3A_133 = tpu.memref_squeeze %dma_start3A_132 : memref<1x!tpu.dma_semaphore, #tpu.memory_space<semaphore_mem>> -> memref<!tpu.dma_semaphore, #tpu.memory_space<semaphore_mem>>
        tpu.enqueue_indirect_dma source(%dma_start3A_131 : memref<10240x128xf32, #tpu.memory_space<hbm>>) target(%dma_start3A_125 : memref<128x128xf32, #tpu.memory_space<vmem>>) offsets(%dma_start3A_128 : memref<128xi32, #tpu.memory_space<vmem>>) semaphore(%dma_start3A_133 : memref<!tpu.dma_semaphore, #tpu.memory_space<semaphore_mem>>)
        %mul3A_134 = arith.constant 2 : i32
        %mul3A_135 = arith.muli %add3A_98, %mul3A_134 : i32
        %add3A_136 = arith.constant 1 : i32
        %add3A_137 = arith.addi %mul3A_135, %add3A_136 : i32
        %dma_wait3A_138 = arith.constant 1 : i32
        %dma_wait3A_139 = arith.constant 1 : i32
        %dma_wait3A_140 = arith.constant 0 : i32
        %dma_wait3A_141 = arith.constant 0 : i32
        %dma_wait3A_142 = tpu.memref_slice %arg8[%dma_wait3A_138, %dma_wait3A_140, %dma_wait3A_141] : memref<2x128x128xf32, #tpu.memory_space<vmem>> -> memref<1x128x128xf32, #tpu.memory_space<vmem>>
        %dma_wait3A_143 = tpu.memref_squeeze %dma_wait3A_142 : memref<1x128x128xf32, #tpu.memory_space<vmem>> -> memref<128x128xf32, #tpu.memory_space<vmem>>
        %dma_wait3A_144 = arith.constant 0 : i32
        %dma_wait3A_145 = tpu.memref_slice %arg6[%add3A_137, %dma_wait3A_144] : memref<40x128xi32, #tpu.memory_space<vmem>> -> memref<1x128xi32, #tpu.memory_space<vmem>>
        %dma_wait3A_146 = tpu.memref_squeeze %dma_wait3A_145 : memref<1x128xi32, #tpu.memory_space<vmem>> -> memref<128xi32, #tpu.memory_space<vmem>>
        %dma_wait3A_147 = arith.constant 0 : i32
        %dma_wait3A_148 = arith.constant 0 : i32
        %dma_wait3A_149 = tpu.memref_slice %arg2[%dma_wait3A_147, %dma_wait3A_148] : memref<10240x128xf32, #tpu.memory_space<hbm>> -> memref<10240x128xf32, #tpu.memory_space<hbm>>
        %dma_wait3A_150 = tpu.memref_slice %arg10[%dma_wait3A_139] : memref<2x!tpu.dma_semaphore, #tpu.memory_space<semaphore_mem>> -> memref<1x!tpu.dma_semaphore, #tpu.memory_space<semaphore_mem>>
        %dma_wait3A_151 = tpu.memref_squeeze %dma_wait3A_150 : memref<1x!tpu.dma_semaphore, #tpu.memory_space<semaphore_mem>> -> memref<!tpu.dma_semaphore, #tpu.memory_space<semaphore_mem>>
        tpu.wait_indirect_dma semaphore(%dma_wait3A_151 : memref<!tpu.dma_semaphore, #tpu.memory_space<semaphore_mem>>) src(%dma_wait3A_149 : memref<10240x128xf32, #tpu.memory_space<hbm>>) dst(%dma_wait3A_143 : memref<128x128xf32, #tpu.memory_space<vmem>>)
        %run_scoped3A_152 = arith.constant 1 : i32
        "tpu.region"() ({
          %run_scoped3A_169 = tpu.sem_alloc : memref<!tpu.dma_semaphore, #tpu.memory_space<semaphore_mem>>
          %dma_start3A_170 = arith.constant 0 : i32
          %dma_start3A_171 = arith.constant 0 : i32
          %dma_start3A_172 = tpu.memref_slice %arg8[%run_scoped3A_152, %dma_start3A_170, %dma_start3A_171] : memref<2x128x128xf32, #tpu.memory_space<vmem>> -> memref<1x128x128xf32, #tpu.memory_space<vmem>>
          %dma_start3A_173 = tpu.memref_squeeze %dma_start3A_172 : memref<1x128x128xf32, #tpu.memory_space<vmem>> -> memref<128x128xf32, #tpu.memory_space<vmem>>
          %dma_start3A_174 = arith.constant 0 : i32
          %dma_start3A_175 = tpu.memref_slice %arg7[%add3A_137, %dma_start3A_174] : memref<40x128xi32, #tpu.memory_space<vmem>> -> memref<1x128xi32, #tpu.memory_space<vmem>>
          %dma_start3A_176 = tpu.memref_squeeze %dma_start3A_175 : memref<1x128xi32, #tpu.memory_space<vmem>> -> memref<128xi32, #tpu.memory_space<vmem>>
          %dma_start3A_177 = arith.constant 0 : i32
          %dma_start3A_178 = arith.constant 0 : i32
          %dma_start3A_179 = tpu.memref_slice %arg9[%dma_start3A_177, %dma_start3A_178] : memref<10240x128xf32, #tpu.memory_space<vmem_shared>> -> memref<10240x128xf32, #tpu.memory_space<vmem_shared>>
          tpu.enqueue_indirect_dma source(%dma_start3A_173 : memref<128x128xf32, #tpu.memory_space<vmem>>) target(%dma_start3A_179 : memref<10240x128xf32, #tpu.memory_space<vmem_shared>>) offsets(%dma_start3A_176 : memref<128xi32, #tpu.memory_space<vmem>>) semaphore(%run_scoped3A_169 : memref<!tpu.dma_semaphore, #tpu.memory_space<semaphore_mem>>) {add = true}
          %dma_wait3A_180 = arith.constant 0 : i32
          %dma_wait3A_181 = arith.constant 0 : i32
          %dma_wait3A_182 = tpu.memref_slice %arg8[%run_scoped3A_152, %dma_wait3A_180, %dma_wait3A_181] : memref<2x128x128xf32, #tpu.memory_space<vmem>> -> memref<1x128x128xf32, #tpu.memory_space<vmem>>
          %dma_wait3A_183 = tpu.memref_squeeze %dma_wait3A_182 : memref<1x128x128xf32, #tpu.memory_space<vmem>> -> memref<128x128xf32, #tpu.memory_space<vmem>>
          %dma_wait3A_184 = arith.constant 0 : i32
          %dma_wait3A_185 = tpu.memref_slice %arg7[%add3A_137, %dma_wait3A_184] : memref<40x128xi32, #tpu.memory_space<vmem>> -> memref<1x128xi32, #tpu.memory_space<vmem>>
          %dma_wait3A_186 = tpu.memref_squeeze %dma_wait3A_185 : memref<1x128xi32, #tpu.memory_space<vmem>> -> memref<128xi32, #tpu.memory_space<vmem>>
          %dma_wait3A_187 = arith.constant 0 : i32
          %dma_wait3A_188 = arith.constant 0 : i32
          %dma_wait3A_189 = tpu.memref_slice %arg9[%dma_wait3A_187, %dma_wait3A_188] : memref<10240x128xf32, #tpu.memory_space<vmem_shared>> -> memref<10240x128xf32, #tpu.memory_space<vmem_shared>>
          tpu.wait_indirect_dma semaphore(%run_scoped3A_169 : memref<!tpu.dma_semaphore, #tpu.memory_space<semaphore_mem>>) src(%dma_wait3A_183 : memref<128x128xf32, #tpu.memory_space<vmem>>) dst(%dma_wait3A_189 : memref<10240x128xf32, #tpu.memory_space<vmem_shared>>)
          tpu.yield
        }) : () -> ()
        %add3A_153 = arith.constant 2 : i32
        %add3A_154 = arith.addi %add3A_137, %add3A_153 : i32
        %dma_start3A_155 = arith.constant 1 : i32
        %dma_start3A_156 = arith.constant 1 : i32
        %dma_start3A_157 = arith.constant 0 : i32
        %dma_start3A_158 = arith.constant 0 : i32
        %dma_start3A_159 = tpu.memref_slice %arg8[%dma_start3A_155, %dma_start3A_157, %dma_start3A_158] : memref<2x128x128xf32, #tpu.memory_space<vmem>> -> memref<1x128x128xf32, #tpu.memory_space<vmem>>
        %dma_start3A_160 = tpu.memref_squeeze %dma_start3A_159 : memref<1x128x128xf32, #tpu.memory_space<vmem>> -> memref<128x128xf32, #tpu.memory_space<vmem>>
        %dma_start3A_161 = arith.constant 0 : i32
        %dma_start3A_162 = tpu.memref_slice %arg6[%add3A_154, %dma_start3A_161] : memref<40x128xi32, #tpu.memory_space<vmem>> -> memref<1x128xi32, #tpu.memory_space<vmem>>
        %dma_start3A_163 = tpu.memref_squeeze %dma_start3A_162 : memref<1x128xi32, #tpu.memory_space<vmem>> -> memref<128xi32, #tpu.memory_space<vmem>>
        %dma_start3A_164 = arith.constant 0 : i32
        %dma_start3A_165 = arith.constant 0 : i32
        %dma_start3A_166 = tpu.memref_slice %arg2[%dma_start3A_164, %dma_start3A_165] : memref<10240x128xf32, #tpu.memory_space<hbm>> -> memref<10240x128xf32, #tpu.memory_space<hbm>>
        %dma_start3A_167 = tpu.memref_slice %arg10[%dma_start3A_156] : memref<2x!tpu.dma_semaphore, #tpu.memory_space<semaphore_mem>> -> memref<1x!tpu.dma_semaphore, #tpu.memory_space<semaphore_mem>>
        %dma_start3A_168 = tpu.memref_squeeze %dma_start3A_167 : memref<1x!tpu.dma_semaphore, #tpu.memory_space<semaphore_mem>> -> memref<!tpu.dma_semaphore, #tpu.memory_space<semaphore_mem>>
        tpu.enqueue_indirect_dma source(%dma_start3A_166 : memref<10240x128xf32, #tpu.memory_space<hbm>>) target(%dma_start3A_160 : memref<128x128xf32, #tpu.memory_space<vmem>>) offsets(%dma_start3A_163 : memref<128xi32, #tpu.memory_space<vmem>>) semaphore(%dma_start3A_168 : memref<!tpu.dma_semaphore, #tpu.memory_space<semaphore_mem>>)
      }
      %scan3A_61 = arith.constant 19 : i32
      %dma_wait3A = arith.constant 38 : i32
      %dma_wait3A_62 = arith.constant 0 : i32
      %dma_wait3A_63 = arith.constant 0 : i32
      %dma_wait3A_64 = arith.constant 0 : i32
      %dma_wait3A_65 = arith.constant 0 : i32
      %dma_wait3A_66 = tpu.memref_slice %arg8[%dma_wait3A_62, %dma_wait3A_64, %dma_wait3A_65] : memref<2x128x128xf32, #tpu.memory_space<vmem>> -> memref<1x128x128xf32, #tpu.memory_space<vmem>>
      %dma_wait3A_67 = tpu.memref_squeeze %dma_wait3A_66 : memref<1x128x128xf32, #tpu.memory_space<vmem>> -> memref<128x128xf32, #tpu.memory_space<vmem>>
      %dma_wait3A_68 = arith.constant 0 : i32
      %dma_wait3A_69 = tpu.memref_slice %arg6[%dma_wait3A, %dma_wait3A_68] : memref<40x128xi32, #tpu.memory_space<vmem>> -> memref<1x128xi32, #tpu.memory_space<vmem>>
      %dma_wait3A_70 = tpu.memref_squeeze %dma_wait3A_69 : memref<1x128xi32, #tpu.memory_space<vmem>> -> memref<128xi32, #tpu.memory_space<vmem>>
      %dma_wait3A_71 = arith.constant 0 : i32
      %dma_wait3A_72 = arith.constant 0 : i32
      %dma_wait3A_73 = tpu.memref_slice %arg2[%dma_wait3A_71, %dma_wait3A_72] : memref<10240x128xf32, #tpu.memory_space<hbm>> -> memref<10240x128xf32, #tpu.memory_space<hbm>>
      %dma_wait3A_74 = tpu.memref_slice %arg10[%dma_wait3A_63] : memref<2x!tpu.dma_semaphore, #tpu.memory_space<semaphore_mem>> -> memref<1x!tpu.dma_semaphore, #tpu.memory_space<semaphore_mem>>
      %dma_wait3A_75 = tpu.memref_squeeze %dma_wait3A_74 : memref<1x!tpu.dma_semaphore, #tpu.memory_space<semaphore_mem>> -> memref<!tpu.dma_semaphore, #tpu.memory_space<semaphore_mem>>
      tpu.wait_indirect_dma semaphore(%dma_wait3A_75 : memref<!tpu.dma_semaphore, #tpu.memory_space<semaphore_mem>>) src(%dma_wait3A_73 : memref<10240x128xf32, #tpu.memory_space<hbm>>) dst(%dma_wait3A_67 : memref<128x128xf32, #tpu.memory_space<vmem>>)
      %run_scoped3A = arith.constant 0 : i32
      %run_scoped3A_76 = arith.constant 38 : i32
      "tpu.region"() ({
        %run_scoped3A_94 = tpu.sem_alloc : memref<!tpu.dma_semaphore, #tpu.memory_space<semaphore_mem>>
        %dma_start3A_95 = arith.constant 0 : i32
        %dma_start3A_96 = arith.constant 0 : i32
        %dma_start3A_97 = tpu.memref_slice %arg8[%run_scoped3A, %dma_start3A_95, %dma_start3A_96] : memref<2x128x128xf32, #tpu.memory_space<vmem>> -> memref<1x128x128xf32, #tpu.memory_space<vmem>>
        %dma_start3A_98 = tpu.memref_squeeze %dma_start3A_97 : memref<1x128x128xf32, #tpu.memory_space<vmem>> -> memref<128x128xf32, #tpu.memory_space<vmem>>
        %dma_start3A_99 = arith.constant 0 : i32
        %dma_start3A_100 = tpu.memref_slice %arg7[%run_scoped3A_76, %dma_start3A_99] : memref<40x128xi32, #tpu.memory_space<vmem>> -> memref<1x128xi32, #tpu.memory_space<vmem>>
        %dma_start3A_101 = tpu.memref_squeeze %dma_start3A_100 : memref<1x128xi32, #tpu.memory_space<vmem>> -> memref<128xi32, #tpu.memory_space<vmem>>
        %dma_start3A_102 = arith.constant 0 : i32
        %dma_start3A_103 = arith.constant 0 : i32
        %dma_start3A_104 = tpu.memref_slice %arg9[%dma_start3A_102, %dma_start3A_103] : memref<10240x128xf32, #tpu.memory_space<vmem_shared>> -> memref<10240x128xf32, #tpu.memory_space<vmem_shared>>
        tpu.enqueue_indirect_dma source(%dma_start3A_98 : memref<128x128xf32, #tpu.memory_space<vmem>>) target(%dma_start3A_104 : memref<10240x128xf32, #tpu.memory_space<vmem_shared>>) offsets(%dma_start3A_101 : memref<128xi32, #tpu.memory_space<vmem>>) semaphore(%run_scoped3A_94 : memref<!tpu.dma_semaphore, #tpu.memory_space<semaphore_mem>>) {add = true}
        %dma_wait3A_105 = arith.constant 0 : i32
        %dma_wait3A_106 = arith.constant 0 : i32
        %dma_wait3A_107 = tpu.memref_slice %arg8[%run_scoped3A, %dma_wait3A_105, %dma_wait3A_106] : memref<2x128x128xf32, #tpu.memory_space<vmem>> -> memref<1x128x128xf32, #tpu.memory_space<vmem>>
        %dma_wait3A_108 = tpu.memref_squeeze %dma_wait3A_107 : memref<1x128x128xf32, #tpu.memory_space<vmem>> -> memref<128x128xf32, #tpu.memory_space<vmem>>
        %dma_wait3A_109 = arith.constant 0 : i32
        %dma_wait3A_110 = tpu.memref_slice %arg7[%run_scoped3A_76, %dma_wait3A_109] : memref<40x128xi32, #tpu.memory_space<vmem>> -> memref<1x128xi32, #tpu.memory_space<vmem>>
        %dma_wait3A_111 = tpu.memref_squeeze %dma_wait3A_110 : memref<1x128xi32, #tpu.memory_space<vmem>> -> memref<128xi32, #tpu.memory_space<vmem>>
        %dma_wait3A_112 = arith.constant 0 : i32
        %dma_wait3A_113 = arith.constant 0 : i32
        %dma_wait3A_114 = tpu.memref_slice %arg9[%dma_wait3A_112, %dma_wait3A_113] : memref<10240x128xf32, #tpu.memory_space<vmem_shared>> -> memref<10240x128xf32, #tpu.memory_space<vmem_shared>>
        tpu.wait_indirect_dma semaphore(%run_scoped3A_94 : memref<!tpu.dma_semaphore, #tpu.memory_space<semaphore_mem>>) src(%dma_wait3A_108 : memref<128x128xf32, #tpu.memory_space<vmem>>) dst(%dma_wait3A_114 : memref<10240x128xf32, #tpu.memory_space<vmem_shared>>)
        tpu.yield
      }) : () -> ()
      %dma_wait3A_77 = arith.constant 39 : i32
      %dma_wait3A_78 = arith.constant 1 : i32
      %dma_wait3A_79 = arith.constant 1 : i32
      %dma_wait3A_80 = arith.constant 0 : i32
      %dma_wait3A_81 = arith.constant 0 : i32
      %dma_wait3A_82 = tpu.memref_slice %arg8[%dma_wait3A_78, %dma_wait3A_80, %dma_wait3A_81] : memref<2x128x128xf32, #tpu.memory_space<vmem>> -> memref<1x128x128xf32, #tpu.memory_space<vmem>>
      %dma_wait3A_83 = tpu.memref_squeeze %dma_wait3A_82 : memref<1x128x128xf32, #tpu.memory_space<vmem>> -> memref<128x128xf32, #tpu.memory_space<vmem>>
      %dma_wait3A_84 = arith.constant 0 : i32
      %dma_wait3A_85 = tpu.memref_slice %arg6[%dma_wait3A_77, %dma_wait3A_84] : memref<40x128xi32, #tpu.memory_space<vmem>> -> memref<1x128xi32, #tpu.memory_space<vmem>>
      %dma_wait3A_86 = tpu.memref_squeeze %dma_wait3A_85 : memref<1x128xi32, #tpu.memory_space<vmem>> -> memref<128xi32, #tpu.memory_space<vmem>>
      %dma_wait3A_87 = arith.constant 0 : i32
      %dma_wait3A_88 = arith.constant 0 : i32
      %dma_wait3A_89 = tpu.memref_slice %arg2[%dma_wait3A_87, %dma_wait3A_88] : memref<10240x128xf32, #tpu.memory_space<hbm>> -> memref<10240x128xf32, #tpu.memory_space<hbm>>
      %dma_wait3A_90 = tpu.memref_slice %arg10[%dma_wait3A_79] : memref<2x!tpu.dma_semaphore, #tpu.memory_space<semaphore_mem>> -> memref<1x!tpu.dma_semaphore, #tpu.memory_space<semaphore_mem>>
      %dma_wait3A_91 = tpu.memref_squeeze %dma_wait3A_90 : memref<1x!tpu.dma_semaphore, #tpu.memory_space<semaphore_mem>> -> memref<!tpu.dma_semaphore, #tpu.memory_space<semaphore_mem>>
      tpu.wait_indirect_dma semaphore(%dma_wait3A_91 : memref<!tpu.dma_semaphore, #tpu.memory_space<semaphore_mem>>) src(%dma_wait3A_89 : memref<10240x128xf32, #tpu.memory_space<hbm>>) dst(%dma_wait3A_83 : memref<128x128xf32, #tpu.memory_space<vmem>>)
      %run_scoped3A_92 = arith.constant 1 : i32
      %run_scoped3A_93 = arith.constant 39 : i32
      "tpu.region"() ({
        %run_scoped3A_94 = tpu.sem_alloc : memref<!tpu.dma_semaphore, #tpu.memory_space<semaphore_mem>>
        %dma_start3A_95 = arith.constant 0 : i32
        %dma_start3A_96 = arith.constant 0 : i32
        %dma_start3A_97 = tpu.memref_slice %arg8[%run_scoped3A_92, %dma_start3A_95, %dma_start3A_96] : memref<2x128x128xf32, #tpu.memory_space<vmem>> -> memref<1x128x128xf32, #tpu.memory_space<vmem>>
        %dma_start3A_98 = tpu.memref_squeeze %dma_start3A_97 : memref<1x128x128xf32, #tpu.memory_space<vmem>> -> memref<128x128xf32, #tpu.memory_space<vmem>>
        %dma_start3A_99 = arith.constant 0 : i32
        %dma_start3A_100 = tpu.memref_slice %arg7[%run_scoped3A_93, %dma_start3A_99] : memref<40x128xi32, #tpu.memory_space<vmem>> -> memref<1x128xi32, #tpu.memory_space<vmem>>
        %dma_start3A_101 = tpu.memref_squeeze %dma_start3A_100 : memref<1x128xi32, #tpu.memory_space<vmem>> -> memref<128xi32, #tpu.memory_space<vmem>>
        %dma_start3A_102 = arith.constant 0 : i32
        %dma_start3A_103 = arith.constant 0 : i32
        %dma_start3A_104 = tpu.memref_slice %arg9[%dma_start3A_102, %dma_start3A_103] : memref<10240x128xf32, #tpu.memory_space<vmem_shared>> -> memref<10240x128xf32, #tpu.memory_space<vmem_shared>>
        tpu.enqueue_indirect_dma source(%dma_start3A_98 : memref<128x128xf32, #tpu.memory_space<vmem>>) target(%dma_start3A_104 : memref<10240x128xf32, #tpu.memory_space<vmem_shared>>) offsets(%dma_start3A_101 : memref<128xi32, #tpu.memory_space<vmem>>) semaphore(%run_scoped3A_94 : memref<!tpu.dma_semaphore, #tpu.memory_space<semaphore_mem>>) {add = true}
        %dma_wait3A_105 = arith.constant 0 : i32
        %dma_wait3A_106 = arith.constant 0 : i32
        %dma_wait3A_107 = tpu.memref_slice %arg8[%run_scoped3A_92, %dma_wait3A_105, %dma_wait3A_106] : memref<2x128x128xf32, #tpu.memory_space<vmem>> -> memref<1x128x128xf32, #tpu.memory_space<vmem>>
        %dma_wait3A_108 = tpu.memref_squeeze %dma_wait3A_107 : memref<1x128x128xf32, #tpu.memory_space<vmem>> -> memref<128x128xf32, #tpu.memory_space<vmem>>
        %dma_wait3A_109 = arith.constant 0 : i32
        %dma_wait3A_110 = tpu.memref_slice %arg7[%run_scoped3A_93, %dma_wait3A_109] : memref<40x128xi32, #tpu.memory_space<vmem>> -> memref<1x128xi32, #tpu.memory_space<vmem>>
        %dma_wait3A_111 = tpu.memref_squeeze %dma_wait3A_110 : memref<1x128xi32, #tpu.memory_space<vmem>> -> memref<128xi32, #tpu.memory_space<vmem>>
        %dma_wait3A_112 = arith.constant 0 : i32
        %dma_wait3A_113 = arith.constant 0 : i32
        %dma_wait3A_114 = tpu.memref_slice %arg9[%dma_wait3A_112, %dma_wait3A_113] : memref<10240x128xf32, #tpu.memory_space<vmem_shared>> -> memref<10240x128xf32, #tpu.memory_space<vmem_shared>>
        tpu.wait_indirect_dma semaphore(%run_scoped3A_94 : memref<!tpu.dma_semaphore, #tpu.memory_space<semaphore_mem>>) src(%dma_wait3A_108 : memref<128x128xf32, #tpu.memory_space<vmem>>) dst(%dma_wait3A_114 : memref<10240x128xf32, #tpu.memory_space<vmem_shared>>)
        tpu.yield
      }) : () -> ()
    }
    %scan3A_16 = arith.constant 2 : i32
    %barrier3A_17 = arith.constant 0 : index
    tpu.barrier barrier_id(%barrier3A_17)
    "tpu.region"() ({
      %run_scoped3A = tpu.sem_alloc : memref<!tpu.dma_semaphore, #tpu.memory_space<semaphore_mem>>
      %dma_start3A = arith.constant 0 : i32
      %dma_start3A_18 = tpu.memref_slice %arg5[%arg0, %mul3A_2, %dma_start3A] : memref<2x10240x128xf32, #tpu.memory_space<hbm>> -> memref<1x640x128xf32, #tpu.memory_space<hbm>>
      %dma_start3A_19 = tpu.memref_squeeze %dma_start3A_18 : memref<1x640x128xf32, #tpu.memory_space<hbm>> -> memref<640x128xf32, #tpu.memory_space<hbm>>
      %dma_start3A_20 = arith.constant 0 : i32
      %dma_start3A_21 = tpu.memref_slice %arg9[%mul3A_2, %dma_start3A_20] : memref<10240x128xf32, #tpu.memory_space<vmem_shared>> -> memref<640x128xf32, #tpu.memory_space<vmem_shared>>
      tpu.enqueue_dma source(%dma_start3A_21 : memref<640x128xf32, #tpu.memory_space<vmem_shared>>) target(%dma_start3A_19 : memref<640x128xf32, #tpu.memory_space<hbm>>) target_semaphore(%run_scoped3A : memref<!tpu.dma_semaphore, #tpu.memory_space<semaphore_mem>>)
      %dma_wait3A = arith.constant 0 : i32
      %dma_wait3A_22 = tpu.memref_slice %arg5[%arg0, %mul3A_2, %dma_wait3A] : memref<2x10240x128xf32, #tpu.memory_space<hbm>> -> memref<1x640x128xf32, #tpu.memory_space<hbm>>
      %dma_wait3A_23 = tpu.memref_squeeze %dma_wait3A_22 : memref<1x640x128xf32, #tpu.memory_space<hbm>> -> memref<640x128xf32, #tpu.memory_space<hbm>>
      %dma_wait3A_24 = arith.constant 0 : i32
      %dma_wait3A_25 = tpu.memref_slice %arg9[%mul3A_2, %dma_wait3A_24] : memref<10240x128xf32, #tpu.memory_space<vmem_shared>> -> memref<640x128xf32, #tpu.memory_space<vmem_shared>>
      tpu.wait_dma2 semaphore(%run_scoped3A : memref<!tpu.dma_semaphore, #tpu.memory_space<semaphore_mem>>) src(%dma_wait3A_25 : memref<640x128xf32, #tpu.memory_space<vmem_shared>>) dst(%dma_wait3A_23 : memref<640x128xf32, #tpu.memory_space<hbm>>)
      tpu.yield
    }) : () -> ()
    return
  }
}

#map = affine_map<(d0, d1) -> (0, 0)>
#map1 = affine_map<(d0, d1) -> (0, 0, 0)>
module attributes {stable_mosaic.version = 14 : i64} {
  func.func @_sc_aggregate(%arg0: i32, %arg1: i32, %arg2: memref<10240x128xf32, #tpu.memory_space<hbm>>, %arg3: memref<2600x128xi32, #tpu.memory_space<hbm>>, %arg4: memref<2600x128xi32, #tpu.memory_space<hbm>>, %arg5: memref<2x10240x128xf32, #tpu.memory_space<hbm>>, %arg6: memref<40x128xi32, #tpu.memory_space<vmem>>, %arg7: memref<40x128xi32, #tpu.memory_space<vmem>>, %arg8: memref<2x128x128xf32, #tpu.memory_space<vmem>>, %arg9: memref<10240x128xf32, #tpu.memory_space<vmem_shared>>, %arg10: memref<2x!tpu.dma_semaphore, #tpu.memory_space<semaphore_mem>>) attributes {dimension_semantics = [#tpu.dimension_semantics<core_parallel>, #tpu.dimension_semantics<subcore_parallel>], iteration_bounds = array<i64: 2, 16>, scalar_prefetch = 0 : i64, scratch_operands = 5 : i64, tpu.core_type = #tpu.core_type<sc_vector_subcore>, window_params = [{transform_indices = #map}, {transform_indices = #map}, {transform_indices = #map}, {transform_indices = #map1}]} {
    %mul3A = arith.constant 16 : i32
    %mul3A_0 = arith.muli %arg0, %mul3A : i32
    %add3A = arith.addi %mul3A_0, %arg1 : i32
    %mul3A_1 = arith.constant 640 : i32
    %mul3A_2 = arith.muli %arg1, %mul3A_1 : i32
    %scan3A = arith.constant 0 : i32
    %scan3A_3 = arith.constant 128 : i32
    %scan3A_4 = arith.addi %scan3A, %scan3A_3 : i32
    %scan3A_5 = arith.constant 1 : i32
    scf.for %scan3A_18 = %scan3A to %scan3A_4 step %scan3A_5  : i32 {
      %mul3A_19 = arith.constant 1 : i32
      %mul3A_20 = arith.muli %scan3A_18, %mul3A_19 : i32
      %add3A_21 = arith.constant 0 : i32
      %add3A_22 = arith.addi %add3A_21, %mul3A_20 : i32
      %broadcast_in_dim3A = arith.constant 0.000000e+00 : f32
      %broadcast_in_dim3A_23 = vector.broadcast %broadcast_in_dim3A : f32 to vector<16xf32>
      %swap3A = arith.constant 0 : i32
      %swap3A_24 = arith.index_cast %swap3A : i32 to index
      %swap3A_25 = arith.index_cast %add3A_22 : i32 to index
      %swap3A_26 = arith.constant 0 : index
      %swap3A_27 = tpu.vector_load %arg8[%swap3A_24, %swap3A_25, %swap3A_26] {strides = array<i32>} : memref<2x128x128xf32, #tpu.memory_space<vmem>>, vector<1x1x16xf32>,
      %swap3A_28 = vector.shape_cast %swap3A_27 : vector<1x1x16xf32> to vector<16xf32>
      %swap3A_29 = vector.shape_cast %broadcast_in_dim3A_23 : vector<16xf32> to vector<1x1x16xf32>
      tpu.vector_store %arg8[%swap3A_24, %swap3A_25, %swap3A_26], %swap3A_29 {strides = array<i32>} : memref<2x128x128xf32, #tpu.memory_space<vmem>>, vector<1x1x16xf32>,
      %broadcast_in_dim3A_30 = arith.constant 0.000000e+00 : f32
      %broadcast_in_dim3A_31 = vector.broadcast %broadcast_in_dim3A_30 : f32 to vector<16xf32>
      %swap3A_32 = arith.constant 0 : i32
      %swap3A_33 = arith.index_cast %swap3A_32 : i32 to index
      %swap3A_34 = arith.index_cast %add3A_22 : i32 to index
      %swap3A_35 = arith.constant 16 : index
      %swap3A_36 = tpu.vector_load %arg8[%swap3A_33, %swap3A_34, %swap3A_35] {strides = array<i32>} : memref<2x128x128xf32, #tpu.memory_space<vmem>>, vector<1x1x16xf32>,
      %swap3A_37 = vector.shape_cast %swap3A_36 : vector<1x1x16xf32> to vector<16xf32>
      %swap3A_38 = vector.shape_cast %broadcast_in_dim3A_31 : vector<16xf32> to vector<1x1x16xf32>
      tpu.vector_store %arg8[%swap3A_33, %swap3A_34, %swap3A_35], %swap3A_38 {strides = array<i32>} : memref<2x128x128xf32, #tpu.memory_space<vmem>>, vector<1x1x16xf32>,
      %broadcast_in_dim3A_39 = arith.constant 0.000000e+00 : f32
      %broadcast_in_dim3A_40 = vector.broadcast %broadcast_in_dim3A_39 : f32 to vector<16xf32>
      %swap3A_41 = arith.constant 0 : i32
      %swap3A_42 = arith.index_cast %swap3A_41 : i32 to index
      %swap3A_43 = arith.index_cast %add3A_22 : i32 to index
      %swap3A_44 = arith.constant 32 : index
      %swap3A_45 = tpu.vector_load %arg8[%swap3A_42, %swap3A_43, %swap3A_44] {strides = array<i32>} : memref<2x128x128xf32, #tpu.memory_space<vmem>>, vector<1x1x16xf32>,
      %swap3A_46 = vector.shape_cast %swap3A_45 : vector<1x1x16xf32> to vector<16xf32>
      %swap3A_47 = vector.shape_cast %broadcast_in_dim3A_40 : vector<16xf32> to vector<1x1x16xf32>
      tpu.vector_store %arg8[%swap3A_42, %swap3A_43, %swap3A_44], %swap3A_47 {strides = array<i32>} : memref<2x128x128xf32, #tpu.memory_space<vmem>>, vector<1x1x16xf32>,
      %broadcast_in_dim3A_48 = arith.constant 0.000000e+00 : f32
      %broadcast_in_dim3A_49 = vector.broadcast %broadcast_in_dim3A_48 : f32 to vector<16xf32>
      %swap3A_50 = arith.constant 0 : i32
      %swap3A_51 = arith.index_cast %swap3A_50 : i32 to index
      %swap3A_52 = arith.index_cast %add3A_22 : i32 to index
      %swap3A_53 = arith.constant 48 : index
      %swap3A_54 = tpu.vector_load %arg8[%swap3A_51, %swap3A_52, %swap3A_53] {strides = array<i32>} : memref<2x128x128xf32, #tpu.memory_space<vmem>>, vector<1x1x16xf32>,
      %swap3A_55 = vector.shape_cast %swap3A_54 : vector<1x1x16xf32> to vector<16xf32>
      %swap3A_56 = vector.shape_cast %broadcast_in_dim3A_49 : vector<16xf32> to vector<1x1x16xf32>
      tpu.vector_store %arg8[%swap3A_51, %swap3A_52, %swap3A_53], %swap3A_56 {strides = array<i32>} : memref<2x128x128xf32, #tpu.memory_space<vmem>>, vector<1x1x16xf32>,
      %broadcast_in_dim3A_57 = arith.constant 0.000000e+00 : f32
      %broadcast_in_dim3A_58 = vector.broadcast %broadcast_in_dim3A_57 : f32 to vector<16xf32>
      %swap3A_59 = arith.constant 0 : i32
      %swap3A_60 = arith.index_cast %swap3A_59 : i32 to index
      %swap3A_61 = arith.index_cast %add3A_22 : i32 to index
      %swap3A_62 = arith.constant 64 : index
      %swap3A_63 = tpu.vector_load %arg8[%swap3A_60, %swap3A_61, %swap3A_62] {strides = array<i32>} : memref<2x128x128xf32, #tpu.memory_space<vmem>>, vector<1x1x16xf32>,
      %swap3A_64 = vector.shape_cast %swap3A_63 : vector<1x1x16xf32> to vector<16xf32>
      %swap3A_65 = vector.shape_cast %broadcast_in_dim3A_58 : vector<16xf32> to vector<1x1x16xf32>
      tpu.vector_store %arg8[%swap3A_60, %swap3A_61, %swap3A_62], %swap3A_65 {strides = array<i32>} : memref<2x128x128xf32, #tpu.memory_space<vmem>>, vector<1x1x16xf32>,
      %broadcast_in_dim3A_66 = arith.constant 0.000000e+00 : f32
      %broadcast_in_dim3A_67 = vector.broadcast %broadcast_in_dim3A_66 : f32 to vector<16xf32>
      %swap3A_68 = arith.constant 0 : i32
      %swap3A_69 = arith.index_cast %swap3A_68 : i32 to index
      %swap3A_70 = arith.index_cast %add3A_22 : i32 to index
      %swap3A_71 = arith.constant 80 : index
      %swap3A_72 = tpu.vector_load %arg8[%swap3A_69, %swap3A_70, %swap3A_71] {strides = array<i32>} : memref<2x128x128xf32, #tpu.memory_space<vmem>>, vector<1x1x16xf32>,
      %swap3A_73 = vector.shape_cast %swap3A_72 : vector<1x1x16xf32> to vector<16xf32>
      %swap3A_74 = vector.shape_cast %broadcast_in_dim3A_67 : vector<16xf32> to vector<1x1x16xf32>
      tpu.vector_store %arg8[%swap3A_69, %swap3A_70, %swap3A_71], %swap3A_74 {strides = array<i32>} : memref<2x128x128xf32, #tpu.memory_space<vmem>>, vector<1x1x16xf32>,
      %broadcast_in_dim3A_75 = arith.constant 0.000000e+00 : f32
      %broadcast_in_dim3A_76 = vector.broadcast %broadcast_in_dim3A_75 : f32 to vector<16xf32>
      %swap3A_77 = arith.constant 0 : i32
      %swap3A_78 = arith.index_cast %swap3A_77 : i32 to index
      %swap3A_79 = arith.index_cast %add3A_22 : i32 to index
      %swap3A_80 = arith.constant 96 : index
      %swap3A_81 = tpu.vector_load %arg8[%swap3A_78, %swap3A_79, %swap3A_80] {strides = array<i32>} : memref<2x128x128xf32, #tpu.memory_space<vmem>>, vector<1x1x16xf32>,
      %swap3A_82 = vector.shape_cast %swap3A_81 : vector<1x1x16xf32> to vector<16xf32>
      %swap3A_83 = vector.shape_cast %broadcast_in_dim3A_76 : vector<16xf32> to vector<1x1x16xf32>
      tpu.vector_store %arg8[%swap3A_78, %swap3A_79, %swap3A_80], %swap3A_83 {strides = array<i32>} : memref<2x128x128xf32, #tpu.memory_space<vmem>>, vector<1x1x16xf32>,
      %broadcast_in_dim3A_84 = arith.constant 0.000000e+00 : f32
      %broadcast_in_dim3A_85 = vector.broadcast %broadcast_in_dim3A_84 : f32 to vector<16xf32>
      %swap3A_86 = arith.constant 0 : i32
      %swap3A_87 = arith.index_cast %swap3A_86 : i32 to index
      %swap3A_88 = arith.index_cast %add3A_22 : i32 to index
      %swap3A_89 = arith.constant 112 : index
      %swap3A_90 = tpu.vector_load %arg8[%swap3A_87, %swap3A_88, %swap3A_89] {strides = array<i32>} : memref<2x128x128xf32, #tpu.memory_space<vmem>>, vector<1x1x16xf32>,
      %swap3A_91 = vector.shape_cast %swap3A_90 : vector<1x1x16xf32> to vector<16xf32>
      %swap3A_92 = vector.shape_cast %broadcast_in_dim3A_85 : vector<16xf32> to vector<1x1x16xf32>
      tpu.vector_store %arg8[%swap3A_87, %swap3A_88, %swap3A_89], %swap3A_92 {strides = array<i32>} : memref<2x128x128xf32, #tpu.memory_space<vmem>>, vector<1x1x16xf32>,
    }
    %scan3A_6 = arith.constant 128 : i32
    %scan3A_7 = arith.constant 0 : i32
    %scan3A_8 = arith.constant 5 : i32
    %scan3A_9 = arith.addi %scan3A_7, %scan3A_8 : i32
    %scan3A_10 = arith.constant 1 : i32
    scf.for %scan3A_18 = %scan3A_7 to %scan3A_9 step %scan3A_10  : i32 {
      %mul3A_19 = arith.constant 1 : i32
      %mul3A_20 = arith.muli %scan3A_18, %mul3A_19 : i32
      %add3A_21 = arith.constant 0 : i32
      %add3A_22 = arith.addi %add3A_21, %mul3A_20 : i32
      %mul3A_23 = arith.constant 640 : i32
      %mul3A_24 = arith.muli %arg1, %mul3A_23 : i32
      %mul3A_25 = arith.constant 128 : i32
      %mul3A_26 = arith.muli %add3A_22, %mul3A_25 : i32
      %add3A_27 = arith.addi %mul3A_24, %mul3A_26 : i32
      %run_scoped3A = arith.constant 0 : i32
      "tpu.region"() ({
        %run_scoped3A_28 = tpu.sem_alloc : memref<!tpu.dma_semaphore, #tpu.memory_space<semaphore_mem>>
        %dma_start3A = arith.constant 0 : i32
        %dma_start3A_29 = arith.constant 0 : i32
        %dma_start3A_30 = tpu.memref_slice %arg8[%run_scoped3A, %dma_start3A, %dma_start3A_29] : memref<2x128x128xf32, #tpu.memory_space<vmem>> -> memref<1x128x128xf32, #tpu.memory_space<vmem>>
        %dma_start3A_31 = tpu.memref_squeeze %dma_start3A_30 : memref<1x128x128xf32, #tpu.memory_space<vmem>> -> memref<128x128xf32, #tpu.memory_space<vmem>>
        %dma_start3A_32 = arith.constant 0 : i32
        %dma_start3A_33 = tpu.memref_slice %arg9[%add3A_27, %dma_start3A_32] : memref<10240x128xf32, #tpu.memory_space<vmem_shared>> -> memref<128x128xf32, #tpu.memory_space<vmem_shared>>
        %dma_start3A_34 = arith.constant 0 : i32
        %dma_start3A_35 = tpu.memref_slice %arg9[%add3A_27, %dma_start3A_34] : memref<10240x128xf32, #tpu.memory_space<vmem_shared>> -> memref<128x128xf32, #tpu.memory_space<vmem_shared>>
        %dma_start3A_36 = arith.constant 0 : i32
        %dma_start3A_37 = arith.constant 0 : i32
        %dma_start3A_38 = tpu.memref_slice %arg8[%run_scoped3A, %dma_start3A_36, %dma_start3A_37] : memref<2x128x128xf32, #tpu.memory_space<vmem>> -> memref<1x128x128xf32, #tpu.memory_space<vmem>>
        %dma_start3A_39 = tpu.memref_squeeze %dma_start3A_38 : memref<1x128x128xf32, #tpu.memory_space<vmem>> -> memref<128x128xf32, #tpu.memory_space<vmem>>
        tpu.enqueue_dma source(%dma_start3A_39 : memref<128x128xf32, #tpu.memory_space<vmem>>) target(%dma_start3A_35 : memref<128x128xf32, #tpu.memory_space<vmem_shared>>) target_semaphore(%run_scoped3A_28 : memref<!tpu.dma_semaphore, #tpu.memory_space<semaphore_mem>>)
        %dma_wait3A = arith.constant 0 : i32
        %dma_wait3A_40 = arith.constant 0 : i32
        %dma_wait3A_41 = tpu.memref_slice %arg8[%run_scoped3A, %dma_wait3A, %dma_wait3A_40] : memref<2x128x128xf32, #tpu.memory_space<vmem>> -> memref<1x128x128xf32, #tpu.memory_space<vmem>>
        %dma_wait3A_42 = tpu.memref_squeeze %dma_wait3A_41 : memref<1x128x128xf32, #tpu.memory_space<vmem>> -> memref<128x128xf32, #tpu.memory_space<vmem>>
        %dma_wait3A_43 = arith.constant 0 : i32
        %dma_wait3A_44 = tpu.memref_slice %arg9[%add3A_27, %dma_wait3A_43] : memref<10240x128xf32, #tpu.memory_space<vmem_shared>> -> memref<128x128xf32, #tpu.memory_space<vmem_shared>>
        %dma_wait3A_45 = arith.constant 0 : i32
        %dma_wait3A_46 = tpu.memref_slice %arg9[%add3A_27, %dma_wait3A_45] : memref<10240x128xf32, #tpu.memory_space<vmem_shared>> -> memref<128x128xf32, #tpu.memory_space<vmem_shared>>
        %dma_wait3A_47 = arith.constant 0 : i32
        %dma_wait3A_48 = arith.constant 0 : i32
        %dma_wait3A_49 = tpu.memref_slice %arg8[%run_scoped3A, %dma_wait3A_47, %dma_wait3A_48] : memref<2x128x128xf32, #tpu.memory_space<vmem>> -> memref<1x128x128xf32, #tpu.memory_space<vmem>>
        %dma_wait3A_50 = tpu.memref_squeeze %dma_wait3A_49 : memref<1x128x128xf32, #tpu.memory_space<vmem>> -> memref<128x128xf32, #tpu.memory_space<vmem>>
        tpu.wait_dma2 semaphore(%run_scoped3A_28 : memref<!tpu.dma_semaphore, #tpu.memory_space<semaphore_mem>>) src(%dma_wait3A_50 : memref<128x128xf32, #tpu.memory_space<vmem>>) dst(%dma_wait3A_46 : memref<128x128xf32, #tpu.memory_space<vmem_shared>>)
        tpu.yield
      }) : () -> ()
    }
    %scan3A_11 = arith.constant 5 : i32
    %barrier3A = arith.constant 0 : index
    tpu.barrier barrier_id(%barrier3A)
    %scan3A_12 = arith.constant 0 : i32
    %scan3A_13 = arith.constant 2 : i32
    %scan3A_14 = arith.addi %scan3A_12, %scan3A_13 : i32
    %scan3A_15 = arith.constant 1 : i32
    scf.for %scan3A_18 = %scan3A_12 to %scan3A_14 step %scan3A_15  : i32 {
      %mul3A_19 = arith.constant 1 : i32
      %mul3A_20 = arith.muli %scan3A_18, %mul3A_19 : i32
      %add3A_21 = arith.constant 0 : i32
      %add3A_22 = arith.addi %add3A_21, %mul3A_20 : i32
      %mul3A_23 = arith.constant 80 : i32
      %mul3A_24 = arith.muli %add3A, %mul3A_23 : i32
      %mul3A_25 = arith.constant 40 : i32
      %mul3A_26 = arith.muli %add3A_22, %mul3A_25 : i32
      %add3A_27 = arith.addi %mul3A_24, %mul3A_26 : i32
      %multiple_of3A = tpu.assume_multiple %add3A_27, 8 : i32
      "tpu.region"() ({
        %run_scoped3A_94 = tpu.sem_alloc : memref<!tpu.dma_semaphore, #tpu.memory_space<semaphore_mem>>
        %dma_start3A_95 = arith.constant 0 : i32
        %dma_start3A_96 = tpu.memref_slice %arg3[%multiple_of3A, %dma_start3A_95] : memref<2600x128xi32, #tpu.memory_space<hbm>> -> memref<40x128xi32, #tpu.memory_space<hbm>>
        %dma_start3A_97 = arith.constant 0 : i32
        %dma_start3A_98 = tpu.memref_slice %arg3[%multiple_of3A, %dma_start3A_97] : memref<2600x128xi32, #tpu.memory_space<hbm>> -> memref<40x128xi32, #tpu.memory_space<hbm>>
        tpu.enqueue_dma source(%dma_start3A_98 : memref<40x128xi32, #tpu.memory_space<hbm>>) target(%arg6 : memref<40x128xi32, #tpu.memory_space<vmem>>) target_semaphore(%run_scoped3A_94 : memref<!tpu.dma_semaphore, #tpu.memory_space<semaphore_mem>>)
        %dma_wait3A_99 = arith.constant 0 : i32
        %dma_wait3A_100 = tpu.memref_slice %arg3[%multiple_of3A, %dma_wait3A_99] : memref<2600x128xi32, #tpu.memory_space<hbm>> -> memref<40x128xi32, #tpu.memory_space<hbm>>
        %dma_wait3A_101 = arith.constant 0 : i32
        %dma_wait3A_102 = tpu.memref_slice %arg3[%multiple_of3A, %dma_wait3A_101] : memref<2600x128xi32, #tpu.memory_space<hbm>> -> memref<40x128xi32, #tpu.memory_space<hbm>>
        tpu.wait_dma2 semaphore(%run_scoped3A_94 : memref<!tpu.dma_semaphore, #tpu.memory_space<semaphore_mem>>) src(%dma_wait3A_102 : memref<40x128xi32, #tpu.memory_space<hbm>>) dst(%arg6 : memref<40x128xi32, #tpu.memory_space<vmem>>)
        tpu.yield
      }) : () -> ()
      "tpu.region"() ({
        %run_scoped3A_94 = tpu.sem_alloc : memref<!tpu.dma_semaphore, #tpu.memory_space<semaphore_mem>>
        %dma_start3A_95 = arith.constant 0 : i32
        %dma_start3A_96 = tpu.memref_slice %arg4[%multiple_of3A, %dma_start3A_95] : memref<2600x128xi32, #tpu.memory_space<hbm>> -> memref<40x128xi32, #tpu.memory_space<hbm>>
        %dma_start3A_97 = arith.constant 0 : i32
        %dma_start3A_98 = tpu.memref_slice %arg4[%multiple_of3A, %dma_start3A_97] : memref<2600x128xi32, #tpu.memory_space<hbm>> -> memref<40x128xi32, #tpu.memory_space<hbm>>
        tpu.enqueue_dma source(%dma_start3A_98 : memref<40x128xi32, #tpu.memory_space<hbm>>) target(%arg7 : memref<40x128xi32, #tpu.memory_space<vmem>>) target_semaphore(%run_scoped3A_94 : memref<!tpu.dma_semaphore, #tpu.memory_space<semaphore_mem>>)
        %dma_wait3A_99 = arith.constant 0 : i32
        %dma_wait3A_100 = tpu.memref_slice %arg4[%multiple_of3A, %dma_wait3A_99] : memref<2600x128xi32, #tpu.memory_space<hbm>> -> memref<40x128xi32, #tpu.memory_space<hbm>>
        %dma_wait3A_101 = arith.constant 0 : i32
        %dma_wait3A_102 = tpu.memref_slice %arg4[%multiple_of3A, %dma_wait3A_101] : memref<2600x128xi32, #tpu.memory_space<hbm>> -> memref<40x128xi32, #tpu.memory_space<hbm>>
        tpu.wait_dma2 semaphore(%run_scoped3A_94 : memref<!tpu.dma_semaphore, #tpu.memory_space<semaphore_mem>>) src(%dma_wait3A_102 : memref<40x128xi32, #tpu.memory_space<hbm>>) dst(%arg7 : memref<40x128xi32, #tpu.memory_space<vmem>>)
        tpu.yield
      }) : () -> ()
      %dma_start3A = arith.constant 0 : i32
      %dma_start3A_28 = arith.constant 0 : i32
      %dma_start3A_29 = arith.constant 0 : i32
      %dma_start3A_30 = arith.constant 0 : i32
      %dma_start3A_31 = arith.constant 0 : i32
      %dma_start3A_32 = tpu.memref_slice %arg8[%dma_start3A_28, %dma_start3A_30, %dma_start3A_31] : memref<2x128x128xf32, #tpu.memory_space<vmem>> -> memref<1x128x128xf32, #tpu.memory_space<vmem>>
      %dma_start3A_33 = tpu.memref_squeeze %dma_start3A_32 : memref<1x128x128xf32, #tpu.memory_space<vmem>> -> memref<128x128xf32, #tpu.memory_space<vmem>>
      %dma_start3A_34 = arith.constant 0 : i32
      %dma_start3A_35 = tpu.memref_slice %arg6[%dma_start3A, %dma_start3A_34] : memref<40x128xi32, #tpu.memory_space<vmem>> -> memref<1x128xi32, #tpu.memory_space<vmem>>
      %dma_start3A_36 = tpu.memref_squeeze %dma_start3A_35 : memref<1x128xi32, #tpu.memory_space<vmem>> -> memref<128xi32, #tpu.memory_space<vmem>>
      %dma_start3A_37 = arith.constant 0 : i32
      %dma_start3A_38 = arith.constant 0 : i32
      %dma_start3A_39 = tpu.memref_slice %arg2[%dma_start3A_37, %dma_start3A_38] : memref<10240x128xf32, #tpu.memory_space<hbm>> -> memref<10240x128xf32, #tpu.memory_space<hbm>>
      %dma_start3A_40 = tpu.memref_slice %arg10[%dma_start3A_29] : memref<2x!tpu.dma_semaphore, #tpu.memory_space<semaphore_mem>> -> memref<1x!tpu.dma_semaphore, #tpu.memory_space<semaphore_mem>>
      %dma_start3A_41 = tpu.memref_squeeze %dma_start3A_40 : memref<1x!tpu.dma_semaphore, #tpu.memory_space<semaphore_mem>> -> memref<!tpu.dma_semaphore, #tpu.memory_space<semaphore_mem>>
      tpu.enqueue_indirect_dma source(%dma_start3A_39 : memref<10240x128xf32, #tpu.memory_space<hbm>>) target(%dma_start3A_33 : memref<128x128xf32, #tpu.memory_space<vmem>>) offsets(%dma_start3A_36 : memref<128xi32, #tpu.memory_space<vmem>>) semaphore(%dma_start3A_41 : memref<!tpu.dma_semaphore, #tpu.memory_space<semaphore_mem>>)
      %dma_start3A_42 = arith.constant 1 : i32
      %dma_start3A_43 = arith.constant 1 : i32
      %dma_start3A_44 = arith.constant 1 : i32
      %dma_start3A_45 = arith.constant 0 : i32
      %dma_start3A_46 = arith.constant 0 : i32
      %dma_start3A_47 = tpu.memref_slice %arg8[%dma_start3A_43, %dma_start3A_45, %dma_start3A_46] : memref<2x128x128xf32, #tpu.memory_space<vmem>> -> memref<1x128x128xf32, #tpu.memory_space<vmem>>
      %dma_start3A_48 = tpu.memref_squeeze %dma_start3A_47 : memref<1x128x128xf32, #tpu.memory_space<vmem>> -> memref<128x128xf32, #tpu.memory_space<vmem>>
      %dma_start3A_49 = arith.constant 0 : i32
      %dma_start3A_50 = tpu.memref_slice %arg6[%dma_start3A_42, %dma_start3A_49] : memref<40x128xi32, #tpu.memory_space<vmem>> -> memref<1x128xi32, #tpu.memory_space<vmem>>
      %dma_start3A_51 = tpu.memref_squeeze %dma_start3A_50 : memref<1x128xi32, #tpu.memory_space<vmem>> -> memref<128xi32, #tpu.memory_space<vmem>>
      %dma_start3A_52 = arith.constant 0 : i32
      %dma_start3A_53 = arith.constant 0 : i32
      %dma_start3A_54 = tpu.memref_slice %arg2[%dma_start3A_52, %dma_start3A_53] : memref<10240x128xf32, #tpu.memory_space<hbm>> -> memref<10240x128xf32, #tpu.memory_space<hbm>>
      %dma_start3A_55 = tpu.memref_slice %arg10[%dma_start3A_44] : memref<2x!tpu.dma_semaphore, #tpu.memory_space<semaphore_mem>> -> memref<1x!tpu.dma_semaphore, #tpu.memory_space<semaphore_mem>>
      %dma_start3A_56 = tpu.memref_squeeze %dma_start3A_55 : memref<1x!tpu.dma_semaphore, #tpu.memory_space<semaphore_mem>> -> memref<!tpu.dma_semaphore, #tpu.memory_space<semaphore_mem>>
      tpu.enqueue_indirect_dma source(%dma_start3A_54 : memref<10240x128xf32, #tpu.memory_space<hbm>>) target(%dma_start3A_48 : memref<128x128xf32, #tpu.memory_space<vmem>>) offsets(%dma_start3A_51 : memref<128xi32, #tpu.memory_space<vmem>>) semaphore(%dma_start3A_56 : memref<!tpu.dma_semaphore, #tpu.memory_space<semaphore_mem>>)
      %scan3A_57 = arith.constant 0 : i32
      %scan3A_58 = arith.constant 19 : i32
      %scan3A_59 = arith.addi %scan3A_57, %scan3A_58 : i32
      %scan3A_60 = arith.constant 1 : i32
      scf.for %scan3A_94 = %scan3A_57 to %scan3A_59 step %scan3A_60  : i32 {
        %mul3A_95 = arith.constant 1 : i32
        %mul3A_96 = arith.muli %scan3A_94, %mul3A_95 : i32
        %add3A_97 = arith.constant 0 : i32
        %add3A_98 = arith.addi %add3A_97, %mul3A_96 : i32
        %mul3A_99 = arith.constant 2 : i32
        %mul3A_100 = arith.muli %add3A_98, %mul3A_99 : i32
        %add3A_101 = arith.constant 0 : i32
        %add3A_102 = arith.addi %mul3A_100, %add3A_101 : i32
        %dma_wait3A_103 = arith.constant 0 : i32
        %dma_wait3A_104 = arith.constant 0 : i32
        %dma_wait3A_105 = arith.constant 0 : i32
        %dma_wait3A_106 = arith.constant 0 : i32
        %dma_wait3A_107 = tpu.memref_slice %arg8[%dma_wait3A_103, %dma_wait3A_105, %dma_wait3A_106] : memref<2x128x128xf32, #tpu.memory_space<vmem>> -> memref<1x128x128xf32, #tpu.memory_space<vmem>>
        %dma_wait3A_108 = tpu.memref_squeeze %dma_wait3A_107 : memref<1x128x128xf32, #tpu.memory_space<vmem>> -> memref<128x128xf32, #tpu.memory_space<vmem>>
        %dma_wait3A_109 = arith.constant 0 : i32
        %dma_wait3A_110 = tpu.memref_slice %arg6[%add3A_102, %dma_wait3A_109] : memref<40x128xi32, #tpu.memory_space<vmem>> -> memref<1x128xi32, #tpu.memory_space<vmem>>
        %dma_wait3A_111 = tpu.memref_squeeze %dma_wait3A_110 : memref<1x128xi32, #tpu.memory_space<vmem>> -> memref<128xi32, #tpu.memory_space<vmem>>
        %dma_wait3A_112 = arith.constant 0 : i32
        %dma_wait3A_113 = arith.constant 0 : i32
        %dma_wait3A_114 = tpu.memref_slice %arg2[%dma_wait3A_112, %dma_wait3A_113] : memref<10240x128xf32, #tpu.memory_space<hbm>> -> memref<10240x128xf32, #tpu.memory_space<hbm>>
        %dma_wait3A_115 = tpu.memref_slice %arg10[%dma_wait3A_104] : memref<2x!tpu.dma_semaphore, #tpu.memory_space<semaphore_mem>> -> memref<1x!tpu.dma_semaphore, #tpu.memory_space<semaphore_mem>>
        %dma_wait3A_116 = tpu.memref_squeeze %dma_wait3A_115 : memref<1x!tpu.dma_semaphore, #tpu.memory_space<semaphore_mem>> -> memref<!tpu.dma_semaphore, #tpu.memory_space<semaphore_mem>>
        tpu.wait_indirect_dma semaphore(%dma_wait3A_116 : memref<!tpu.dma_semaphore, #tpu.memory_space<semaphore_mem>>) src(%dma_wait3A_114 : memref<10240x128xf32, #tpu.memory_space<hbm>>) dst(%dma_wait3A_108 : memref<128x128xf32, #tpu.memory_space<vmem>>)
        %run_scoped3A_117 = arith.constant 0 : i32
        "tpu.region"() ({
          %run_scoped3A_169 = tpu.sem_alloc : memref<!tpu.dma_semaphore, #tpu.memory_space<semaphore_mem>>
          %dma_start3A_170 = arith.constant 0 : i32
          %dma_start3A_171 = arith.constant 0 : i32
          %dma_start3A_172 = tpu.memref_slice %arg8[%run_scoped3A_117, %dma_start3A_170, %dma_start3A_171] : memref<2x128x128xf32, #tpu.memory_space<vmem>> -> memref<1x128x128xf32, #tpu.memory_space<vmem>>
          %dma_start3A_173 = tpu.memref_squeeze %dma_start3A_172 : memref<1x128x128xf32, #tpu.memory_space<vmem>> -> memref<128x128xf32, #tpu.memory_space<vmem>>
          %dma_start3A_174 = arith.constant 0 : i32
          %dma_start3A_175 = tpu.memref_slice %arg7[%add3A_102, %dma_start3A_174] : memref<40x128xi32, #tpu.memory_space<vmem>> -> memref<1x128xi32, #tpu.memory_space<vmem>>
          %dma_start3A_176 = tpu.memref_squeeze %dma_start3A_175 : memref<1x128xi32, #tpu.memory_space<vmem>> -> memref<128xi32, #tpu.memory_space<vmem>>
          %dma_start3A_177 = arith.constant 0 : i32
          %dma_start3A_178 = arith.constant 0 : i32
          %dma_start3A_179 = tpu.memref_slice %arg9[%dma_start3A_177, %dma_start3A_178] : memref<10240x128xf32, #tpu.memory_space<vmem_shared>> -> memref<10240x128xf32, #tpu.memory_space<vmem_shared>>
          tpu.enqueue_indirect_dma source(%dma_start3A_173 : memref<128x128xf32, #tpu.memory_space<vmem>>) target(%dma_start3A_179 : memref<10240x128xf32, #tpu.memory_space<vmem_shared>>) offsets(%dma_start3A_176 : memref<128xi32, #tpu.memory_space<vmem>>) semaphore(%run_scoped3A_169 : memref<!tpu.dma_semaphore, #tpu.memory_space<semaphore_mem>>) {add = true}
          %dma_wait3A_180 = arith.constant 0 : i32
          %dma_wait3A_181 = arith.constant 0 : i32
          %dma_wait3A_182 = tpu.memref_slice %arg8[%run_scoped3A_117, %dma_wait3A_180, %dma_wait3A_181] : memref<2x128x128xf32, #tpu.memory_space<vmem>> -> memref<1x128x128xf32, #tpu.memory_space<vmem>>
          %dma_wait3A_183 = tpu.memref_squeeze %dma_wait3A_182 : memref<1x128x128xf32, #tpu.memory_space<vmem>> -> memref<128x128xf32, #tpu.memory_space<vmem>>
          %dma_wait3A_184 = arith.constant 0 : i32
          %dma_wait3A_185 = tpu.memref_slice %arg7[%add3A_102, %dma_wait3A_184] : memref<40x128xi32, #tpu.memory_space<vmem>> -> memref<1x128xi32, #tpu.memory_space<vmem>>
          %dma_wait3A_186 = tpu.memref_squeeze %dma_wait3A_185 : memref<1x128xi32, #tpu.memory_space<vmem>> -> memref<128xi32, #tpu.memory_space<vmem>>
          %dma_wait3A_187 = arith.constant 0 : i32
          %dma_wait3A_188 = arith.constant 0 : i32
          %dma_wait3A_189 = tpu.memref_slice %arg9[%dma_wait3A_187, %dma_wait3A_188] : memref<10240x128xf32, #tpu.memory_space<vmem_shared>> -> memref<10240x128xf32, #tpu.memory_space<vmem_shared>>
          tpu.wait_indirect_dma semaphore(%run_scoped3A_169 : memref<!tpu.dma_semaphore, #tpu.memory_space<semaphore_mem>>) src(%dma_wait3A_183 : memref<128x128xf32, #tpu.memory_space<vmem>>) dst(%dma_wait3A_189 : memref<10240x128xf32, #tpu.memory_space<vmem_shared>>)
          tpu.yield
        }) : () -> ()
        %add3A_118 = arith.constant 2 : i32
        %add3A_119 = arith.addi %add3A_102, %add3A_118 : i32
        %dma_start3A_120 = arith.constant 0 : i32
        %dma_start3A_121 = arith.constant 0 : i32
        %dma_start3A_122 = arith.constant 0 : i32
        %dma_start3A_123 = arith.constant 0 : i32
        %dma_start3A_124 = tpu.memref_slice %arg8[%dma_start3A_120, %dma_start3A_122, %dma_start3A_123] : memref<2x128x128xf32, #tpu.memory_space<vmem>> -> memref<1x128x128xf32, #tpu.memory_space<vmem>>
        %dma_start3A_125 = tpu.memref_squeeze %dma_start3A_124 : memref<1x128x128xf32, #tpu.memory_space<vmem>> -> memref<128x128xf32, #tpu.memory_space<vmem>>
        %dma_start3A_126 = arith.constant 0 : i32
        %dma_start3A_127 = tpu.memref_slice %arg6[%add3A_119, %dma_start3A_126] : memref<40x128xi32, #tpu.memory_space<vmem>> -> memref<1x128xi32, #tpu.memory_space<vmem>>
        %dma_start3A_128 = tpu.memref_squeeze %dma_start3A_127 : memref<1x128xi32, #tpu.memory_space<vmem>> -> memref<128xi32, #tpu.memory_space<vmem>>
        %dma_start3A_129 = arith.constant 0 : i32
        %dma_start3A_130 = arith.constant 0 : i32
        %dma_start3A_131 = tpu.memref_slice %arg2[%dma_start3A_129, %dma_start3A_130] : memref<10240x128xf32, #tpu.memory_space<hbm>> -> memref<10240x128xf32, #tpu.memory_space<hbm>>
        %dma_start3A_132 = tpu.memref_slice %arg10[%dma_start3A_121] : memref<2x!tpu.dma_semaphore, #tpu.memory_space<semaphore_mem>> -> memref<1x!tpu.dma_semaphore, #tpu.memory_space<semaphore_mem>>
        %dma_start3A_133 = tpu.memref_squeeze %dma_start3A_132 : memref<1x!tpu.dma_semaphore, #tpu.memory_space<semaphore_mem>> -> memref<!tpu.dma_semaphore, #tpu.memory_space<semaphore_mem>>
        tpu.enqueue_indirect_dma source(%dma_start3A_131 : memref<10240x128xf32, #tpu.memory_space<hbm>>) target(%dma_start3A_125 : memref<128x128xf32, #tpu.memory_space<vmem>>) offsets(%dma_start3A_128 : memref<128xi32, #tpu.memory_space<vmem>>) semaphore(%dma_start3A_133 : memref<!tpu.dma_semaphore, #tpu.memory_space<semaphore_mem>>)
        %mul3A_134 = arith.constant 2 : i32
        %mul3A_135 = arith.muli %add3A_98, %mul3A_134 : i32
        %add3A_136 = arith.constant 1 : i32
        %add3A_137 = arith.addi %mul3A_135, %add3A_136 : i32
        %dma_wait3A_138 = arith.constant 1 : i32
        %dma_wait3A_139 = arith.constant 1 : i32
        %dma_wait3A_140 = arith.constant 0 : i32
        %dma_wait3A_141 = arith.constant 0 : i32
        %dma_wait3A_142 = tpu.memref_slice %arg8[%dma_wait3A_138, %dma_wait3A_140, %dma_wait3A_141] : memref<2x128x128xf32, #tpu.memory_space<vmem>> -> memref<1x128x128xf32, #tpu.memory_space<vmem>>
        %dma_wait3A_143 = tpu.memref_squeeze %dma_wait3A_142 : memref<1x128x128xf32, #tpu.memory_space<vmem>> -> memref<128x128xf32, #tpu.memory_space<vmem>>
        %dma_wait3A_144 = arith.constant 0 : i32
        %dma_wait3A_145 = tpu.memref_slice %arg6[%add3A_137, %dma_wait3A_144] : memref<40x128xi32, #tpu.memory_space<vmem>> -> memref<1x128xi32, #tpu.memory_space<vmem>>
        %dma_wait3A_146 = tpu.memref_squeeze %dma_wait3A_145 : memref<1x128xi32, #tpu.memory_space<vmem>> -> memref<128xi32, #tpu.memory_space<vmem>>
        %dma_wait3A_147 = arith.constant 0 : i32
        %dma_wait3A_148 = arith.constant 0 : i32
        %dma_wait3A_149 = tpu.memref_slice %arg2[%dma_wait3A_147, %dma_wait3A_148] : memref<10240x128xf32, #tpu.memory_space<hbm>> -> memref<10240x128xf32, #tpu.memory_space<hbm>>
        %dma_wait3A_150 = tpu.memref_slice %arg10[%dma_wait3A_139] : memref<2x!tpu.dma_semaphore, #tpu.memory_space<semaphore_mem>> -> memref<1x!tpu.dma_semaphore, #tpu.memory_space<semaphore_mem>>
        %dma_wait3A_151 = tpu.memref_squeeze %dma_wait3A_150 : memref<1x!tpu.dma_semaphore, #tpu.memory_space<semaphore_mem>> -> memref<!tpu.dma_semaphore, #tpu.memory_space<semaphore_mem>>
        tpu.wait_indirect_dma semaphore(%dma_wait3A_151 : memref<!tpu.dma_semaphore, #tpu.memory_space<semaphore_mem>>) src(%dma_wait3A_149 : memref<10240x128xf32, #tpu.memory_space<hbm>>) dst(%dma_wait3A_143 : memref<128x128xf32, #tpu.memory_space<vmem>>)
        %run_scoped3A_152 = arith.constant 1 : i32
        "tpu.region"() ({
          %run_scoped3A_169 = tpu.sem_alloc : memref<!tpu.dma_semaphore, #tpu.memory_space<semaphore_mem>>
          %dma_start3A_170 = arith.constant 0 : i32
          %dma_start3A_171 = arith.constant 0 : i32
          %dma_start3A_172 = tpu.memref_slice %arg8[%run_scoped3A_152, %dma_start3A_170, %dma_start3A_171] : memref<2x128x128xf32, #tpu.memory_space<vmem>> -> memref<1x128x128xf32, #tpu.memory_space<vmem>>
          %dma_start3A_173 = tpu.memref_squeeze %dma_start3A_172 : memref<1x128x128xf32, #tpu.memory_space<vmem>> -> memref<128x128xf32, #tpu.memory_space<vmem>>
          %dma_start3A_174 = arith.constant 0 : i32
          %dma_start3A_175 = tpu.memref_slice %arg7[%add3A_137, %dma_start3A_174] : memref<40x128xi32, #tpu.memory_space<vmem>> -> memref<1x128xi32, #tpu.memory_space<vmem>>
          %dma_start3A_176 = tpu.memref_squeeze %dma_start3A_175 : memref<1x128xi32, #tpu.memory_space<vmem>> -> memref<128xi32, #tpu.memory_space<vmem>>
          %dma_start3A_177 = arith.constant 0 : i32
          %dma_start3A_178 = arith.constant 0 : i32
          %dma_start3A_179 = tpu.memref_slice %arg9[%dma_start3A_177, %dma_start3A_178] : memref<10240x128xf32, #tpu.memory_space<vmem_shared>> -> memref<10240x128xf32, #tpu.memory_space<vmem_shared>>
          tpu.enqueue_indirect_dma source(%dma_start3A_173 : memref<128x128xf32, #tpu.memory_space<vmem>>) target(%dma_start3A_179 : memref<10240x128xf32, #tpu.memory_space<vmem_shared>>) offsets(%dma_start3A_176 : memref<128xi32, #tpu.memory_space<vmem>>) semaphore(%run_scoped3A_169 : memref<!tpu.dma_semaphore, #tpu.memory_space<semaphore_mem>>) {add = true}
          %dma_wait3A_180 = arith.constant 0 : i32
          %dma_wait3A_181 = arith.constant 0 : i32
          %dma_wait3A_182 = tpu.memref_slice %arg8[%run_scoped3A_152, %dma_wait3A_180, %dma_wait3A_181] : memref<2x128x128xf32, #tpu.memory_space<vmem>> -> memref<1x128x128xf32, #tpu.memory_space<vmem>>
          %dma_wait3A_183 = tpu.memref_squeeze %dma_wait3A_182 : memref<1x128x128xf32, #tpu.memory_space<vmem>> -> memref<128x128xf32, #tpu.memory_space<vmem>>
          %dma_wait3A_184 = arith.constant 0 : i32
          %dma_wait3A_185 = tpu.memref_slice %arg7[%add3A_137, %dma_wait3A_184] : memref<40x128xi32, #tpu.memory_space<vmem>> -> memref<1x128xi32, #tpu.memory_space<vmem>>
          %dma_wait3A_186 = tpu.memref_squeeze %dma_wait3A_185 : memref<1x128xi32, #tpu.memory_space<vmem>> -> memref<128xi32, #tpu.memory_space<vmem>>
          %dma_wait3A_187 = arith.constant 0 : i32
          %dma_wait3A_188 = arith.constant 0 : i32
          %dma_wait3A_189 = tpu.memref_slice %arg9[%dma_wait3A_187, %dma_wait3A_188] : memref<10240x128xf32, #tpu.memory_space<vmem_shared>> -> memref<10240x128xf32, #tpu.memory_space<vmem_shared>>
          tpu.wait_indirect_dma semaphore(%run_scoped3A_169 : memref<!tpu.dma_semaphore, #tpu.memory_space<semaphore_mem>>) src(%dma_wait3A_183 : memref<128x128xf32, #tpu.memory_space<vmem>>) dst(%dma_wait3A_189 : memref<10240x128xf32, #tpu.memory_space<vmem_shared>>)
          tpu.yield
        }) : () -> ()
        %add3A_153 = arith.constant 2 : i32
        %add3A_154 = arith.addi %add3A_137, %add3A_153 : i32
        %dma_start3A_155 = arith.constant 1 : i32
        %dma_start3A_156 = arith.constant 1 : i32
        %dma_start3A_157 = arith.constant 0 : i32
        %dma_start3A_158 = arith.constant 0 : i32
        %dma_start3A_159 = tpu.memref_slice %arg8[%dma_start3A_155, %dma_start3A_157, %dma_start3A_158] : memref<2x128x128xf32, #tpu.memory_space<vmem>> -> memref<1x128x128xf32, #tpu.memory_space<vmem>>
        %dma_start3A_160 = tpu.memref_squeeze %dma_start3A_159 : memref<1x128x128xf32, #tpu.memory_space<vmem>> -> memref<128x128xf32, #tpu.memory_space<vmem>>
        %dma_start3A_161 = arith.constant 0 : i32
        %dma_start3A_162 = tpu.memref_slice %arg6[%add3A_154, %dma_start3A_161] : memref<40x128xi32, #tpu.memory_space<vmem>> -> memref<1x128xi32, #tpu.memory_space<vmem>>
        %dma_start3A_163 = tpu.memref_squeeze %dma_start3A_162 : memref<1x128xi32, #tpu.memory_space<vmem>> -> memref<128xi32, #tpu.memory_space<vmem>>
        %dma_start3A_164 = arith.constant 0 : i32
        %dma_start3A_165 = arith.constant 0 : i32
        %dma_start3A_166 = tpu.memref_slice %arg2[%dma_start3A_164, %dma_start3A_165] : memref<10240x128xf32, #tpu.memory_space<hbm>> -> memref<10240x128xf32, #tpu.memory_space<hbm>>
        %dma_start3A_167 = tpu.memref_slice %arg10[%dma_start3A_156] : memref<2x!tpu.dma_semaphore, #tpu.memory_space<semaphore_mem>> -> memref<1x!tpu.dma_semaphore, #tpu.memory_space<semaphore_mem>>
        %dma_start3A_168 = tpu.memref_squeeze %dma_start3A_167 : memref<1x!tpu.dma_semaphore, #tpu.memory_space<semaphore_mem>> -> memref<!tpu.dma_semaphore, #tpu.memory_space<semaphore_mem>>
        tpu.enqueue_indirect_dma source(%dma_start3A_166 : memref<10240x128xf32, #tpu.memory_space<hbm>>) target(%dma_start3A_160 : memref<128x128xf32, #tpu.memory_space<vmem>>) offsets(%dma_start3A_163 : memref<128xi32, #tpu.memory_space<vmem>>) semaphore(%dma_start3A_168 : memref<!tpu.dma_semaphore, #tpu.memory_space<semaphore_mem>>)
      }
      %scan3A_61 = arith.constant 19 : i32
      %dma_wait3A = arith.constant 38 : i32
      %dma_wait3A_62 = arith.constant 0 : i32
      %dma_wait3A_63 = arith.constant 0 : i32
      %dma_wait3A_64 = arith.constant 0 : i32
      %dma_wait3A_65 = arith.constant 0 : i32
      %dma_wait3A_66 = tpu.memref_slice %arg8[%dma_wait3A_62, %dma_wait3A_64, %dma_wait3A_65] : memref<2x128x128xf32, #tpu.memory_space<vmem>> -> memref<1x128x128xf32, #tpu.memory_space<vmem>>
      %dma_wait3A_67 = tpu.memref_squeeze %dma_wait3A_66 : memref<1x128x128xf32, #tpu.memory_space<vmem>> -> memref<128x128xf32, #tpu.memory_space<vmem>>
      %dma_wait3A_68 = arith.constant 0 : i32
      %dma_wait3A_69 = tpu.memref_slice %arg6[%dma_wait3A, %dma_wait3A_68] : memref<40x128xi32, #tpu.memory_space<vmem>> -> memref<1x128xi32, #tpu.memory_space<vmem>>
      %dma_wait3A_70 = tpu.memref_squeeze %dma_wait3A_69 : memref<1x128xi32, #tpu.memory_space<vmem>> -> memref<128xi32, #tpu.memory_space<vmem>>
      %dma_wait3A_71 = arith.constant 0 : i32
      %dma_wait3A_72 = arith.constant 0 : i32
      %dma_wait3A_73 = tpu.memref_slice %arg2[%dma_wait3A_71, %dma_wait3A_72] : memref<10240x128xf32, #tpu.memory_space<hbm>> -> memref<10240x128xf32, #tpu.memory_space<hbm>>
      %dma_wait3A_74 = tpu.memref_slice %arg10[%dma_wait3A_63] : memref<2x!tpu.dma_semaphore, #tpu.memory_space<semaphore_mem>> -> memref<1x!tpu.dma_semaphore, #tpu.memory_space<semaphore_mem>>
      %dma_wait3A_75 = tpu.memref_squeeze %dma_wait3A_74 : memref<1x!tpu.dma_semaphore, #tpu.memory_space<semaphore_mem>> -> memref<!tpu.dma_semaphore, #tpu.memory_space<semaphore_mem>>
      tpu.wait_indirect_dma semaphore(%dma_wait3A_75 : memref<!tpu.dma_semaphore, #tpu.memory_space<semaphore_mem>>) src(%dma_wait3A_73 : memref<10240x128xf32, #tpu.memory_space<hbm>>) dst(%dma_wait3A_67 : memref<128x128xf32, #tpu.memory_space<vmem>>)
      %run_scoped3A = arith.constant 0 : i32
      %run_scoped3A_76 = arith.constant 38 : i32
      "tpu.region"() ({
        %run_scoped3A_94 = tpu.sem_alloc : memref<!tpu.dma_semaphore, #tpu.memory_space<semaphore_mem>>
        %dma_start3A_95 = arith.constant 0 : i32
        %dma_start3A_96 = arith.constant 0 : i32
        %dma_start3A_97 = tpu.memref_slice %arg8[%run_scoped3A, %dma_start3A_95, %dma_start3A_96] : memref<2x128x128xf32, #tpu.memory_space<vmem>> -> memref<1x128x128xf32, #tpu.memory_space<vmem>>
        %dma_start3A_98 = tpu.memref_squeeze %dma_start3A_97 : memref<1x128x128xf32, #tpu.memory_space<vmem>> -> memref<128x128xf32, #tpu.memory_space<vmem>>
        %dma_start3A_99 = arith.constant 0 : i32
        %dma_start3A_100 = tpu.memref_slice %arg7[%run_scoped3A_76, %dma_start3A_99] : memref<40x128xi32, #tpu.memory_space<vmem>> -> memref<1x128xi32, #tpu.memory_space<vmem>>
        %dma_start3A_101 = tpu.memref_squeeze %dma_start3A_100 : memref<1x128xi32, #tpu.memory_space<vmem>> -> memref<128xi32, #tpu.memory_space<vmem>>
        %dma_start3A_102 = arith.constant 0 : i32
        %dma_start3A_103 = arith.constant 0 : i32
        %dma_start3A_104 = tpu.memref_slice %arg9[%dma_start3A_102, %dma_start3A_103] : memref<10240x128xf32, #tpu.memory_space<vmem_shared>> -> memref<10240x128xf32, #tpu.memory_space<vmem_shared>>
        tpu.enqueue_indirect_dma source(%dma_start3A_98 : memref<128x128xf32, #tpu.memory_space<vmem>>) target(%dma_start3A_104 : memref<10240x128xf32, #tpu.memory_space<vmem_shared>>) offsets(%dma_start3A_101 : memref<128xi32, #tpu.memory_space<vmem>>) semaphore(%run_scoped3A_94 : memref<!tpu.dma_semaphore, #tpu.memory_space<semaphore_mem>>) {add = true}
        %dma_wait3A_105 = arith.constant 0 : i32
        %dma_wait3A_106 = arith.constant 0 : i32
        %dma_wait3A_107 = tpu.memref_slice %arg8[%run_scoped3A, %dma_wait3A_105, %dma_wait3A_106] : memref<2x128x128xf32, #tpu.memory_space<vmem>> -> memref<1x128x128xf32, #tpu.memory_space<vmem>>
        %dma_wait3A_108 = tpu.memref_squeeze %dma_wait3A_107 : memref<1x128x128xf32, #tpu.memory_space<vmem>> -> memref<128x128xf32, #tpu.memory_space<vmem>>
        %dma_wait3A_109 = arith.constant 0 : i32
        %dma_wait3A_110 = tpu.memref_slice %arg7[%run_scoped3A_76, %dma_wait3A_109] : memref<40x128xi32, #tpu.memory_space<vmem>> -> memref<1x128xi32, #tpu.memory_space<vmem>>
        %dma_wait3A_111 = tpu.memref_squeeze %dma_wait3A_110 : memref<1x128xi32, #tpu.memory_space<vmem>> -> memref<128xi32, #tpu.memory_space<vmem>>
        %dma_wait3A_112 = arith.constant 0 : i32
        %dma_wait3A_113 = arith.constant 0 : i32
        %dma_wait3A_114 = tpu.memref_slice %arg9[%dma_wait3A_112, %dma_wait3A_113] : memref<10240x128xf32, #tpu.memory_space<vmem_shared>> -> memref<10240x128xf32, #tpu.memory_space<vmem_shared>>
        tpu.wait_indirect_dma semaphore(%run_scoped3A_94 : memref<!tpu.dma_semaphore, #tpu.memory_space<semaphore_mem>>) src(%dma_wait3A_108 : memref<128x128xf32, #tpu.memory_space<vmem>>) dst(%dma_wait3A_114 : memref<10240x128xf32, #tpu.memory_space<vmem_shared>>)
        tpu.yield
      }) : () -> ()
      %dma_wait3A_77 = arith.constant 39 : i32
      %dma_wait3A_78 = arith.constant 1 : i32
      %dma_wait3A_79 = arith.constant 1 : i32
      %dma_wait3A_80 = arith.constant 0 : i32
      %dma_wait3A_81 = arith.constant 0 : i32
      %dma_wait3A_82 = tpu.memref_slice %arg8[%dma_wait3A_78, %dma_wait3A_80, %dma_wait3A_81] : memref<2x128x128xf32, #tpu.memory_space<vmem>> -> memref<1x128x128xf32, #tpu.memory_space<vmem>>
      %dma_wait3A_83 = tpu.memref_squeeze %dma_wait3A_82 : memref<1x128x128xf32, #tpu.memory_space<vmem>> -> memref<128x128xf32, #tpu.memory_space<vmem>>
      %dma_wait3A_84 = arith.constant 0 : i32
      %dma_wait3A_85 = tpu.memref_slice %arg6[%dma_wait3A_77, %dma_wait3A_84] : memref<40x128xi32, #tpu.memory_space<vmem>> -> memref<1x128xi32, #tpu.memory_space<vmem>>
      %dma_wait3A_86 = tpu.memref_squeeze %dma_wait3A_85 : memref<1x128xi32, #tpu.memory_space<vmem>> -> memref<128xi32, #tpu.memory_space<vmem>>
      %dma_wait3A_87 = arith.constant 0 : i32
      %dma_wait3A_88 = arith.constant 0 : i32
      %dma_wait3A_89 = tpu.memref_slice %arg2[%dma_wait3A_87, %dma_wait3A_88] : memref<10240x128xf32, #tpu.memory_space<hbm>> -> memref<10240x128xf32, #tpu.memory_space<hbm>>
      %dma_wait3A_90 = tpu.memref_slice %arg10[%dma_wait3A_79] : memref<2x!tpu.dma_semaphore, #tpu.memory_space<semaphore_mem>> -> memref<1x!tpu.dma_semaphore, #tpu.memory_space<semaphore_mem>>
      %dma_wait3A_91 = tpu.memref_squeeze %dma_wait3A_90 : memref<1x!tpu.dma_semaphore, #tpu.memory_space<semaphore_mem>> -> memref<!tpu.dma_semaphore, #tpu.memory_space<semaphore_mem>>
      tpu.wait_indirect_dma semaphore(%dma_wait3A_91 : memref<!tpu.dma_semaphore, #tpu.memory_space<semaphore_mem>>) src(%dma_wait3A_89 : memref<10240x128xf32, #tpu.memory_space<hbm>>) dst(%dma_wait3A_83 : memref<128x128xf32, #tpu.memory_space<vmem>>)
      %run_scoped3A_92 = arith.constant 1 : i32
      %run_scoped3A_93 = arith.constant 39 : i32
      "tpu.region"() ({
        %run_scoped3A_94 = tpu.sem_alloc : memref<!tpu.dma_semaphore, #tpu.memory_space<semaphore_mem>>
        %dma_start3A_95 = arith.constant 0 : i32
        %dma_start3A_96 = arith.constant 0 : i32
        %dma_start3A_97 = tpu.memref_slice %arg8[%run_scoped3A_92, %dma_start3A_95, %dma_start3A_96] : memref<2x128x128xf32, #tpu.memory_space<vmem>> -> memref<1x128x128xf32, #tpu.memory_space<vmem>>
        %dma_start3A_98 = tpu.memref_squeeze %dma_start3A_97 : memref<1x128x128xf32, #tpu.memory_space<vmem>> -> memref<128x128xf32, #tpu.memory_space<vmem>>
        %dma_start3A_99 = arith.constant 0 : i32
        %dma_start3A_100 = tpu.memref_slice %arg7[%run_scoped3A_93, %dma_start3A_99] : memref<40x128xi32, #tpu.memory_space<vmem>> -> memref<1x128xi32, #tpu.memory_space<vmem>>
        %dma_start3A_101 = tpu.memref_squeeze %dma_start3A_100 : memref<1x128xi32, #tpu.memory_space<vmem>> -> memref<128xi32, #tpu.memory_space<vmem>>
        %dma_start3A_102 = arith.constant 0 : i32
        %dma_start3A_103 = arith.constant 0 : i32
        %dma_start3A_104 = tpu.memref_slice %arg9[%dma_start3A_102, %dma_start3A_103] : memref<10240x128xf32, #tpu.memory_space<vmem_shared>> -> memref<10240x128xf32, #tpu.memory_space<vmem_shared>>
        tpu.enqueue_indirect_dma source(%dma_start3A_98 : memref<128x128xf32, #tpu.memory_space<vmem>>) target(%dma_start3A_104 : memref<10240x128xf32, #tpu.memory_space<vmem_shared>>) offsets(%dma_start3A_101 : memref<128xi32, #tpu.memory_space<vmem>>) semaphore(%run_scoped3A_94 : memref<!tpu.dma_semaphore, #tpu.memory_space<semaphore_mem>>) {add = true}
        %dma_wait3A_105 = arith.constant 0 : i32
        %dma_wait3A_106 = arith.constant 0 : i32
        %dma_wait3A_107 = tpu.memref_slice %arg8[%run_scoped3A_92, %dma_wait3A_105, %dma_wait3A_106] : memref<2x128x128xf32, #tpu.memory_space<vmem>> -> memref<1x128x128xf32, #tpu.memory_space<vmem>>
        %dma_wait3A_108 = tpu.memref_squeeze %dma_wait3A_107 : memref<1x128x128xf32, #tpu.memory_space<vmem>> -> memref<128x128xf32, #tpu.memory_space<vmem>>
        %dma_wait3A_109 = arith.constant 0 : i32
        %dma_wait3A_110 = tpu.memref_slice %arg7[%run_scoped3A_93, %dma_wait3A_109] : memref<40x128xi32, #tpu.memory_space<vmem>> -> memref<1x128xi32, #tpu.memory_space<vmem>>
        %dma_wait3A_111 = tpu.memref_squeeze %dma_wait3A_110 : memref<1x128xi32, #tpu.memory_space<vmem>> -> memref<128xi32, #tpu.memory_space<vmem>>
        %dma_wait3A_112 = arith.constant 0 : i32
        %dma_wait3A_113 = arith.constant 0 : i32
        %dma_wait3A_114 = tpu.memref_slice %arg9[%dma_wait3A_112, %dma_wait3A_113] : memref<10240x128xf32, #tpu.memory_space<vmem_shared>> -> memref<10240x128xf32, #tpu.memory_space<vmem_shared>>
        tpu.wait_indirect_dma semaphore(%run_scoped3A_94 : memref<!tpu.dma_semaphore, #tpu.memory_space<semaphore_mem>>) src(%dma_wait3A_108 : memref<128x128xf32, #tpu.memory_space<vmem>>) dst(%dma_wait3A_114 : memref<10240x128xf32, #tpu.memory_space<vmem_shared>>)
        tpu.yield
      }) : () -> ()
    }
    %scan3A_16 = arith.constant 2 : i32
    %barrier3A_17 = arith.constant 0 : index
    tpu.barrier barrier_id(%barrier3A_17)
    "tpu.region"() ({
      %run_scoped3A = tpu.sem_alloc : memref<!tpu.dma_semaphore, #tpu.memory_space<semaphore_mem>>
      %dma_start3A = arith.constant 0 : i32
      %dma_start3A_18 = tpu.memref_slice %arg5[%arg0, %mul3A_2, %dma_start3A] : memref<2x10240x128xf32, #tpu.memory_space<hbm>> -> memref<1x640x128xf32, #tpu.memory_space<hbm>>
      %dma_start3A_19 = tpu.memref_squeeze %dma_start3A_18 : memref<1x640x128xf32, #tpu.memory_space<hbm>> -> memref<640x128xf32, #tpu.memory_space<hbm>>
      %dma_start3A_20 = arith.constant 0 : i32
      %dma_start3A_21 = tpu.memref_slice %arg9[%mul3A_2, %dma_start3A_20] : memref<10240x128xf32, #tpu.memory_space<vmem_shared>> -> memref<640x128xf32, #tpu.memory_space<vmem_shared>>
      tpu.enqueue_dma source(%dma_start3A_21 : memref<640x128xf32, #tpu.memory_space<vmem_shared>>) target(%dma_start3A_19 : memref<640x128xf32, #tpu.memory_space<hbm>>) target_semaphore(%run_scoped3A : memref<!tpu.dma_semaphore, #tpu.memory_space<semaphore_mem>>)
      %dma_wait3A = arith.constant 0 : i32
      %dma_wait3A_22 = tpu.memref_slice %arg5[%arg0, %mul3A_2, %dma_wait3A] : memref<2x10240x128xf32, #tpu.memory_space<hbm>> -> memref<1x640x128xf32, #tpu.memory_space<hbm>>
      %dma_wait3A_23 = tpu.memref_squeeze %dma_wait3A_22 : memref<1x640x128xf32, #tpu.memory_space<hbm>> -> memref<640x128xf32, #tpu.memory_space<hbm>>
      %dma_wait3A_24 = arith.constant 0 : i32
      %dma_wait3A_25 = tpu.memref_slice %arg9[%mul3A_2, %dma_wait3A_24] : memref<10240x128xf32, #tpu.memory_space<vmem_shared>> -> memref<640x128xf32, #tpu.memory_space<vmem_shared>>
      tpu.wait_dma2 semaphore(%run_scoped3A : memref<!tpu.dma_semaphore, #tpu.memory_space<semaphore_mem>>) src(%dma_wait3A_25 : memref<640x128xf32, #tpu.memory_space<vmem_shared>>) dst(%dma_wait3A_23 : memref<640x128xf32, #tpu.memory_space<hbm>>)
      tpu.yield
    }) : () -> ()
    return
  }
}

#map = affine_map<(d0, d1) -> (0, 0)>
#map1 = affine_map<(d0, d1) -> (0, 0, 0)>
module attributes {stable_mosaic.version = 14 : i64} {
  func.func @_sc_degrees(%arg0: i32, %arg1: i32, %arg2: memref<2600x128xi32, #tpu.memory_space<hbm>>, %arg3: memref<2600x128xi32, #tpu.memory_space<hbm>>, %arg4: memref<2x2x10240xf32, #tpu.memory_space<hbm>>, %arg5: memref<80x128xi32, #tpu.memory_space<vmem>>, %arg6: memref<80x128xi32, #tpu.memory_space<vmem>>, %arg7: memref<128xf32, #tpu.memory_space<vmem>>, %arg8: memref<640xf32, #tpu.memory_space<vmem>>, %arg9: memref<10240xf32, #tpu.memory_space<vmem_shared>>, %arg10: memref<10240xf32, #tpu.memory_space<vmem_shared>>, %arg11: memref<!tpu.dma_semaphore, #tpu.memory_space<semaphore_mem>>) attributes {dimension_semantics = [#tpu.dimension_semantics<core_parallel>, #tpu.dimension_semantics<subcore_parallel>], iteration_bounds = array<i64: 2, 16>, scalar_prefetch = 0 : i64, scratch_operands = 7 : i64, tpu.core_type = #tpu.core_type<sc_vector_subcore>, window_params = [{transform_indices = #map}, {transform_indices = #map}, {transform_indices = #map1}]} {
    %mul3A = arith.constant 16 : i32
    %mul3A_0 = arith.muli %arg0, %mul3A : i32
    %add3A = arith.addi %mul3A_0, %arg1 : i32
    %broadcast_in_dim3A = arith.constant 1.000000e+00 : f32
    %broadcast_in_dim3A_1 = vector.broadcast %broadcast_in_dim3A : f32 to vector<16xf32>
    %swap3A = arith.constant 0 : index
    %swap3A_2 = tpu.vector_load %arg7[%swap3A] {strides = array<i32>} : memref<128xf32, #tpu.memory_space<vmem>>, vector<16xf32>,
    %swap3A_3 = vector.shape_cast %swap3A_2 : vector<16xf32> to vector<16xf32>
    %swap3A_4 = vector.shape_cast %broadcast_in_dim3A_1 : vector<16xf32> to vector<16xf32>
    tpu.vector_store %arg7[%swap3A], %swap3A_4 {strides = array<i32>} : memref<128xf32, #tpu.memory_space<vmem>>, vector<16xf32>,
    %broadcast_in_dim3A_5 = arith.constant 1.000000e+00 : f32
    %broadcast_in_dim3A_6 = vector.broadcast %broadcast_in_dim3A_5 : f32 to vector<16xf32>
    %swap3A_7 = arith.constant 16 : index
    %swap3A_8 = tpu.vector_load %arg7[%swap3A_7] {strides = array<i32>} : memref<128xf32, #tpu.memory_space<vmem>>, vector<16xf32>,
    %swap3A_9 = vector.shape_cast %swap3A_8 : vector<16xf32> to vector<16xf32>
    %swap3A_10 = vector.shape_cast %broadcast_in_dim3A_6 : vector<16xf32> to vector<16xf32>
    tpu.vector_store %arg7[%swap3A_7], %swap3A_10 {strides = array<i32>} : memref<128xf32, #tpu.memory_space<vmem>>, vector<16xf32>,
    %broadcast_in_dim3A_11 = arith.constant 1.000000e+00 : f32
    %broadcast_in_dim3A_12 = vector.broadcast %broadcast_in_dim3A_11 : f32 to vector<16xf32>
    %swap3A_13 = arith.constant 32 : index
    %swap3A_14 = tpu.vector_load %arg7[%swap3A_13] {strides = array<i32>} : memref<128xf32, #tpu.memory_space<vmem>>, vector<16xf32>,
    %swap3A_15 = vector.shape_cast %swap3A_14 : vector<16xf32> to vector<16xf32>
    %swap3A_16 = vector.shape_cast %broadcast_in_dim3A_12 : vector<16xf32> to vector<16xf32>
    tpu.vector_store %arg7[%swap3A_13], %swap3A_16 {strides = array<i32>} : memref<128xf32, #tpu.memory_space<vmem>>, vector<16xf32>,
    %broadcast_in_dim3A_17 = arith.constant 1.000000e+00 : f32
    %broadcast_in_dim3A_18 = vector.broadcast %broadcast_in_dim3A_17 : f32 to vector<16xf32>
    %swap3A_19 = arith.constant 48 : index
    %swap3A_20 = tpu.vector_load %arg7[%swap3A_19] {strides = array<i32>} : memref<128xf32, #tpu.memory_space<vmem>>, vector<16xf32>,
    %swap3A_21 = vector.shape_cast %swap3A_20 : vector<16xf32> to vector<16xf32>
    %swap3A_22 = vector.shape_cast %broadcast_in_dim3A_18 : vector<16xf32> to vector<16xf32>
    tpu.vector_store %arg7[%swap3A_19], %swap3A_22 {strides = array<i32>} : memref<128xf32, #tpu.memory_space<vmem>>, vector<16xf32>,
    %broadcast_in_dim3A_23 = arith.constant 1.000000e+00 : f32
    %broadcast_in_dim3A_24 = vector.broadcast %broadcast_in_dim3A_23 : f32 to vector<16xf32>
    %swap3A_25 = arith.constant 64 : index
    %swap3A_26 = tpu.vector_load %arg7[%swap3A_25] {strides = array<i32>} : memref<128xf32, #tpu.memory_space<vmem>>, vector<16xf32>,
    %swap3A_27 = vector.shape_cast %swap3A_26 : vector<16xf32> to vector<16xf32>
    %swap3A_28 = vector.shape_cast %broadcast_in_dim3A_24 : vector<16xf32> to vector<16xf32>
    tpu.vector_store %arg7[%swap3A_25], %swap3A_28 {strides = array<i32>} : memref<128xf32, #tpu.memory_space<vmem>>, vector<16xf32>,
    %broadcast_in_dim3A_29 = arith.constant 1.000000e+00 : f32
    %broadcast_in_dim3A_30 = vector.broadcast %broadcast_in_dim3A_29 : f32 to vector<16xf32>
    %swap3A_31 = arith.constant 80 : index
    %swap3A_32 = tpu.vector_load %arg7[%swap3A_31] {strides = array<i32>} : memref<128xf32, #tpu.memory_space<vmem>>, vector<16xf32>,
    %swap3A_33 = vector.shape_cast %swap3A_32 : vector<16xf32> to vector<16xf32>
    %swap3A_34 = vector.shape_cast %broadcast_in_dim3A_30 : vector<16xf32> to vector<16xf32>
    tpu.vector_store %arg7[%swap3A_31], %swap3A_34 {strides = array<i32>} : memref<128xf32, #tpu.memory_space<vmem>>, vector<16xf32>,
    %broadcast_in_dim3A_35 = arith.constant 1.000000e+00 : f32
    %broadcast_in_dim3A_36 = vector.broadcast %broadcast_in_dim3A_35 : f32 to vector<16xf32>
    %swap3A_37 = arith.constant 96 : index
    %swap3A_38 = tpu.vector_load %arg7[%swap3A_37] {strides = array<i32>} : memref<128xf32, #tpu.memory_space<vmem>>, vector<16xf32>,
    %swap3A_39 = vector.shape_cast %swap3A_38 : vector<16xf32> to vector<16xf32>
    %swap3A_40 = vector.shape_cast %broadcast_in_dim3A_36 : vector<16xf32> to vector<16xf32>
    tpu.vector_store %arg7[%swap3A_37], %swap3A_40 {strides = array<i32>} : memref<128xf32, #tpu.memory_space<vmem>>, vector<16xf32>,
    %broadcast_in_dim3A_41 = arith.constant 1.000000e+00 : f32
    %broadcast_in_dim3A_42 = vector.broadcast %broadcast_in_dim3A_41 : f32 to vector<16xf32>
    %swap3A_43 = arith.constant 112 : index
    %swap3A_44 = tpu.vector_load %arg7[%swap3A_43] {strides = array<i32>} : memref<128xf32, #tpu.memory_space<vmem>>, vector<16xf32>,
    %swap3A_45 = vector.shape_cast %swap3A_44 : vector<16xf32> to vector<16xf32>
    %swap3A_46 = vector.shape_cast %broadcast_in_dim3A_42 : vector<16xf32> to vector<16xf32>
    tpu.vector_store %arg7[%swap3A_43], %swap3A_46 {strides = array<i32>} : memref<128xf32, #tpu.memory_space<vmem>>, vector<16xf32>,
    %scan3A = arith.constant 0 : i32
    %scan3A_47 = arith.constant 40 : i32
    %scan3A_48 = arith.addi %scan3A, %scan3A_47 : i32
    %scan3A_49 = arith.constant 1 : i32
    scf.for %scan3A_64 = %scan3A to %scan3A_48 step %scan3A_49  : i32 {
      %mul3A_65 = arith.constant 1 : i32
      %mul3A_66 = arith.muli %scan3A_64, %mul3A_65 : i32
      %add3A_67 = arith.constant 0 : i32
      %add3A_68 = arith.addi %add3A_67, %mul3A_66 : i32
      %broadcast_in_dim3A_69 = arith.constant 0.000000e+00 : f32
      %broadcast_in_dim3A_70 = vector.broadcast %broadcast_in_dim3A_69 : f32 to vector<16xf32>
      %mul3A_71 = arith.constant 16 : i32
      %mul3A_72 = arith.muli %add3A_68, %mul3A_71 : i32
      %swap3A_73 = arith.index_cast %mul3A_72 : i32 to index
      %swap3A_74 = tpu.vector_load %arg8[%swap3A_73] {strides = array<i32>} : memref<640xf32, #tpu.memory_space<vmem>>, vector<16xf32>,
      %swap3A_75 = vector.shape_cast %swap3A_74 : vector<16xf32> to vector<16xf32>
      %swap3A_76 = vector.shape_cast %broadcast_in_dim3A_70 : vector<16xf32> to vector<16xf32>
      tpu.vector_store %arg8[%swap3A_73], %swap3A_76 {strides = array<i32>} : memref<640xf32, #tpu.memory_space<vmem>>, vector<16xf32>,
    }
    %scan3A_50 = arith.constant 40 : i32
    %mul3A_51 = arith.constant 640 : i32
    %mul3A_52 = arith.muli %arg1, %mul3A_51 : i32
    "tpu.region"() ({
      %run_scoped3A_64 = tpu.sem_alloc : memref<!tpu.dma_semaphore, #tpu.memory_space<semaphore_mem>>
      %dma_start3A = tpu.memref_slice %arg9[%mul3A_52] : memref<10240xf32, #tpu.memory_space<vmem_shared>> -> memref<640xf32, #tpu.memory_space<vmem_shared>>
      %dma_start3A_65 = tpu.memref_slice %arg9[%mul3A_52] : memref<10240xf32, #tpu.memory_space<vmem_shared>> -> memref<640xf32, #tpu.memory_space<vmem_shared>>
      tpu.enqueue_dma source(%arg8 : memref<640xf32, #tpu.memory_space<vmem>>) target(%dma_start3A_65 : memref<640xf32, #tpu.memory_space<vmem_shared>>) target_semaphore(%run_scoped3A_64 : memref<!tpu.dma_semaphore, #tpu.memory_space<semaphore_mem>>)
      %dma_wait3A = tpu.memref_slice %arg9[%mul3A_52] : memref<10240xf32, #tpu.memory_space<vmem_shared>> -> memref<640xf32, #tpu.memory_space<vmem_shared>>
      %dma_wait3A_66 = tpu.memref_slice %arg9[%mul3A_52] : memref<10240xf32, #tpu.memory_space<vmem_shared>> -> memref<640xf32, #tpu.memory_space<vmem_shared>>
      tpu.wait_dma2 semaphore(%run_scoped3A_64 : memref<!tpu.dma_semaphore, #tpu.memory_space<semaphore_mem>>) src(%arg8 : memref<640xf32, #tpu.memory_space<vmem>>) dst(%dma_wait3A_66 : memref<640xf32, #tpu.memory_space<vmem_shared>>)
      tpu.yield
    }) : () -> ()
    "tpu.region"() ({
      %run_scoped3A_64 = tpu.sem_alloc : memref<!tpu.dma_semaphore, #tpu.memory_space<semaphore_mem>>
      %dma_start3A = tpu.memref_slice %arg10[%mul3A_52] : memref<10240xf32, #tpu.memory_space<vmem_shared>> -> memref<640xf32, #tpu.memory_space<vmem_shared>>
      %dma_start3A_65 = tpu.memref_slice %arg10[%mul3A_52] : memref<10240xf32, #tpu.memory_space<vmem_shared>> -> memref<640xf32, #tpu.memory_space<vmem_shared>>
      tpu.enqueue_dma source(%arg8 : memref<640xf32, #tpu.memory_space<vmem>>) target(%dma_start3A_65 : memref<640xf32, #tpu.memory_space<vmem_shared>>) target_semaphore(%run_scoped3A_64 : memref<!tpu.dma_semaphore, #tpu.memory_space<semaphore_mem>>)
      %dma_wait3A = tpu.memref_slice %arg10[%mul3A_52] : memref<10240xf32, #tpu.memory_space<vmem_shared>> -> memref<640xf32, #tpu.memory_space<vmem_shared>>
      %dma_wait3A_66 = tpu.memref_slice %arg10[%mul3A_52] : memref<10240xf32, #tpu.memory_space<vmem_shared>> -> memref<640xf32, #tpu.memory_space<vmem_shared>>
      tpu.wait_dma2 semaphore(%run_scoped3A_64 : memref<!tpu.dma_semaphore, #tpu.memory_space<semaphore_mem>>) src(%arg8 : memref<640xf32, #tpu.memory_space<vmem>>) dst(%dma_wait3A_66 : memref<640xf32, #tpu.memory_space<vmem_shared>>)
      tpu.yield
    }) : () -> ()
    %mul3A_53 = arith.constant 80 : i32
    %mul3A_54 = arith.muli %add3A, %mul3A_53 : i32
    "tpu.region"() ({
      %run_scoped3A_64 = tpu.sem_alloc : memref<!tpu.dma_semaphore, #tpu.memory_space<semaphore_mem>>
      %dma_start3A = arith.constant 0 : i32
      %dma_start3A_65 = tpu.memref_slice %arg2[%mul3A_54, %dma_start3A] : memref<2600x128xi32, #tpu.memory_space<hbm>> -> memref<80x128xi32, #tpu.memory_space<hbm>>
      %dma_start3A_66 = arith.constant 0 : i32
      %dma_start3A_67 = tpu.memref_slice %arg2[%mul3A_54, %dma_start3A_66] : memref<2600x128xi32, #tpu.memory_space<hbm>> -> memref<80x128xi32, #tpu.memory_space<hbm>>
      tpu.enqueue_dma source(%dma_start3A_67 : memref<80x128xi32, #tpu.memory_space<hbm>>) target(%arg5 : memref<80x128xi32, #tpu.memory_space<vmem>>) target_semaphore(%run_scoped3A_64 : memref<!tpu.dma_semaphore, #tpu.memory_space<semaphore_mem>>)
      %dma_wait3A = arith.constant 0 : i32
      %dma_wait3A_68 = tpu.memref_slice %arg2[%mul3A_54, %dma_wait3A] : memref<2600x128xi32, #tpu.memory_space<hbm>> -> memref<80x128xi32, #tpu.memory_space<hbm>>
      %dma_wait3A_69 = arith.constant 0 : i32
      %dma_wait3A_70 = tpu.memref_slice %arg2[%mul3A_54, %dma_wait3A_69] : memref<2600x128xi32, #tpu.memory_space<hbm>> -> memref<80x128xi32, #tpu.memory_space<hbm>>
      tpu.wait_dma2 semaphore(%run_scoped3A_64 : memref<!tpu.dma_semaphore, #tpu.memory_space<semaphore_mem>>) src(%dma_wait3A_70 : memref<80x128xi32, #tpu.memory_space<hbm>>) dst(%arg5 : memref<80x128xi32, #tpu.memory_space<vmem>>)
      tpu.yield
    }) : () -> ()
    %mul3A_55 = arith.constant 80 : i32
    %mul3A_56 = arith.muli %add3A, %mul3A_55 : i32
    "tpu.region"() ({
      %run_scoped3A_64 = tpu.sem_alloc : memref<!tpu.dma_semaphore, #tpu.memory_space<semaphore_mem>>
      %dma_start3A = arith.constant 0 : i32
      %dma_start3A_65 = tpu.memref_slice %arg3[%mul3A_56, %dma_start3A] : memref<2600x128xi32, #tpu.memory_space<hbm>> -> memref<80x128xi32, #tpu.memory_space<hbm>>
      %dma_start3A_66 = arith.constant 0 : i32
      %dma_start3A_67 = tpu.memref_slice %arg3[%mul3A_56, %dma_start3A_66] : memref<2600x128xi32, #tpu.memory_space<hbm>> -> memref<80x128xi32, #tpu.memory_space<hbm>>
      tpu.enqueue_dma source(%dma_start3A_67 : memref<80x128xi32, #tpu.memory_space<hbm>>) target(%arg6 : memref<80x128xi32, #tpu.memory_space<vmem>>) target_semaphore(%run_scoped3A_64 : memref<!tpu.dma_semaphore, #tpu.memory_space<semaphore_mem>>)
      %dma_wait3A = arith.constant 0 : i32
      %dma_wait3A_68 = tpu.memref_slice %arg3[%mul3A_56, %dma_wait3A] : memref<2600x128xi32, #tpu.memory_space<hbm>> -> memref<80x128xi32, #tpu.memory_space<hbm>>
      %dma_wait3A_69 = arith.constant 0 : i32
      %dma_wait3A_70 = tpu.memref_slice %arg3[%mul3A_56, %dma_wait3A_69] : memref<2600x128xi32, #tpu.memory_space<hbm>> -> memref<80x128xi32, #tpu.memory_space<hbm>>
      tpu.wait_dma2 semaphore(%run_scoped3A_64 : memref<!tpu.dma_semaphore, #tpu.memory_space<semaphore_mem>>) src(%dma_wait3A_70 : memref<80x128xi32, #tpu.memory_space<hbm>>) dst(%arg6 : memref<80x128xi32, #tpu.memory_space<vmem>>)
      tpu.yield
    }) : () -> ()
    %barrier3A = arith.constant 0 : index
    tpu.barrier barrier_id(%barrier3A)
    %scan3A_57 = arith.constant 0 : i32
    %scan3A_58 = arith.constant 5 : i32
    %scan3A_59 = arith.addi %scan3A_57, %scan3A_58 : i32
    %scan3A_60 = arith.constant 1 : i32
    scf.for %scan3A_64 = %scan3A_57 to %scan3A_59 step %scan3A_60  : i32 {
      %mul3A_65 = arith.constant 1 : i32
      %mul3A_66 = arith.muli %scan3A_64, %mul3A_65 : i32
      %add3A_67 = arith.constant 0 : i32
      %add3A_68 = arith.addi %add3A_67, %mul3A_66 : i32
      %mul3A_69 = arith.constant 16 : i32
      %mul3A_70 = arith.muli %add3A_68, %mul3A_69 : i32
      %add3A_71 = arith.constant 0 : i32
      %add3A_72 = arith.addi %mul3A_70, %add3A_71 : i32
      %dma_start3A = arith.constant 0 : i32
      %dma_start3A_73 = tpu.memref_slice %arg5[%add3A_72, %dma_start3A] : memref<80x128xi32, #tpu.memory_space<vmem>> -> memref<1x128xi32, #tpu.memory_space<vmem>>
      %dma_start3A_74 = tpu.memref_squeeze %dma_start3A_73 : memref<1x128xi32, #tpu.memory_space<vmem>> -> memref<128xi32, #tpu.memory_space<vmem>>
      %dma_start3A_75 = arith.constant 0 : i32
      %dma_start3A_76 = tpu.memref_slice %arg9[%dma_start3A_75] : memref<10240xf32, #tpu.memory_space<vmem_shared>> -> memref<10240xf32, #tpu.memory_space<vmem_shared>>
      tpu.enqueue_indirect_dma source(%arg7 : memref<128xf32, #tpu.memory_space<vmem>>) target(%dma_start3A_76 : memref<10240xf32, #tpu.memory_space<vmem_shared>>) offsets(%dma_start3A_74 : memref<128xi32, #tpu.memory_space<vmem>>) semaphore(%arg11 : memref<!tpu.dma_semaphore, #tpu.memory_space<semaphore_mem>>) {add = true}
      %dma_start3A_77 = arith.constant 0 : i32
      %dma_start3A_78 = tpu.memref_slice %arg6[%add3A_72, %dma_start3A_77] : memref<80x128xi32, #tpu.memory_space<vmem>> -> memref<1x128xi32, #tpu.memory_space<vmem>>
      %dma_start3A_79 = tpu.memref_squeeze %dma_start3A_78 : memref<1x128xi32, #tpu.memory_space<vmem>> -> memref<128xi32, #tpu.memory_space<vmem>>
      %dma_start3A_80 = arith.constant 0 : i32
      %dma_start3A_81 = tpu.memref_slice %arg10[%dma_start3A_80] : memref<10240xf32, #tpu.memory_space<vmem_shared>> -> memref<10240xf32, #tpu.memory_space<vmem_shared>>
      tpu.enqueue_indirect_dma source(%arg7 : memref<128xf32, #tpu.memory_space<vmem>>) target(%dma_start3A_81 : memref<10240xf32, #tpu.memory_space<vmem_shared>>) offsets(%dma_start3A_79 : memref<128xi32, #tpu.memory_space<vmem>>) semaphore(%arg11 : memref<!tpu.dma_semaphore, #tpu.memory_space<semaphore_mem>>) {add = true}
      %mul3A_82 = arith.constant 16 : i32
      %mul3A_83 = arith.muli %add3A_68, %mul3A_82 : i32
      %add3A_84 = arith.constant 1 : i32
      %add3A_85 = arith.addi %mul3A_83, %add3A_84 : i32
      %dma_start3A_86 = arith.constant 0 : i32
      %dma_start3A_87 = tpu.memref_slice %arg5[%add3A_85, %dma_start3A_86] : memref<80x128xi32, #tpu.memory_space<vmem>> -> memref<1x128xi32, #tpu.memory_space<vmem>>
      %dma_start3A_88 = tpu.memref_squeeze %dma_start3A_87 : memref<1x128xi32, #tpu.memory_space<vmem>> -> memref<128xi32, #tpu.memory_space<vmem>>
      %dma_start3A_89 = arith.constant 0 : i32
      %dma_start3A_90 = tpu.memref_slice %arg9[%dma_start3A_89] : memref<10240xf32, #tpu.memory_space<vmem_shared>> -> memref<10240xf32, #tpu.memory_space<vmem_shared>>
      tpu.enqueue_indirect_dma source(%arg7 : memref<128xf32, #tpu.memory_space<vmem>>) target(%dma_start3A_90 : memref<10240xf32, #tpu.memory_space<vmem_shared>>) offsets(%dma_start3A_88 : memref<128xi32, #tpu.memory_space<vmem>>) semaphore(%arg11 : memref<!tpu.dma_semaphore, #tpu.memory_space<semaphore_mem>>) {add = true}
      %dma_start3A_91 = arith.constant 0 : i32
      %dma_start3A_92 = tpu.memref_slice %arg6[%add3A_85, %dma_start3A_91] : memref<80x128xi32, #tpu.memory_space<vmem>> -> memref<1x128xi32, #tpu.memory_space<vmem>>
      %dma_start3A_93 = tpu.memref_squeeze %dma_start3A_92 : memref<1x128xi32, #tpu.memory_space<vmem>> -> memref<128xi32, #tpu.memory_space<vmem>>
      %dma_start3A_94 = arith.constant 0 : i32
      %dma_start3A_95 = tpu.memref_slice %arg10[%dma_start3A_94] : memref<10240xf32, #tpu.memory_space<vmem_shared>> -> memref<10240xf32, #tpu.memory_space<vmem_shared>>
      tpu.enqueue_indirect_dma source(%arg7 : memref<128xf32, #tpu.memory_space<vmem>>) target(%dma_start3A_95 : memref<10240xf32, #tpu.memory_space<vmem_shared>>) offsets(%dma_start3A_93 : memref<128xi32, #tpu.memory_space<vmem>>) semaphore(%arg11 : memref<!tpu.dma_semaphore, #tpu.memory_space<semaphore_mem>>) {add = true}
      %mul3A_96 = arith.constant 16 : i32
      %mul3A_97 = arith.muli %add3A_68, %mul3A_96 : i32
      %add3A_98 = arith.constant 2 : i32
      %add3A_99 = arith.addi %mul3A_97, %add3A_98 : i32
      %dma_start3A_100 = arith.constant 0 : i32
      %dma_start3A_101 = tpu.memref_slice %arg5[%add3A_99, %dma_start3A_100] : memref<80x128xi32, #tpu.memory_space<vmem>> -> memref<1x128xi32, #tpu.memory_space<vmem>>
      %dma_start3A_102 = tpu.memref_squeeze %dma_start3A_101 : memref<1x128xi32, #tpu.memory_space<vmem>> -> memref<128xi32, #tpu.memory_space<vmem>>
      %dma_start3A_103 = arith.constant 0 : i32
      %dma_start3A_104 = tpu.memref_slice %arg9[%dma_start3A_103] : memref<10240xf32, #tpu.memory_space<vmem_shared>> -> memref<10240xf32, #tpu.memory_space<vmem_shared>>
      tpu.enqueue_indirect_dma source(%arg7 : memref<128xf32, #tpu.memory_space<vmem>>) target(%dma_start3A_104 : memref<10240xf32, #tpu.memory_space<vmem_shared>>) offsets(%dma_start3A_102 : memref<128xi32, #tpu.memory_space<vmem>>) semaphore(%arg11 : memref<!tpu.dma_semaphore, #tpu.memory_space<semaphore_mem>>) {add = true}
      %dma_start3A_105 = arith.constant 0 : i32
      %dma_start3A_106 = tpu.memref_slice %arg6[%add3A_99, %dma_start3A_105] : memref<80x128xi32, #tpu.memory_space<vmem>> -> memref<1x128xi32, #tpu.memory_space<vmem>>
      %dma_start3A_107 = tpu.memref_squeeze %dma_start3A_106 : memref<1x128xi32, #tpu.memory_space<vmem>> -> memref<128xi32, #tpu.memory_space<vmem>>
      %dma_start3A_108 = arith.constant 0 : i32
      %dma_start3A_109 = tpu.memref_slice %arg10[%dma_start3A_108] : memref<10240xf32, #tpu.memory_space<vmem_shared>> -> memref<10240xf32, #tpu.memory_space<vmem_shared>>
      tpu.enqueue_indirect_dma source(%arg7 : memref<128xf32, #tpu.memory_space<vmem>>) target(%dma_start3A_109 : memref<10240xf32, #tpu.memory_space<vmem_shared>>) offsets(%dma_start3A_107 : memref<128xi32, #tpu.memory_space<vmem>>) semaphore(%arg11 : memref<!tpu.dma_semaphore, #tpu.memory_space<semaphore_mem>>) {add = true}
      %mul3A_110 = arith.constant 16 : i32
      %mul3A_111 = arith.muli %add3A_68, %mul3A_110 : i32
      %add3A_112 = arith.constant 3 : i32
      %add3A_113 = arith.addi %mul3A_111, %add3A_112 : i32
      %dma_start3A_114 = arith.constant 0 : i32
      %dma_start3A_115 = tpu.memref_slice %arg5[%add3A_113, %dma_start3A_114] : memref<80x128xi32, #tpu.memory_space<vmem>> -> memref<1x128xi32, #tpu.memory_space<vmem>>
      %dma_start3A_116 = tpu.memref_squeeze %dma_start3A_115 : memref<1x128xi32, #tpu.memory_space<vmem>> -> memref<128xi32, #tpu.memory_space<vmem>>
      %dma_start3A_117 = arith.constant 0 : i32
      %dma_start3A_118 = tpu.memref_slice %arg9[%dma_start3A_117] : memref<10240xf32, #tpu.memory_space<vmem_shared>> -> memref<10240xf32, #tpu.memory_space<vmem_shared>>
      tpu.enqueue_indirect_dma source(%arg7 : memref<128xf32, #tpu.memory_space<vmem>>) target(%dma_start3A_118 : memref<10240xf32, #tpu.memory_space<vmem_shared>>) offsets(%dma_start3A_116 : memref<128xi32, #tpu.memory_space<vmem>>) semaphore(%arg11 : memref<!tpu.dma_semaphore, #tpu.memory_space<semaphore_mem>>) {add = true}
      %dma_start3A_119 = arith.constant 0 : i32
      %dma_start3A_120 = tpu.memref_slice %arg6[%add3A_113, %dma_start3A_119] : memref<80x128xi32, #tpu.memory_space<vmem>> -> memref<1x128xi32, #tpu.memory_space<vmem>>
      %dma_start3A_121 = tpu.memref_squeeze %dma_start3A_120 : memref<1x128xi32, #tpu.memory_space<vmem>> -> memref<128xi32, #tpu.memory_space<vmem>>
      %dma_start3A_122 = arith.constant 0 : i32
      %dma_start3A_123 = tpu.memref_slice %arg10[%dma_start3A_122] : memref<10240xf32, #tpu.memory_space<vmem_shared>> -> memref<10240xf32, #tpu.memory_space<vmem_shared>>
      tpu.enqueue_indirect_dma source(%arg7 : memref<128xf32, #tpu.memory_space<vmem>>) target(%dma_start3A_123 : memref<10240xf32, #tpu.memory_space<vmem_shared>>) offsets(%dma_start3A_121 : memref<128xi32, #tpu.memory_space<vmem>>) semaphore(%arg11 : memref<!tpu.dma_semaphore, #tpu.memory_space<semaphore_mem>>) {add = true}
      %mul3A_124 = arith.constant 16 : i32
      %mul3A_125 = arith.muli %add3A_68, %mul3A_124 : i32
      %add3A_126 = arith.constant 4 : i32
      %add3A_127 = arith.addi %mul3A_125, %add3A_126 : i32
      %dma_start3A_128 = arith.constant 0 : i32
      %dma_start3A_129 = tpu.memref_slice %arg5[%add3A_127, %dma_start3A_128] : memref<80x128xi32, #tpu.memory_space<vmem>> -> memref<1x128xi32, #tpu.memory_space<vmem>>
      %dma_start3A_130 = tpu.memref_squeeze %dma_start3A_129 : memref<1x128xi32, #tpu.memory_space<vmem>> -> memref<128xi32, #tpu.memory_space<vmem>>
      %dma_start3A_131 = arith.constant 0 : i32
      %dma_start3A_132 = tpu.memref_slice %arg9[%dma_start3A_131] : memref<10240xf32, #tpu.memory_space<vmem_shared>> -> memref<10240xf32, #tpu.memory_space<vmem_shared>>
      tpu.enqueue_indirect_dma source(%arg7 : memref<128xf32, #tpu.memory_space<vmem>>) target(%dma_start3A_132 : memref<10240xf32, #tpu.memory_space<vmem_shared>>) offsets(%dma_start3A_130 : memref<128xi32, #tpu.memory_space<vmem>>) semaphore(%arg11 : memref<!tpu.dma_semaphore, #tpu.memory_space<semaphore_mem>>) {add = true}
      %dma_start3A_133 = arith.constant 0 : i32
      %dma_start3A_134 = tpu.memref_slice %arg6[%add3A_127, %dma_start3A_133] : memref<80x128xi32, #tpu.memory_space<vmem>> -> memref<1x128xi32, #tpu.memory_space<vmem>>
      %dma_start3A_135 = tpu.memref_squeeze %dma_start3A_134 : memref<1x128xi32, #tpu.memory_space<vmem>> -> memref<128xi32, #tpu.memory_space<vmem>>
      %dma_start3A_136 = arith.constant 0 : i32
      %dma_start3A_137 = tpu.memref_slice %arg10[%dma_start3A_136] : memref<10240xf32, #tpu.memory_space<vmem_shared>> -> memref<10240xf32, #tpu.memory_space<vmem_shared>>
      tpu.enqueue_indirect_dma source(%arg7 : memref<128xf32, #tpu.memory_space<vmem>>) target(%dma_start3A_137 : memref<10240xf32, #tpu.memory_space<vmem_shared>>) offsets(%dma_start3A_135 : memref<128xi32, #tpu.memory_space<vmem>>) semaphore(%arg11 : memref<!tpu.dma_semaphore, #tpu.memory_space<semaphore_mem>>) {add = true}
      %mul3A_138 = arith.constant 16 : i32
      %mul3A_139 = arith.muli %add3A_68, %mul3A_138 : i32
      %add3A_140 = arith.constant 5 : i32
      %add3A_141 = arith.addi %mul3A_139, %add3A_140 : i32
      %dma_start3A_142 = arith.constant 0 : i32
      %dma_start3A_143 = tpu.memref_slice %arg5[%add3A_141, %dma_start3A_142] : memref<80x128xi32, #tpu.memory_space<vmem>> -> memref<1x128xi32, #tpu.memory_space<vmem>>
      %dma_start3A_144 = tpu.memref_squeeze %dma_start3A_143 : memref<1x128xi32, #tpu.memory_space<vmem>> -> memref<128xi32, #tpu.memory_space<vmem>>
      %dma_start3A_145 = arith.constant 0 : i32
      %dma_start3A_146 = tpu.memref_slice %arg9[%dma_start3A_145] : memref<10240xf32, #tpu.memory_space<vmem_shared>> -> memref<10240xf32, #tpu.memory_space<vmem_shared>>
      tpu.enqueue_indirect_dma source(%arg7 : memref<128xf32, #tpu.memory_space<vmem>>) target(%dma_start3A_146 : memref<10240xf32, #tpu.memory_space<vmem_shared>>) offsets(%dma_start3A_144 : memref<128xi32, #tpu.memory_space<vmem>>) semaphore(%arg11 : memref<!tpu.dma_semaphore, #tpu.memory_space<semaphore_mem>>) {add = true}
      %dma_start3A_147 = arith.constant 0 : i32
      %dma_start3A_148 = tpu.memref_slice %arg6[%add3A_141, %dma_start3A_147] : memref<80x128xi32, #tpu.memory_space<vmem>> -> memref<1x128xi32, #tpu.memory_space<vmem>>
      %dma_start3A_149 = tpu.memref_squeeze %dma_start3A_148 : memref<1x128xi32, #tpu.memory_space<vmem>> -> memref<128xi32, #tpu.memory_space<vmem>>
      %dma_start3A_150 = arith.constant 0 : i32
      %dma_start3A_151 = tpu.memref_slice %arg10[%dma_start3A_150] : memref<10240xf32, #tpu.memory_space<vmem_shared>> -> memref<10240xf32, #tpu.memory_space<vmem_shared>>
      tpu.enqueue_indirect_dma source(%arg7 : memref<128xf32, #tpu.memory_space<vmem>>) target(%dma_start3A_151 : memref<10240xf32, #tpu.memory_space<vmem_shared>>) offsets(%dma_start3A_149 : memref<128xi32, #tpu.memory_space<vmem>>) semaphore(%arg11 : memref<!tpu.dma_semaphore, #tpu.memory_space<semaphore_mem>>) {add = true}
      %mul3A_152 = arith.constant 16 : i32
      %mul3A_153 = arith.muli %add3A_68, %mul3A_152 : i32
      %add3A_154 = arith.constant 6 : i32
      %add3A_155 = arith.addi %mul3A_153, %add3A_154 : i32
      %dma_start3A_156 = arith.constant 0 : i32
      %dma_start3A_157 = tpu.memref_slice %arg5[%add3A_155, %dma_start3A_156] : memref<80x128xi32, #tpu.memory_space<vmem>> -> memref<1x128xi32, #tpu.memory_space<vmem>>
      %dma_start3A_158 = tpu.memref_squeeze %dma_start3A_157 : memref<1x128xi32, #tpu.memory_space<vmem>> -> memref<128xi32, #tpu.memory_space<vmem>>
      %dma_start3A_159 = arith.constant 0 : i32
      %dma_start3A_160 = tpu.memref_slice %arg9[%dma_start3A_159] : memref<10240xf32, #tpu.memory_space<vmem_shared>> -> memref<10240xf32, #tpu.memory_space<vmem_shared>>
      tpu.enqueue_indirect_dma source(%arg7 : memref<128xf32, #tpu.memory_space<vmem>>) target(%dma_start3A_160 : memref<10240xf32, #tpu.memory_space<vmem_shared>>) offsets(%dma_start3A_158 : memref<128xi32, #tpu.memory_space<vmem>>) semaphore(%arg11 : memref<!tpu.dma_semaphore, #tpu.memory_space<semaphore_mem>>) {add = true}
      %dma_start3A_161 = arith.constant 0 : i32
      %dma_start3A_162 = tpu.memref_slice %arg6[%add3A_155, %dma_start3A_161] : memref<80x128xi32, #tpu.memory_space<vmem>> -> memref<1x128xi32, #tpu.memory_space<vmem>>
      %dma_start3A_163 = tpu.memref_squeeze %dma_start3A_162 : memref<1x128xi32, #tpu.memory_space<vmem>> -> memref<128xi32, #tpu.memory_space<vmem>>
      %dma_start3A_164 = arith.constant 0 : i32
      %dma_start3A_165 = tpu.memref_slice %arg10[%dma_start3A_164] : memref<10240xf32, #tpu.memory_space<vmem_shared>> -> memref<10240xf32, #tpu.memory_space<vmem_shared>>
      tpu.enqueue_indirect_dma source(%arg7 : memref<128xf32, #tpu.memory_space<vmem>>) target(%dma_start3A_165 : memref<10240xf32, #tpu.memory_space<vmem_shared>>) offsets(%dma_start3A_163 : memref<128xi32, #tpu.memory_space<vmem>>) semaphore(%arg11 : memref<!tpu.dma_semaphore, #tpu.memory_space<semaphore_mem>>) {add = true}
      %mul3A_166 = arith.constant 16 : i32
      %mul3A_167 = arith.muli %add3A_68, %mul3A_166 : i32
      %add3A_168 = arith.constant 7 : i32
      %add3A_169 = arith.addi %mul3A_167, %add3A_168 : i32
      %dma_start3A_170 = arith.constant 0 : i32
      %dma_start3A_171 = tpu.memref_slice %arg5[%add3A_169, %dma_start3A_170] : memref<80x128xi32, #tpu.memory_space<vmem>> -> memref<1x128xi32, #tpu.memory_space<vmem>>
      %dma_start3A_172 = tpu.memref_squeeze %dma_start3A_171 : memref<1x128xi32, #tpu.memory_space<vmem>> -> memref<128xi32, #tpu.memory_space<vmem>>
      %dma_start3A_173 = arith.constant 0 : i32
      %dma_start3A_174 = tpu.memref_slice %arg9[%dma_start3A_173] : memref<10240xf32, #tpu.memory_space<vmem_shared>> -> memref<10240xf32, #tpu.memory_space<vmem_shared>>
      tpu.enqueue_indirect_dma source(%arg7 : memref<128xf32, #tpu.memory_space<vmem>>) target(%dma_start3A_174 : memref<10240xf32, #tpu.memory_space<vmem_shared>>) offsets(%dma_start3A_172 : memref<128xi32, #tpu.memory_space<vmem>>) semaphore(%arg11 : memref<!tpu.dma_semaphore, #tpu.memory_space<semaphore_mem>>) {add = true}
      %dma_start3A_175 = arith.constant 0 : i32
      %dma_start3A_176 = tpu.memref_slice %arg6[%add3A_169, %dma_start3A_175] : memref<80x128xi32, #tpu.memory_space<vmem>> -> memref<1x128xi32, #tpu.memory_space<vmem>>
      %dma_start3A_177 = tpu.memref_squeeze %dma_start3A_176 : memref<1x128xi32, #tpu.memory_space<vmem>> -> memref<128xi32, #tpu.memory_space<vmem>>
      %dma_start3A_178 = arith.constant 0 : i32
      %dma_start3A_179 = tpu.memref_slice %arg10[%dma_start3A_178] : memref<10240xf32, #tpu.memory_space<vmem_shared>> -> memref<10240xf32, #tpu.memory_space<vmem_shared>>
      tpu.enqueue_indirect_dma source(%arg7 : memref<128xf32, #tpu.memory_space<vmem>>) target(%dma_start3A_179 : memref<10240xf32, #tpu.memory_space<vmem_shared>>) offsets(%dma_start3A_177 : memref<128xi32, #tpu.memory_space<vmem>>) semaphore(%arg11 : memref<!tpu.dma_semaphore, #tpu.memory_space<semaphore_mem>>) {add = true}
      %mul3A_180 = arith.constant 16 : i32
      %mul3A_181 = arith.muli %add3A_68, %mul3A_180 : i32
      %add3A_182 = arith.constant 8 : i32
      %add3A_183 = arith.addi %mul3A_181, %add3A_182 : i32
      %dma_start3A_184 = arith.constant 0 : i32
      %dma_start3A_185 = tpu.memref_slice %arg5[%add3A_183, %dma_start3A_184] : memref<80x128xi32, #tpu.memory_space<vmem>> -> memref<1x128xi32, #tpu.memory_space<vmem>>
      %dma_start3A_186 = tpu.memref_squeeze %dma_start3A_185 : memref<1x128xi32, #tpu.memory_space<vmem>> -> memref<128xi32, #tpu.memory_space<vmem>>
      %dma_start3A_187 = arith.constant 0 : i32
      %dma_start3A_188 = tpu.memref_slice %arg9[%dma_start3A_187] : memref<10240xf32, #tpu.memory_space<vmem_shared>> -> memref<10240xf32, #tpu.memory_space<vmem_shared>>
      tpu.enqueue_indirect_dma source(%arg7 : memref<128xf32, #tpu.memory_space<vmem>>) target(%dma_start3A_188 : memref<10240xf32, #tpu.memory_space<vmem_shared>>) offsets(%dma_start3A_186 : memref<128xi32, #tpu.memory_space<vmem>>) semaphore(%arg11 : memref<!tpu.dma_semaphore, #tpu.memory_space<semaphore_mem>>) {add = true}
      %dma_start3A_189 = arith.constant 0 : i32
      %dma_start3A_190 = tpu.memref_slice %arg6[%add3A_183, %dma_start3A_189] : memref<80x128xi32, #tpu.memory_space<vmem>> -> memref<1x128xi32, #tpu.memory_space<vmem>>
      %dma_start3A_191 = tpu.memref_squeeze %dma_start3A_190 : memref<1x128xi32, #tpu.memory_space<vmem>> -> memref<128xi32, #tpu.memory_space<vmem>>
      %dma_start3A_192 = arith.constant 0 : i32
      %dma_start3A_193 = tpu.memref_slice %arg10[%dma_start3A_192] : memref<10240xf32, #tpu.memory_space<vmem_shared>> -> memref<10240xf32, #tpu.memory_space<vmem_shared>>
      tpu.enqueue_indirect_dma source(%arg7 : memref<128xf32, #tpu.memory_space<vmem>>) target(%dma_start3A_193 : memref<10240xf32, #tpu.memory_space<vmem_shared>>) offsets(%dma_start3A_191 : memref<128xi32, #tpu.memory_space<vmem>>) semaphore(%arg11 : memref<!tpu.dma_semaphore, #tpu.memory_space<semaphore_mem>>) {add = true}
      %mul3A_194 = arith.constant 16 : i32
      %mul3A_195 = arith.muli %add3A_68, %mul3A_194 : i32
      %add3A_196 = arith.constant 9 : i32
      %add3A_197 = arith.addi %mul3A_195, %add3A_196 : i32
      %dma_start3A_198 = arith.constant 0 : i32
      %dma_start3A_199 = tpu.memref_slice %arg5[%add3A_197, %dma_start3A_198] : memref<80x128xi32, #tpu.memory_space<vmem>> -> memref<1x128xi32, #tpu.memory_space<vmem>>
      %dma_start3A_200 = tpu.memref_squeeze %dma_start3A_199 : memref<1x128xi32, #tpu.memory_space<vmem>> -> memref<128xi32, #tpu.memory_space<vmem>>
      %dma_start3A_201 = arith.constant 0 : i32
      %dma_start3A_202 = tpu.memref_slice %arg9[%dma_start3A_201] : memref<10240xf32, #tpu.memory_space<vmem_shared>> -> memref<10240xf32, #tpu.memory_space<vmem_shared>>
      tpu.enqueue_indirect_dma source(%arg7 : memref<128xf32, #tpu.memory_space<vmem>>) target(%dma_start3A_202 : memref<10240xf32, #tpu.memory_space<vmem_shared>>) offsets(%dma_start3A_200 : memref<128xi32, #tpu.memory_space<vmem>>) semaphore(%arg11 : memref<!tpu.dma_semaphore, #tpu.memory_space<semaphore_mem>>) {add = true}
      %dma_start3A_203 = arith.constant 0 : i32
      %dma_start3A_204 = tpu.memref_slice %arg6[%add3A_197, %dma_start3A_203] : memref<80x128xi32, #tpu.memory_space<vmem>> -> memref<1x128xi32, #tpu.memory_space<vmem>>
      %dma_start3A_205 = tpu.memref_squeeze %dma_start3A_204 : memref<1x128xi32, #tpu.memory_space<vmem>> -> memref<128xi32, #tpu.memory_space<vmem>>
      %dma_start3A_206 = arith.constant 0 : i32
      %dma_start3A_207 = tpu.memref_slice %arg10[%dma_start3A_206] : memref<10240xf32, #tpu.memory_space<vmem_shared>> -> memref<10240xf32, #tpu.memory_space<vmem_shared>>
      tpu.enqueue_indirect_dma source(%arg7 : memref<128xf32, #tpu.memory_space<vmem>>) target(%dma_start3A_207 : memref<10240xf32, #tpu.memory_space<vmem_shared>>) offsets(%dma_start3A_205 : memref<128xi32, #tpu.memory_space<vmem>>) semaphore(%arg11 : memref<!tpu.dma_semaphore, #tpu.memory_space<semaphore_mem>>) {add = true}
      %mul3A_208 = arith.constant 16 : i32
      %mul3A_209 = arith.muli %add3A_68, %mul3A_208 : i32
      %add3A_210 = arith.constant 10 : i32
      %add3A_211 = arith.addi %mul3A_209, %add3A_210 : i32
      %dma_start3A_212 = arith.constant 0 : i32
      %dma_start3A_213 = tpu.memref_slice %arg5[%add3A_211, %dma_start3A_212] : memref<80x128xi32, #tpu.memory_space<vmem>> -> memref<1x128xi32, #tpu.memory_space<vmem>>
      %dma_start3A_214 = tpu.memref_squeeze %dma_start3A_213 : memref<1x128xi32, #tpu.memory_space<vmem>> -> memref<128xi32, #tpu.memory_space<vmem>>
      %dma_start3A_215 = arith.constant 0 : i32
      %dma_start3A_216 = tpu.memref_slice %arg9[%dma_start3A_215] : memref<10240xf32, #tpu.memory_space<vmem_shared>> -> memref<10240xf32, #tpu.memory_space<vmem_shared>>
      tpu.enqueue_indirect_dma source(%arg7 : memref<128xf32, #tpu.memory_space<vmem>>) target(%dma_start3A_216 : memref<10240xf32, #tpu.memory_space<vmem_shared>>) offsets(%dma_start3A_214 : memref<128xi32, #tpu.memory_space<vmem>>) semaphore(%arg11 : memref<!tpu.dma_semaphore, #tpu.memory_space<semaphore_mem>>) {add = true}
      %dma_start3A_217 = arith.constant 0 : i32
      %dma_start3A_218 = tpu.memref_slice %arg6[%add3A_211, %dma_start3A_217] : memref<80x128xi32, #tpu.memory_space<vmem>> -> memref<1x128xi32, #tpu.memory_space<vmem>>
      %dma_start3A_219 = tpu.memref_squeeze %dma_start3A_218 : memref<1x128xi32, #tpu.memory_space<vmem>> -> memref<128xi32, #tpu.memory_space<vmem>>
      %dma_start3A_220 = arith.constant 0 : i32
      %dma_start3A_221 = tpu.memref_slice %arg10[%dma_start3A_220] : memref<10240xf32, #tpu.memory_space<vmem_shared>> -> memref<10240xf32, #tpu.memory_space<vmem_shared>>
      tpu.enqueue_indirect_dma source(%arg7 : memref<128xf32, #tpu.memory_space<vmem>>) target(%dma_start3A_221 : memref<10240xf32, #tpu.memory_space<vmem_shared>>) offsets(%dma_start3A_219 : memref<128xi32, #tpu.memory_space<vmem>>) semaphore(%arg11 : memref<!tpu.dma_semaphore, #tpu.memory_space<semaphore_mem>>) {add = true}
      %mul3A_222 = arith.constant 16 : i32
      %mul3A_223 = arith.muli %add3A_68, %mul3A_222 : i32
      %add3A_224 = arith.constant 11 : i32
      %add3A_225 = arith.addi %mul3A_223, %add3A_224 : i32
      %dma_start3A_226 = arith.constant 0 : i32
      %dma_start3A_227 = tpu.memref_slice %arg5[%add3A_225, %dma_start3A_226] : memref<80x128xi32, #tpu.memory_space<vmem>> -> memref<1x128xi32, #tpu.memory_space<vmem>>
      %dma_start3A_228 = tpu.memref_squeeze %dma_start3A_227 : memref<1x128xi32, #tpu.memory_space<vmem>> -> memref<128xi32, #tpu.memory_space<vmem>>
      %dma_start3A_229 = arith.constant 0 : i32
      %dma_start3A_230 = tpu.memref_slice %arg9[%dma_start3A_229] : memref<10240xf32, #tpu.memory_space<vmem_shared>> -> memref<10240xf32, #tpu.memory_space<vmem_shared>>
      tpu.enqueue_indirect_dma source(%arg7 : memref<128xf32, #tpu.memory_space<vmem>>) target(%dma_start3A_230 : memref<10240xf32, #tpu.memory_space<vmem_shared>>) offsets(%dma_start3A_228 : memref<128xi32, #tpu.memory_space<vmem>>) semaphore(%arg11 : memref<!tpu.dma_semaphore, #tpu.memory_space<semaphore_mem>>) {add = true}
      %dma_start3A_231 = arith.constant 0 : i32
      %dma_start3A_232 = tpu.memref_slice %arg6[%add3A_225, %dma_start3A_231] : memref<80x128xi32, #tpu.memory_space<vmem>> -> memref<1x128xi32, #tpu.memory_space<vmem>>
      %dma_start3A_233 = tpu.memref_squeeze %dma_start3A_232 : memref<1x128xi32, #tpu.memory_space<vmem>> -> memref<128xi32, #tpu.memory_space<vmem>>
      %dma_start3A_234 = arith.constant 0 : i32
      %dma_start3A_235 = tpu.memref_slice %arg10[%dma_start3A_234] : memref<10240xf32, #tpu.memory_space<vmem_shared>> -> memref<10240xf32, #tpu.memory_space<vmem_shared>>
      tpu.enqueue_indirect_dma source(%arg7 : memref<128xf32, #tpu.memory_space<vmem>>) target(%dma_start3A_235 : memref<10240xf32, #tpu.memory_space<vmem_shared>>) offsets(%dma_start3A_233 : memref<128xi32, #tpu.memory_space<vmem>>) semaphore(%arg11 : memref<!tpu.dma_semaphore, #tpu.memory_space<semaphore_mem>>) {add = true}
      %mul3A_236 = arith.constant 16 : i32
      %mul3A_237 = arith.muli %add3A_68, %mul3A_236 : i32
      %add3A_238 = arith.constant 12 : i32
      %add3A_239 = arith.addi %mul3A_237, %add3A_238 : i32
      %dma_start3A_240 = arith.constant 0 : i32
      %dma_start3A_241 = tpu.memref_slice %arg5[%add3A_239, %dma_start3A_240] : memref<80x128xi32, #tpu.memory_space<vmem>> -> memref<1x128xi32, #tpu.memory_space<vmem>>
      %dma_start3A_242 = tpu.memref_squeeze %dma_start3A_241 : memref<1x128xi32, #tpu.memory_space<vmem>> -> memref<128xi32, #tpu.memory_space<vmem>>
      %dma_start3A_243 = arith.constant 0 : i32
      %dma_start3A_244 = tpu.memref_slice %arg9[%dma_start3A_243] : memref<10240xf32, #tpu.memory_space<vmem_shared>> -> memref<10240xf32, #tpu.memory_space<vmem_shared>>
      tpu.enqueue_indirect_dma source(%arg7 : memref<128xf32, #tpu.memory_space<vmem>>) target(%dma_start3A_244 : memref<10240xf32, #tpu.memory_space<vmem_shared>>) offsets(%dma_start3A_242 : memref<128xi32, #tpu.memory_space<vmem>>) semaphore(%arg11 : memref<!tpu.dma_semaphore, #tpu.memory_space<semaphore_mem>>) {add = true}
      %dma_start3A_245 = arith.constant 0 : i32
      %dma_start3A_246 = tpu.memref_slice %arg6[%add3A_239, %dma_start3A_245] : memref<80x128xi32, #tpu.memory_space<vmem>> -> memref<1x128xi32, #tpu.memory_space<vmem>>
      %dma_start3A_247 = tpu.memref_squeeze %dma_start3A_246 : memref<1x128xi32, #tpu.memory_space<vmem>> -> memref<128xi32, #tpu.memory_space<vmem>>
      %dma_start3A_248 = arith.constant 0 : i32
      %dma_start3A_249 = tpu.memref_slice %arg10[%dma_start3A_248] : memref<10240xf32, #tpu.memory_space<vmem_shared>> -> memref<10240xf32, #tpu.memory_space<vmem_shared>>
      tpu.enqueue_indirect_dma source(%arg7 : memref<128xf32, #tpu.memory_space<vmem>>) target(%dma_start3A_249 : memref<10240xf32, #tpu.memory_space<vmem_shared>>) offsets(%dma_start3A_247 : memref<128xi32, #tpu.memory_space<vmem>>) semaphore(%arg11 : memref<!tpu.dma_semaphore, #tpu.memory_space<semaphore_mem>>) {add = true}
      %mul3A_250 = arith.constant 16 : i32
      %mul3A_251 = arith.muli %add3A_68, %mul3A_250 : i32
      %add3A_252 = arith.constant 13 : i32
      %add3A_253 = arith.addi %mul3A_251, %add3A_252 : i32
      %dma_start3A_254 = arith.constant 0 : i32
      %dma_start3A_255 = tpu.memref_slice %arg5[%add3A_253, %dma_start3A_254] : memref<80x128xi32, #tpu.memory_space<vmem>> -> memref<1x128xi32, #tpu.memory_space<vmem>>
      %dma_start3A_256 = tpu.memref_squeeze %dma_start3A_255 : memref<1x128xi32, #tpu.memory_space<vmem>> -> memref<128xi32, #tpu.memory_space<vmem>>
      %dma_start3A_257 = arith.constant 0 : i32
      %dma_start3A_258 = tpu.memref_slice %arg9[%dma_start3A_257] : memref<10240xf32, #tpu.memory_space<vmem_shared>> -> memref<10240xf32, #tpu.memory_space<vmem_shared>>
      tpu.enqueue_indirect_dma source(%arg7 : memref<128xf32, #tpu.memory_space<vmem>>) target(%dma_start3A_258 : memref<10240xf32, #tpu.memory_space<vmem_shared>>) offsets(%dma_start3A_256 : memref<128xi32, #tpu.memory_space<vmem>>) semaphore(%arg11 : memref<!tpu.dma_semaphore, #tpu.memory_space<semaphore_mem>>) {add = true}
      %dma_start3A_259 = arith.constant 0 : i32
      %dma_start3A_260 = tpu.memref_slice %arg6[%add3A_253, %dma_start3A_259] : memref<80x128xi32, #tpu.memory_space<vmem>> -> memref<1x128xi32, #tpu.memory_space<vmem>>
      %dma_start3A_261 = tpu.memref_squeeze %dma_start3A_260 : memref<1x128xi32, #tpu.memory_space<vmem>> -> memref<128xi32, #tpu.memory_space<vmem>>
      %dma_start3A_262 = arith.constant 0 : i32
      %dma_start3A_263 = tpu.memref_slice %arg10[%dma_start3A_262] : memref<10240xf32, #tpu.memory_space<vmem_shared>> -> memref<10240xf32, #tpu.memory_space<vmem_shared>>
      tpu.enqueue_indirect_dma source(%arg7 : memref<128xf32, #tpu.memory_space<vmem>>) target(%dma_start3A_263 : memref<10240xf32, #tpu.memory_space<vmem_shared>>) offsets(%dma_start3A_261 : memref<128xi32, #tpu.memory_space<vmem>>) semaphore(%arg11 : memref<!tpu.dma_semaphore, #tpu.memory_space<semaphore_mem>>) {add = true}
      %mul3A_264 = arith.constant 16 : i32
      %mul3A_265 = arith.muli %add3A_68, %mul3A_264 : i32
      %add3A_266 = arith.constant 14 : i32
      %add3A_267 = arith.addi %mul3A_265, %add3A_266 : i32
      %dma_start3A_268 = arith.constant 0 : i32
      %dma_start3A_269 = tpu.memref_slice %arg5[%add3A_267, %dma_start3A_268] : memref<80x128xi32, #tpu.memory_space<vmem>> -> memref<1x128xi32, #tpu.memory_space<vmem>>
      %dma_start3A_270 = tpu.memref_squeeze %dma_start3A_269 : memref<1x128xi32, #tpu.memory_space<vmem>> -> memref<128xi32, #tpu.memory_space<vmem>>
      %dma_start3A_271 = arith.constant 0 : i32
      %dma_start3A_272 = tpu.memref_slice %arg9[%dma_start3A_271] : memref<10240xf32, #tpu.memory_space<vmem_shared>> -> memref<10240xf32, #tpu.memory_space<vmem_shared>>
      tpu.enqueue_indirect_dma source(%arg7 : memref<128xf32, #tpu.memory_space<vmem>>) target(%dma_start3A_272 : memref<10240xf32, #tpu.memory_space<vmem_shared>>) offsets(%dma_start3A_270 : memref<128xi32, #tpu.memory_space<vmem>>) semaphore(%arg11 : memref<!tpu.dma_semaphore, #tpu.memory_space<semaphore_mem>>) {add = true}
      %dma_start3A_273 = arith.constant 0 : i32
      %dma_start3A_274 = tpu.memref_slice %arg6[%add3A_267, %dma_start3A_273] : memref<80x128xi32, #tpu.memory_space<vmem>> -> memref<1x128xi32, #tpu.memory_space<vmem>>
      %dma_start3A_275 = tpu.memref_squeeze %dma_start3A_274 : memref<1x128xi32, #tpu.memory_space<vmem>> -> memref<128xi32, #tpu.memory_space<vmem>>
      %dma_start3A_276 = arith.constant 0 : i32
      %dma_start3A_277 = tpu.memref_slice %arg10[%dma_start3A_276] : memref<10240xf32, #tpu.memory_space<vmem_shared>> -> memref<10240xf32, #tpu.memory_space<vmem_shared>>
      tpu.enqueue_indirect_dma source(%arg7 : memref<128xf32, #tpu.memory_space<vmem>>) target(%dma_start3A_277 : memref<10240xf32, #tpu.memory_space<vmem_shared>>) offsets(%dma_start3A_275 : memref<128xi32, #tpu.memory_space<vmem>>) semaphore(%arg11 : memref<!tpu.dma_semaphore, #tpu.memory_space<semaphore_mem>>) {add = true}
      %mul3A_278 = arith.constant 16 : i32
      %mul3A_279 = arith.muli %add3A_68, %mul3A_278 : i32
      %add3A_280 = arith.constant 15 : i32
      %add3A_281 = arith.addi %mul3A_279, %add3A_280 : i32
      %dma_start3A_282 = arith.constant 0 : i32
      %dma_start3A_283 = tpu.memref_slice %arg5[%add3A_281, %dma_start3A_282] : memref<80x128xi32, #tpu.memory_space<vmem>> -> memref<1x128xi32, #tpu.memory_space<vmem>>
      %dma_start3A_284 = tpu.memref_squeeze %dma_start3A_283 : memref<1x128xi32, #tpu.memory_space<vmem>> -> memref<128xi32, #tpu.memory_space<vmem>>
      %dma_start3A_285 = arith.constant 0 : i32
      %dma_start3A_286 = tpu.memref_slice %arg9[%dma_start3A_285] : memref<10240xf32, #tpu.memory_space<vmem_shared>> -> memref<10240xf32, #tpu.memory_space<vmem_shared>>
      tpu.enqueue_indirect_dma source(%arg7 : memref<128xf32, #tpu.memory_space<vmem>>) target(%dma_start3A_286 : memref<10240xf32, #tpu.memory_space<vmem_shared>>) offsets(%dma_start3A_284 : memref<128xi32, #tpu.memory_space<vmem>>) semaphore(%arg11 : memref<!tpu.dma_semaphore, #tpu.memory_space<semaphore_mem>>) {add = true}
      %dma_start3A_287 = arith.constant 0 : i32
      %dma_start3A_288 = tpu.memref_slice %arg6[%add3A_281, %dma_start3A_287] : memref<80x128xi32, #tpu.memory_space<vmem>> -> memref<1x128xi32, #tpu.memory_space<vmem>>
      %dma_start3A_289 = tpu.memref_squeeze %dma_start3A_288 : memref<1x128xi32, #tpu.memory_space<vmem>> -> memref<128xi32, #tpu.memory_space<vmem>>
      %dma_start3A_290 = arith.constant 0 : i32
      %dma_start3A_291 = tpu.memref_slice %arg10[%dma_start3A_290] : memref<10240xf32, #tpu.memory_space<vmem_shared>> -> memref<10240xf32, #tpu.memory_space<vmem_shared>>
      tpu.enqueue_indirect_dma source(%arg7 : memref<128xf32, #tpu.memory_space<vmem>>) target(%dma_start3A_291 : memref<10240xf32, #tpu.memory_space<vmem_shared>>) offsets(%dma_start3A_289 : memref<128xi32, #tpu.memory_space<vmem>>) semaphore(%arg11 : memref<!tpu.dma_semaphore, #tpu.memory_space<semaphore_mem>>) {add = true}
      %mul3A_292 = arith.constant 16 : i32
      %mul3A_293 = arith.muli %add3A_68, %mul3A_292 : i32
      %add3A_294 = arith.constant 0 : i32
      %add3A_295 = arith.addi %mul3A_293, %add3A_294 : i32
      %dma_wait3A = arith.constant 0 : i32
      %dma_wait3A_296 = tpu.memref_slice %arg5[%add3A_295, %dma_wait3A] : memref<80x128xi32, #tpu.memory_space<vmem>> -> memref<1x128xi32, #tpu.memory_space<vmem>>
      %dma_wait3A_297 = tpu.memref_squeeze %dma_wait3A_296 : memref<1x128xi32, #tpu.memory_space<vmem>> -> memref<128xi32, #tpu.memory_space<vmem>>
      %dma_wait3A_298 = arith.constant 0 : i32
      %dma_wait3A_299 = tpu.memref_slice %arg9[%dma_wait3A_298] : memref<10240xf32, #tpu.memory_space<vmem_shared>> -> memref<10240xf32, #tpu.memory_space<vmem_shared>>
      tpu.wait_indirect_dma semaphore(%arg11 : memref<!tpu.dma_semaphore, #tpu.memory_space<semaphore_mem>>) src(%arg7 : memref<128xf32, #tpu.memory_space<vmem>>) dst(%dma_wait3A_299 : memref<10240xf32, #tpu.memory_space<vmem_shared>>)
      %dma_wait3A_300 = arith.constant 0 : i32
      %dma_wait3A_301 = tpu.memref_slice %arg6[%add3A_295, %dma_wait3A_300] : memref<80x128xi32, #tpu.memory_space<vmem>> -> memref<1x128xi32, #tpu.memory_space<vmem>>
      %dma_wait3A_302 = tpu.memref_squeeze %dma_wait3A_301 : memref<1x128xi32, #tpu.memory_space<vmem>> -> memref<128xi32, #tpu.memory_space<vmem>>
      %dma_wait3A_303 = arith.constant 0 : i32
      %dma_wait3A_304 = tpu.memref_slice %arg10[%dma_wait3A_303] : memref<10240xf32, #tpu.memory_space<vmem_shared>> -> memref<10240xf32, #tpu.memory_space<vmem_shared>>
      tpu.wait_indirect_dma semaphore(%arg11 : memref<!tpu.dma_semaphore, #tpu.memory_space<semaphore_mem>>) src(%arg7 : memref<128xf32, #tpu.memory_space<vmem>>) dst(%dma_wait3A_304 : memref<10240xf32, #tpu.memory_space<vmem_shared>>)
      %mul3A_305 = arith.constant 16 : i32
      %mul3A_306 = arith.muli %add3A_68, %mul3A_305 : i32
      %add3A_307 = arith.constant 1 : i32
      %add3A_308 = arith.addi %mul3A_306, %add3A_307 : i32
      %dma_wait3A_309 = arith.constant 0 : i32
      %dma_wait3A_310 = tpu.memref_slice %arg5[%add3A_308, %dma_wait3A_309] : memref<80x128xi32, #tpu.memory_space<vmem>> -> memref<1x128xi32, #tpu.memory_space<vmem>>
      %dma_wait3A_311 = tpu.memref_squeeze %dma_wait3A_310 : memref<1x128xi32, #tpu.memory_space<vmem>> -> memref<128xi32, #tpu.memory_space<vmem>>
      %dma_wait3A_312 = arith.constant 0 : i32
      %dma_wait3A_313 = tpu.memref_slice %arg9[%dma_wait3A_312] : memref<10240xf32, #tpu.memory_space<vmem_shared>> -> memref<10240xf32, #tpu.memory_space<vmem_shared>>
      tpu.wait_indirect_dma semaphore(%arg11 : memref<!tpu.dma_semaphore, #tpu.memory_space<semaphore_mem>>) src(%arg7 : memref<128xf32, #tpu.memory_space<vmem>>) dst(%dma_wait3A_313 : memref<10240xf32, #tpu.memory_space<vmem_shared>>)
      %dma_wait3A_314 = arith.constant 0 : i32
      %dma_wait3A_315 = tpu.memref_slice %arg6[%add3A_308, %dma_wait3A_314] : memref<80x128xi32, #tpu.memory_space<vmem>> -> memref<1x128xi32, #tpu.memory_space<vmem>>
      %dma_wait3A_316 = tpu.memref_squeeze %dma_wait3A_315 : memref<1x128xi32, #tpu.memory_space<vmem>> -> memref<128xi32, #tpu.memory_space<vmem>>
      %dma_wait3A_317 = arith.constant 0 : i32
      %dma_wait3A_318 = tpu.memref_slice %arg10[%dma_wait3A_317] : memref<10240xf32, #tpu.memory_space<vmem_shared>> -> memref<10240xf32, #tpu.memory_space<vmem_shared>>
      tpu.wait_indirect_dma semaphore(%arg11 : memref<!tpu.dma_semaphore, #tpu.memory_space<semaphore_mem>>) src(%arg7 : memref<128xf32, #tpu.memory_space<vmem>>) dst(%dma_wait3A_318 : memref<10240xf32, #tpu.memory_space<vmem_shared>>)
      %mul3A_319 = arith.constant 16 : i32
      %mul3A_320 = arith.muli %add3A_68, %mul3A_319 : i32
      %add3A_321 = arith.constant 2 : i32
      %add3A_322 = arith.addi %mul3A_320, %add3A_321 : i32
      %dma_wait3A_323 = arith.constant 0 : i32
      %dma_wait3A_324 = tpu.memref_slice %arg5[%add3A_322, %dma_wait3A_323] : memref<80x128xi32, #tpu.memory_space<vmem>> -> memref<1x128xi32, #tpu.memory_space<vmem>>
      %dma_wait3A_325 = tpu.memref_squeeze %dma_wait3A_324 : memref<1x128xi32, #tpu.memory_space<vmem>> -> memref<128xi32, #tpu.memory_space<vmem>>
      %dma_wait3A_326 = arith.constant 0 : i32
      %dma_wait3A_327 = tpu.memref_slice %arg9[%dma_wait3A_326] : memref<10240xf32, #tpu.memory_space<vmem_shared>> -> memref<10240xf32, #tpu.memory_space<vmem_shared>>
      tpu.wait_indirect_dma semaphore(%arg11 : memref<!tpu.dma_semaphore, #tpu.memory_space<semaphore_mem>>) src(%arg7 : memref<128xf32, #tpu.memory_space<vmem>>) dst(%dma_wait3A_327 : memref<10240xf32, #tpu.memory_space<vmem_shared>>)
      %dma_wait3A_328 = arith.constant 0 : i32
      %dma_wait3A_329 = tpu.memref_slice %arg6[%add3A_322, %dma_wait3A_328] : memref<80x128xi32, #tpu.memory_space<vmem>> -> memref<1x128xi32, #tpu.memory_space<vmem>>
      %dma_wait3A_330 = tpu.memref_squeeze %dma_wait3A_329 : memref<1x128xi32, #tpu.memory_space<vmem>> -> memref<128xi32, #tpu.memory_space<vmem>>
      %dma_wait3A_331 = arith.constant 0 : i32
      %dma_wait3A_332 = tpu.memref_slice %arg10[%dma_wait3A_331] : memref<10240xf32, #tpu.memory_space<vmem_shared>> -> memref<10240xf32, #tpu.memory_space<vmem_shared>>
      tpu.wait_indirect_dma semaphore(%arg11 : memref<!tpu.dma_semaphore, #tpu.memory_space<semaphore_mem>>) src(%arg7 : memref<128xf32, #tpu.memory_space<vmem>>) dst(%dma_wait3A_332 : memref<10240xf32, #tpu.memory_space<vmem_shared>>)
      %mul3A_333 = arith.constant 16 : i32
      %mul3A_334 = arith.muli %add3A_68, %mul3A_333 : i32
      %add3A_335 = arith.constant 3 : i32
      %add3A_336 = arith.addi %mul3A_334, %add3A_335 : i32
      %dma_wait3A_337 = arith.constant 0 : i32
      %dma_wait3A_338 = tpu.memref_slice %arg5[%add3A_336, %dma_wait3A_337] : memref<80x128xi32, #tpu.memory_space<vmem>> -> memref<1x128xi32, #tpu.memory_space<vmem>>
      %dma_wait3A_339 = tpu.memref_squeeze %dma_wait3A_338 : memref<1x128xi32, #tpu.memory_space<vmem>> -> memref<128xi32, #tpu.memory_space<vmem>>
      %dma_wait3A_340 = arith.constant 0 : i32
      %dma_wait3A_341 = tpu.memref_slice %arg9[%dma_wait3A_340] : memref<10240xf32, #tpu.memory_space<vmem_shared>> -> memref<10240xf32, #tpu.memory_space<vmem_shared>>
      tpu.wait_indirect_dma semaphore(%arg11 : memref<!tpu.dma_semaphore, #tpu.memory_space<semaphore_mem>>) src(%arg7 : memref<128xf32, #tpu.memory_space<vmem>>) dst(%dma_wait3A_341 : memref<10240xf32, #tpu.memory_space<vmem_shared>>)
      %dma_wait3A_342 = arith.constant 0 : i32
      %dma_wait3A_343 = tpu.memref_slice %arg6[%add3A_336, %dma_wait3A_342] : memref<80x128xi32, #tpu.memory_space<vmem>> -> memref<1x128xi32, #tpu.memory_space<vmem>>
      %dma_wait3A_344 = tpu.memref_squeeze %dma_wait3A_343 : memref<1x128xi32, #tpu.memory_space<vmem>> -> memref<128xi32, #tpu.memory_space<vmem>>
      %dma_wait3A_345 = arith.constant 0 : i32
      %dma_wait3A_346 = tpu.memref_slice %arg10[%dma_wait3A_345] : memref<10240xf32, #tpu.memory_space<vmem_shared>> -> memref<10240xf32, #tpu.memory_space<vmem_shared>>
      tpu.wait_indirect_dma semaphore(%arg11 : memref<!tpu.dma_semaphore, #tpu.memory_space<semaphore_mem>>) src(%arg7 : memref<128xf32, #tpu.memory_space<vmem>>) dst(%dma_wait3A_346 : memref<10240xf32, #tpu.memory_space<vmem_shared>>)
      %mul3A_347 = arith.constant 16 : i32
      %mul3A_348 = arith.muli %add3A_68, %mul3A_347 : i32
      %add3A_349 = arith.constant 4 : i32
      %add3A_350 = arith.addi %mul3A_348, %add3A_349 : i32
      %dma_wait3A_351 = arith.constant 0 : i32
      %dma_wait3A_352 = tpu.memref_slice %arg5[%add3A_350, %dma_wait3A_351] : memref<80x128xi32, #tpu.memory_space<vmem>> -> memref<1x128xi32, #tpu.memory_space<vmem>>
      %dma_wait3A_353 = tpu.memref_squeeze %dma_wait3A_352 : memref<1x128xi32, #tpu.memory_space<vmem>> -> memref<128xi32, #tpu.memory_space<vmem>>
      %dma_wait3A_354 = arith.constant 0 : i32
      %dma_wait3A_355 = tpu.memref_slice %arg9[%dma_wait3A_354] : memref<10240xf32, #tpu.memory_space<vmem_shared>> -> memref<10240xf32, #tpu.memory_space<vmem_shared>>
      tpu.wait_indirect_dma semaphore(%arg11 : memref<!tpu.dma_semaphore, #tpu.memory_space<semaphore_mem>>) src(%arg7 : memref<128xf32, #tpu.memory_space<vmem>>) dst(%dma_wait3A_355 : memref<10240xf32, #tpu.memory_space<vmem_shared>>)
      %dma_wait3A_356 = arith.constant 0 : i32
      %dma_wait3A_357 = tpu.memref_slice %arg6[%add3A_350, %dma_wait3A_356] : memref<80x128xi32, #tpu.memory_space<vmem>> -> memref<1x128xi32, #tpu.memory_space<vmem>>
      %dma_wait3A_358 = tpu.memref_squeeze %dma_wait3A_357 : memref<1x128xi32, #tpu.memory_space<vmem>> -> memref<128xi32, #tpu.memory_space<vmem>>
      %dma_wait3A_359 = arith.constant 0 : i32
      %dma_wait3A_360 = tpu.memref_slice %arg10[%dma_wait3A_359] : memref<10240xf32, #tpu.memory_space<vmem_shared>> -> memref<10240xf32, #tpu.memory_space<vmem_shared>>
      tpu.wait_indirect_dma semaphore(%arg11 : memref<!tpu.dma_semaphore, #tpu.memory_space<semaphore_mem>>) src(%arg7 : memref<128xf32, #tpu.memory_space<vmem>>) dst(%dma_wait3A_360 : memref<10240xf32, #tpu.memory_space<vmem_shared>>)
      %mul3A_361 = arith.constant 16 : i32
      %mul3A_362 = arith.muli %add3A_68, %mul3A_361 : i32
      %add3A_363 = arith.constant 5 : i32
      %add3A_364 = arith.addi %mul3A_362, %add3A_363 : i32
      %dma_wait3A_365 = arith.constant 0 : i32
      %dma_wait3A_366 = tpu.memref_slice %arg5[%add3A_364, %dma_wait3A_365] : memref<80x128xi32, #tpu.memory_space<vmem>> -> memref<1x128xi32, #tpu.memory_space<vmem>>
      %dma_wait3A_367 = tpu.memref_squeeze %dma_wait3A_366 : memref<1x128xi32, #tpu.memory_space<vmem>> -> memref<128xi32, #tpu.memory_space<vmem>>
      %dma_wait3A_368 = arith.constant 0 : i32
      %dma_wait3A_369 = tpu.memref_slice %arg9[%dma_wait3A_368] : memref<10240xf32, #tpu.memory_space<vmem_shared>> -> memref<10240xf32, #tpu.memory_space<vmem_shared>>
      tpu.wait_indirect_dma semaphore(%arg11 : memref<!tpu.dma_semaphore, #tpu.memory_space<semaphore_mem>>) src(%arg7 : memref<128xf32, #tpu.memory_space<vmem>>) dst(%dma_wait3A_369 : memref<10240xf32, #tpu.memory_space<vmem_shared>>)
      %dma_wait3A_370 = arith.constant 0 : i32
      %dma_wait3A_371 = tpu.memref_slice %arg6[%add3A_364, %dma_wait3A_370] : memref<80x128xi32, #tpu.memory_space<vmem>> -> memref<1x128xi32, #tpu.memory_space<vmem>>
      %dma_wait3A_372 = tpu.memref_squeeze %dma_wait3A_371 : memref<1x128xi32, #tpu.memory_space<vmem>> -> memref<128xi32, #tpu.memory_space<vmem>>
      %dma_wait3A_373 = arith.constant 0 : i32
      %dma_wait3A_374 = tpu.memref_slice %arg10[%dma_wait3A_373] : memref<10240xf32, #tpu.memory_space<vmem_shared>> -> memref<10240xf32, #tpu.memory_space<vmem_shared>>
      tpu.wait_indirect_dma semaphore(%arg11 : memref<!tpu.dma_semaphore, #tpu.memory_space<semaphore_mem>>) src(%arg7 : memref<128xf32, #tpu.memory_space<vmem>>) dst(%dma_wait3A_374 : memref<10240xf32, #tpu.memory_space<vmem_shared>>)
      %mul3A_375 = arith.constant 16 : i32
      %mul3A_376 = arith.muli %add3A_68, %mul3A_375 : i32
      %add3A_377 = arith.constant 6 : i32
      %add3A_378 = arith.addi %mul3A_376, %add3A_377 : i32
      %dma_wait3A_379 = arith.constant 0 : i32
      %dma_wait3A_380 = tpu.memref_slice %arg5[%add3A_378, %dma_wait3A_379] : memref<80x128xi32, #tpu.memory_space<vmem>> -> memref<1x128xi32, #tpu.memory_space<vmem>>
      %dma_wait3A_381 = tpu.memref_squeeze %dma_wait3A_380 : memref<1x128xi32, #tpu.memory_space<vmem>> -> memref<128xi32, #tpu.memory_space<vmem>>
      %dma_wait3A_382 = arith.constant 0 : i32
      %dma_wait3A_383 = tpu.memref_slice %arg9[%dma_wait3A_382] : memref<10240xf32, #tpu.memory_space<vmem_shared>> -> memref<10240xf32, #tpu.memory_space<vmem_shared>>
      tpu.wait_indirect_dma semaphore(%arg11 : memref<!tpu.dma_semaphore, #tpu.memory_space<semaphore_mem>>) src(%arg7 : memref<128xf32, #tpu.memory_space<vmem>>) dst(%dma_wait3A_383 : memref<10240xf32, #tpu.memory_space<vmem_shared>>)
      %dma_wait3A_384 = arith.constant 0 : i32
      %dma_wait3A_385 = tpu.memref_slice %arg6[%add3A_378, %dma_wait3A_384] : memref<80x128xi32, #tpu.memory_space<vmem>> -> memref<1x128xi32, #tpu.memory_space<vmem>>
      %dma_wait3A_386 = tpu.memref_squeeze %dma_wait3A_385 : memref<1x128xi32, #tpu.memory_space<vmem>> -> memref<128xi32, #tpu.memory_space<vmem>>
      %dma_wait3A_387 = arith.constant 0 : i32
      %dma_wait3A_388 = tpu.memref_slice %arg10[%dma_wait3A_387] : memref<10240xf32, #tpu.memory_space<vmem_shared>> -> memref<10240xf32, #tpu.memory_space<vmem_shared>>
      tpu.wait_indirect_dma semaphore(%arg11 : memref<!tpu.dma_semaphore, #tpu.memory_space<semaphore_mem>>) src(%arg7 : memref<128xf32, #tpu.memory_space<vmem>>) dst(%dma_wait3A_388 : memref<10240xf32, #tpu.memory_space<vmem_shared>>)
      %mul3A_389 = arith.constant 16 : i32
      %mul3A_390 = arith.muli %add3A_68, %mul3A_389 : i32
      %add3A_391 = arith.constant 7 : i32
      %add3A_392 = arith.addi %mul3A_390, %add3A_391 : i32
      %dma_wait3A_393 = arith.constant 0 : i32
      %dma_wait3A_394 = tpu.memref_slice %arg5[%add3A_392, %dma_wait3A_393] : memref<80x128xi32, #tpu.memory_space<vmem>> -> memref<1x128xi32, #tpu.memory_space<vmem>>
      %dma_wait3A_395 = tpu.memref_squeeze %dma_wait3A_394 : memref<1x128xi32, #tpu.memory_space<vmem>> -> memref<128xi32, #tpu.memory_space<vmem>>
      %dma_wait3A_396 = arith.constant 0 : i32
      %dma_wait3A_397 = tpu.memref_slice %arg9[%dma_wait3A_396] : memref<10240xf32, #tpu.memory_space<vmem_shared>> -> memref<10240xf32, #tpu.memory_space<vmem_shared>>
      tpu.wait_indirect_dma semaphore(%arg11 : memref<!tpu.dma_semaphore, #tpu.memory_space<semaphore_mem>>) src(%arg7 : memref<128xf32, #tpu.memory_space<vmem>>) dst(%dma_wait3A_397 : memref<10240xf32, #tpu.memory_space<vmem_shared>>)
      %dma_wait3A_398 = arith.constant 0 : i32
      %dma_wait3A_399 = tpu.memref_slice %arg6[%add3A_392, %dma_wait3A_398] : memref<80x128xi32, #tpu.memory_space<vmem>> -> memref<1x128xi32, #tpu.memory_space<vmem>>
      %dma_wait3A_400 = tpu.memref_squeeze %dma_wait3A_399 : memref<1x128xi32, #tpu.memory_space<vmem>> -> memref<128xi32, #tpu.memory_space<vmem>>
      %dma_wait3A_401 = arith.constant 0 : i32
      %dma_wait3A_402 = tpu.memref_slice %arg10[%dma_wait3A_401] : memref<10240xf32, #tpu.memory_space<vmem_shared>> -> memref<10240xf32, #tpu.memory_space<vmem_shared>>
      tpu.wait_indirect_dma semaphore(%arg11 : memref<!tpu.dma_semaphore, #tpu.memory_space<semaphore_mem>>) src(%arg7 : memref<128xf32, #tpu.memory_space<vmem>>) dst(%dma_wait3A_402 : memref<10240xf32, #tpu.memory_space<vmem_shared>>)
      %mul3A_403 = arith.constant 16 : i32
      %mul3A_404 = arith.muli %add3A_68, %mul3A_403 : i32
      %add3A_405 = arith.constant 8 : i32
      %add3A_406 = arith.addi %mul3A_404, %add3A_405 : i32
      %dma_wait3A_407 = arith.constant 0 : i32
      %dma_wait3A_408 = tpu.memref_slice %arg5[%add3A_406, %dma_wait3A_407] : memref<80x128xi32, #tpu.memory_space<vmem>> -> memref<1x128xi32, #tpu.memory_space<vmem>>
      %dma_wait3A_409 = tpu.memref_squeeze %dma_wait3A_408 : memref<1x128xi32, #tpu.memory_space<vmem>> -> memref<128xi32, #tpu.memory_space<vmem>>
      %dma_wait3A_410 = arith.constant 0 : i32
      %dma_wait3A_411 = tpu.memref_slice %arg9[%dma_wait3A_410] : memref<10240xf32, #tpu.memory_space<vmem_shared>> -> memref<10240xf32, #tpu.memory_space<vmem_shared>>
      tpu.wait_indirect_dma semaphore(%arg11 : memref<!tpu.dma_semaphore, #tpu.memory_space<semaphore_mem>>) src(%arg7 : memref<128xf32, #tpu.memory_space<vmem>>) dst(%dma_wait3A_411 : memref<10240xf32, #tpu.memory_space<vmem_shared>>)
      %dma_wait3A_412 = arith.constant 0 : i32
      %dma_wait3A_413 = tpu.memref_slice %arg6[%add3A_406, %dma_wait3A_412] : memref<80x128xi32, #tpu.memory_space<vmem>> -> memref<1x128xi32, #tpu.memory_space<vmem>>
      %dma_wait3A_414 = tpu.memref_squeeze %dma_wait3A_413 : memref<1x128xi32, #tpu.memory_space<vmem>> -> memref<128xi32, #tpu.memory_space<vmem>>
      %dma_wait3A_415 = arith.constant 0 : i32
      %dma_wait3A_416 = tpu.memref_slice %arg10[%dma_wait3A_415] : memref<10240xf32, #tpu.memory_space<vmem_shared>> -> memref<10240xf32, #tpu.memory_space<vmem_shared>>
      tpu.wait_indirect_dma semaphore(%arg11 : memref<!tpu.dma_semaphore, #tpu.memory_space<semaphore_mem>>) src(%arg7 : memref<128xf32, #tpu.memory_space<vmem>>) dst(%dma_wait3A_416 : memref<10240xf32, #tpu.memory_space<vmem_shared>>)
      %mul3A_417 = arith.constant 16 : i32
      %mul3A_418 = arith.muli %add3A_68, %mul3A_417 : i32
      %add3A_419 = arith.constant 9 : i32
      %add3A_420 = arith.addi %mul3A_418, %add3A_419 : i32
      %dma_wait3A_421 = arith.constant 0 : i32
      %dma_wait3A_422 = tpu.memref_slice %arg5[%add3A_420, %dma_wait3A_421] : memref<80x128xi32, #tpu.memory_space<vmem>> -> memref<1x128xi32, #tpu.memory_space<vmem>>
      %dma_wait3A_423 = tpu.memref_squeeze %dma_wait3A_422 : memref<1x128xi32, #tpu.memory_space<vmem>> -> memref<128xi32, #tpu.memory_space<vmem>>
      %dma_wait3A_424 = arith.constant 0 : i32
      %dma_wait3A_425 = tpu.memref_slice %arg9[%dma_wait3A_424] : memref<10240xf32, #tpu.memory_space<vmem_shared>> -> memref<10240xf32, #tpu.memory_space<vmem_shared>>
      tpu.wait_indirect_dma semaphore(%arg11 : memref<!tpu.dma_semaphore, #tpu.memory_space<semaphore_mem>>) src(%arg7 : memref<128xf32, #tpu.memory_space<vmem>>) dst(%dma_wait3A_425 : memref<10240xf32, #tpu.memory_space<vmem_shared>>)
      %dma_wait3A_426 = arith.constant 0 : i32
      %dma_wait3A_427 = tpu.memref_slice %arg6[%add3A_420, %dma_wait3A_426] : memref<80x128xi32, #tpu.memory_space<vmem>> -> memref<1x128xi32, #tpu.memory_space<vmem>>
      %dma_wait3A_428 = tpu.memref_squeeze %dma_wait3A_427 : memref<1x128xi32, #tpu.memory_space<vmem>> -> memref<128xi32, #tpu.memory_space<vmem>>
      %dma_wait3A_429 = arith.constant 0 : i32
      %dma_wait3A_430 = tpu.memref_slice %arg10[%dma_wait3A_429] : memref<10240xf32, #tpu.memory_space<vmem_shared>> -> memref<10240xf32, #tpu.memory_space<vmem_shared>>
      tpu.wait_indirect_dma semaphore(%arg11 : memref<!tpu.dma_semaphore, #tpu.memory_space<semaphore_mem>>) src(%arg7 : memref<128xf32, #tpu.memory_space<vmem>>) dst(%dma_wait3A_430 : memref<10240xf32, #tpu.memory_space<vmem_shared>>)
      %mul3A_431 = arith.constant 16 : i32
      %mul3A_432 = arith.muli %add3A_68, %mul3A_431 : i32
      %add3A_433 = arith.constant 10 : i32
      %add3A_434 = arith.addi %mul3A_432, %add3A_433 : i32
      %dma_wait3A_435 = arith.constant 0 : i32
      %dma_wait3A_436 = tpu.memref_slice %arg5[%add3A_434, %dma_wait3A_435] : memref<80x128xi32, #tpu.memory_space<vmem>> -> memref<1x128xi32, #tpu.memory_space<vmem>>
      %dma_wait3A_437 = tpu.memref_squeeze %dma_wait3A_436 : memref<1x128xi32, #tpu.memory_space<vmem>> -> memref<128xi32, #tpu.memory_space<vmem>>
      %dma_wait3A_438 = arith.constant 0 : i32
      %dma_wait3A_439 = tpu.memref_slice %arg9[%dma_wait3A_438] : memref<10240xf32, #tpu.memory_space<vmem_shared>> -> memref<10240xf32, #tpu.memory_space<vmem_shared>>
      tpu.wait_indirect_dma semaphore(%arg11 : memref<!tpu.dma_semaphore, #tpu.memory_space<semaphore_mem>>) src(%arg7 : memref<128xf32, #tpu.memory_space<vmem>>) dst(%dma_wait3A_439 : memref<10240xf32, #tpu.memory_space<vmem_shared>>)
      %dma_wait3A_440 = arith.constant 0 : i32
      %dma_wait3A_441 = tpu.memref_slice %arg6[%add3A_434, %dma_wait3A_440] : memref<80x128xi32, #tpu.memory_space<vmem>> -> memref<1x128xi32, #tpu.memory_space<vmem>>
      %dma_wait3A_442 = tpu.memref_squeeze %dma_wait3A_441 : memref<1x128xi32, #tpu.memory_space<vmem>> -> memref<128xi32, #tpu.memory_space<vmem>>
      %dma_wait3A_443 = arith.constant 0 : i32
      %dma_wait3A_444 = tpu.memref_slice %arg10[%dma_wait3A_443] : memref<10240xf32, #tpu.memory_space<vmem_shared>> -> memref<10240xf32, #tpu.memory_space<vmem_shared>>
      tpu.wait_indirect_dma semaphore(%arg11 : memref<!tpu.dma_semaphore, #tpu.memory_space<semaphore_mem>>) src(%arg7 : memref<128xf32, #tpu.memory_space<vmem>>) dst(%dma_wait3A_444 : memref<10240xf32, #tpu.memory_space<vmem_shared>>)
      %mul3A_445 = arith.constant 16 : i32
      %mul3A_446 = arith.muli %add3A_68, %mul3A_445 : i32
      %add3A_447 = arith.constant 11 : i32
      %add3A_448 = arith.addi %mul3A_446, %add3A_447 : i32
      %dma_wait3A_449 = arith.constant 0 : i32
      %dma_wait3A_450 = tpu.memref_slice %arg5[%add3A_448, %dma_wait3A_449] : memref<80x128xi32, #tpu.memory_space<vmem>> -> memref<1x128xi32, #tpu.memory_space<vmem>>
      %dma_wait3A_451 = tpu.memref_squeeze %dma_wait3A_450 : memref<1x128xi32, #tpu.memory_space<vmem>> -> memref<128xi32, #tpu.memory_space<vmem>>
      %dma_wait3A_452 = arith.constant 0 : i32
      %dma_wait3A_453 = tpu.memref_slice %arg9[%dma_wait3A_452] : memref<10240xf32, #tpu.memory_space<vmem_shared>> -> memref<10240xf32, #tpu.memory_space<vmem_shared>>
      tpu.wait_indirect_dma semaphore(%arg11 : memref<!tpu.dma_semaphore, #tpu.memory_space<semaphore_mem>>) src(%arg7 : memref<128xf32, #tpu.memory_space<vmem>>) dst(%dma_wait3A_453 : memref<10240xf32, #tpu.memory_space<vmem_shared>>)
      %dma_wait3A_454 = arith.constant 0 : i32
      %dma_wait3A_455 = tpu.memref_slice %arg6[%add3A_448, %dma_wait3A_454] : memref<80x128xi32, #tpu.memory_space<vmem>> -> memref<1x128xi32, #tpu.memory_space<vmem>>
      %dma_wait3A_456 = tpu.memref_squeeze %dma_wait3A_455 : memref<1x128xi32, #tpu.memory_space<vmem>> -> memref<128xi32, #tpu.memory_space<vmem>>
      %dma_wait3A_457 = arith.constant 0 : i32
      %dma_wait3A_458 = tpu.memref_slice %arg10[%dma_wait3A_457] : memref<10240xf32, #tpu.memory_space<vmem_shared>> -> memref<10240xf32, #tpu.memory_space<vmem_shared>>
      tpu.wait_indirect_dma semaphore(%arg11 : memref<!tpu.dma_semaphore, #tpu.memory_space<semaphore_mem>>) src(%arg7 : memref<128xf32, #tpu.memory_space<vmem>>) dst(%dma_wait3A_458 : memref<10240xf32, #tpu.memory_space<vmem_shared>>)
      %mul3A_459 = arith.constant 16 : i32
      %mul3A_460 = arith.muli %add3A_68, %mul3A_459 : i32
      %add3A_461 = arith.constant 12 : i32
      %add3A_462 = arith.addi %mul3A_460, %add3A_461 : i32
      %dma_wait3A_463 = arith.constant 0 : i32
      %dma_wait3A_464 = tpu.memref_slice %arg5[%add3A_462, %dma_wait3A_463] : memref<80x128xi32, #tpu.memory_space<vmem>> -> memref<1x128xi32, #tpu.memory_space<vmem>>
      %dma_wait3A_465 = tpu.memref_squeeze %dma_wait3A_464 : memref<1x128xi32, #tpu.memory_space<vmem>> -> memref<128xi32, #tpu.memory_space<vmem>>
      %dma_wait3A_466 = arith.constant 0 : i32
      %dma_wait3A_467 = tpu.memref_slice %arg9[%dma_wait3A_466] : memref<10240xf32, #tpu.memory_space<vmem_shared>> -> memref<10240xf32, #tpu.memory_space<vmem_shared>>
      tpu.wait_indirect_dma semaphore(%arg11 : memref<!tpu.dma_semaphore, #tpu.memory_space<semaphore_mem>>) src(%arg7 : memref<128xf32, #tpu.memory_space<vmem>>) dst(%dma_wait3A_467 : memref<10240xf32, #tpu.memory_space<vmem_shared>>)
      %dma_wait3A_468 = arith.constant 0 : i32
      %dma_wait3A_469 = tpu.memref_slice %arg6[%add3A_462, %dma_wait3A_468] : memref<80x128xi32, #tpu.memory_space<vmem>> -> memref<1x128xi32, #tpu.memory_space<vmem>>
      %dma_wait3A_470 = tpu.memref_squeeze %dma_wait3A_469 : memref<1x128xi32, #tpu.memory_space<vmem>> -> memref<128xi32, #tpu.memory_space<vmem>>
      %dma_wait3A_471 = arith.constant 0 : i32
      %dma_wait3A_472 = tpu.memref_slice %arg10[%dma_wait3A_471] : memref<10240xf32, #tpu.memory_space<vmem_shared>> -> memref<10240xf32, #tpu.memory_space<vmem_shared>>
      tpu.wait_indirect_dma semaphore(%arg11 : memref<!tpu.dma_semaphore, #tpu.memory_space<semaphore_mem>>) src(%arg7 : memref<128xf32, #tpu.memory_space<vmem>>) dst(%dma_wait3A_472 : memref<10240xf32, #tpu.memory_space<vmem_shared>>)
      %mul3A_473 = arith.constant 16 : i32
      %mul3A_474 = arith.muli %add3A_68, %mul3A_473 : i32
      %add3A_475 = arith.constant 13 : i32
      %add3A_476 = arith.addi %mul3A_474, %add3A_475 : i32
      %dma_wait3A_477 = arith.constant 0 : i32
      %dma_wait3A_478 = tpu.memref_slice %arg5[%add3A_476, %dma_wait3A_477] : memref<80x128xi32, #tpu.memory_space<vmem>> -> memref<1x128xi32, #tpu.memory_space<vmem>>
      %dma_wait3A_479 = tpu.memref_squeeze %dma_wait3A_478 : memref<1x128xi32, #tpu.memory_space<vmem>> -> memref<128xi32, #tpu.memory_space<vmem>>
      %dma_wait3A_480 = arith.constant 0 : i32
      %dma_wait3A_481 = tpu.memref_slice %arg9[%dma_wait3A_480] : memref<10240xf32, #tpu.memory_space<vmem_shared>> -> memref<10240xf32, #tpu.memory_space<vmem_shared>>
      tpu.wait_indirect_dma semaphore(%arg11 : memref<!tpu.dma_semaphore, #tpu.memory_space<semaphore_mem>>) src(%arg7 : memref<128xf32, #tpu.memory_space<vmem>>) dst(%dma_wait3A_481 : memref<10240xf32, #tpu.memory_space<vmem_shared>>)
      %dma_wait3A_482 = arith.constant 0 : i32
      %dma_wait3A_483 = tpu.memref_slice %arg6[%add3A_476, %dma_wait3A_482] : memref<80x128xi32, #tpu.memory_space<vmem>> -> memref<1x128xi32, #tpu.memory_space<vmem>>
      %dma_wait3A_484 = tpu.memref_squeeze %dma_wait3A_483 : memref<1x128xi32, #tpu.memory_space<vmem>> -> memref<128xi32, #tpu.memory_space<vmem>>
      %dma_wait3A_485 = arith.constant 0 : i32
      %dma_wait3A_486 = tpu.memref_slice %arg10[%dma_wait3A_485] : memref<10240xf32, #tpu.memory_space<vmem_shared>> -> memref<10240xf32, #tpu.memory_space<vmem_shared>>
      tpu.wait_indirect_dma semaphore(%arg11 : memref<!tpu.dma_semaphore, #tpu.memory_space<semaphore_mem>>) src(%arg7 : memref<128xf32, #tpu.memory_space<vmem>>) dst(%dma_wait3A_486 : memref<10240xf32, #tpu.memory_space<vmem_shared>>)
      %mul3A_487 = arith.constant 16 : i32
      %mul3A_488 = arith.muli %add3A_68, %mul3A_487 : i32
      %add3A_489 = arith.constant 14 : i32
      %add3A_490 = arith.addi %mul3A_488, %add3A_489 : i32
      %dma_wait3A_491 = arith.constant 0 : i32
      %dma_wait3A_492 = tpu.memref_slice %arg5[%add3A_490, %dma_wait3A_491] : memref<80x128xi32, #tpu.memory_space<vmem>> -> memref<1x128xi32, #tpu.memory_space<vmem>>
      %dma_wait3A_493 = tpu.memref_squeeze %dma_wait3A_492 : memref<1x128xi32, #tpu.memory_space<vmem>> -> memref<128xi32, #tpu.memory_space<vmem>>
      %dma_wait3A_494 = arith.constant 0 : i32
      %dma_wait3A_495 = tpu.memref_slice %arg9[%dma_wait3A_494] : memref<10240xf32, #tpu.memory_space<vmem_shared>> -> memref<10240xf32, #tpu.memory_space<vmem_shared>>
      tpu.wait_indirect_dma semaphore(%arg11 : memref<!tpu.dma_semaphore, #tpu.memory_space<semaphore_mem>>) src(%arg7 : memref<128xf32, #tpu.memory_space<vmem>>) dst(%dma_wait3A_495 : memref<10240xf32, #tpu.memory_space<vmem_shared>>)
      %dma_wait3A_496 = arith.constant 0 : i32
      %dma_wait3A_497 = tpu.memref_slice %arg6[%add3A_490, %dma_wait3A_496] : memref<80x128xi32, #tpu.memory_space<vmem>> -> memref<1x128xi32, #tpu.memory_space<vmem>>
      %dma_wait3A_498 = tpu.memref_squeeze %dma_wait3A_497 : memref<1x128xi32, #tpu.memory_space<vmem>> -> memref<128xi32, #tpu.memory_space<vmem>>
      %dma_wait3A_499 = arith.constant 0 : i32
      %dma_wait3A_500 = tpu.memref_slice %arg10[%dma_wait3A_499] : memref<10240xf32, #tpu.memory_space<vmem_shared>> -> memref<10240xf32, #tpu.memory_space<vmem_shared>>
      tpu.wait_indirect_dma semaphore(%arg11 : memref<!tpu.dma_semaphore, #tpu.memory_space<semaphore_mem>>) src(%arg7 : memref<128xf32, #tpu.memory_space<vmem>>) dst(%dma_wait3A_500 : memref<10240xf32, #tpu.memory_space<vmem_shared>>)
      %mul3A_501 = arith.constant 16 : i32
      %mul3A_502 = arith.muli %add3A_68, %mul3A_501 : i32
      %add3A_503 = arith.constant 15 : i32
      %add3A_504 = arith.addi %mul3A_502, %add3A_503 : i32
      %dma_wait3A_505 = arith.constant 0 : i32
      %dma_wait3A_506 = tpu.memref_slice %arg5[%add3A_504, %dma_wait3A_505] : memref<80x128xi32, #tpu.memory_space<vmem>> -> memref<1x128xi32, #tpu.memory_space<vmem>>
      %dma_wait3A_507 = tpu.memref_squeeze %dma_wait3A_506 : memref<1x128xi32, #tpu.memory_space<vmem>> -> memref<128xi32, #tpu.memory_space<vmem>>
      %dma_wait3A_508 = arith.constant 0 : i32
      %dma_wait3A_509 = tpu.memref_slice %arg9[%dma_wait3A_508] : memref<10240xf32, #tpu.memory_space<vmem_shared>> -> memref<10240xf32, #tpu.memory_space<vmem_shared>>
      tpu.wait_indirect_dma semaphore(%arg11 : memref<!tpu.dma_semaphore, #tpu.memory_space<semaphore_mem>>) src(%arg7 : memref<128xf32, #tpu.memory_space<vmem>>) dst(%dma_wait3A_509 : memref<10240xf32, #tpu.memory_space<vmem_shared>>)
      %dma_wait3A_510 = arith.constant 0 : i32
      %dma_wait3A_511 = tpu.memref_slice %arg6[%add3A_504, %dma_wait3A_510] : memref<80x128xi32, #tpu.memory_space<vmem>> -> memref<1x128xi32, #tpu.memory_space<vmem>>
      %dma_wait3A_512 = tpu.memref_squeeze %dma_wait3A_511 : memref<1x128xi32, #tpu.memory_space<vmem>> -> memref<128xi32, #tpu.memory_space<vmem>>
      %dma_wait3A_513 = arith.constant 0 : i32
      %dma_wait3A_514 = tpu.memref_slice %arg10[%dma_wait3A_513] : memref<10240xf32, #tpu.memory_space<vmem_shared>> -> memref<10240xf32, #tpu.memory_space<vmem_shared>>
      tpu.wait_indirect_dma semaphore(%arg11 : memref<!tpu.dma_semaphore, #tpu.memory_space<semaphore_mem>>) src(%arg7 : memref<128xf32, #tpu.memory_space<vmem>>) dst(%dma_wait3A_514 : memref<10240xf32, #tpu.memory_space<vmem_shared>>)
    }
    %scan3A_61 = arith.constant 5 : i32
    %barrier3A_62 = arith.constant 0 : index
    tpu.barrier barrier_id(%barrier3A_62)
    %run_scoped3A = arith.constant 0 : i32
    "tpu.region"() ({
      %run_scoped3A_64 = tpu.sem_alloc : memref<!tpu.dma_semaphore, #tpu.memory_space<semaphore_mem>>
      %dma_start3A = tpu.memref_slice %arg4[%arg0, %run_scoped3A, %mul3A_52] : memref<2x2x10240xf32, #tpu.memory_space<hbm>> -> memref<1x1x640xf32, #tpu.memory_space<hbm>>
      %dma_start3A_65 = tpu.memref_squeeze %dma_start3A : memref<1x1x640xf32, #tpu.memory_space<hbm>> -> memref<640xf32, #tpu.memory_space<hbm>>
      %dma_start3A_66 = tpu.memref_slice %arg9[%mul3A_52] : memref<10240xf32, #tpu.memory_space<vmem_shared>> -> memref<640xf32, #tpu.memory_space<vmem_shared>>
      tpu.enqueue_dma source(%dma_start3A_66 : memref<640xf32, #tpu.memory_space<vmem_shared>>) target(%dma_start3A_65 : memref<640xf32, #tpu.memory_space<hbm>>) target_semaphore(%run_scoped3A_64 : memref<!tpu.dma_semaphore, #tpu.memory_space<semaphore_mem>>)
      %dma_wait3A = tpu.memref_slice %arg4[%arg0, %run_scoped3A, %mul3A_52] : memref<2x2x10240xf32, #tpu.memory_space<hbm>> -> memref<1x1x640xf32, #tpu.memory_space<hbm>>
      %dma_wait3A_67 = tpu.memref_squeeze %dma_wait3A : memref<1x1x640xf32, #tpu.memory_space<hbm>> -> memref<640xf32, #tpu.memory_space<hbm>>
      %dma_wait3A_68 = tpu.memref_slice %arg9[%mul3A_52] : memref<10240xf32, #tpu.memory_space<vmem_shared>> -> memref<640xf32, #tpu.memory_space<vmem_shared>>
      tpu.wait_dma2 semaphore(%run_scoped3A_64 : memref<!tpu.dma_semaphore, #tpu.memory_space<semaphore_mem>>) src(%dma_wait3A_68 : memref<640xf32, #tpu.memory_space<vmem_shared>>) dst(%dma_wait3A_67 : memref<640xf32, #tpu.memory_space<hbm>>)
      tpu.yield
    }) : () -> ()
    %run_scoped3A_63 = arith.constant 1 : i32
    "tpu.region"() ({
      %run_scoped3A_64 = tpu.sem_alloc : memref<!tpu.dma_semaphore, #tpu.memory_space<semaphore_mem>>
      %dma_start3A = tpu.memref_slice %arg4[%arg0, %run_scoped3A_63, %mul3A_52] : memref<2x2x10240xf32, #tpu.memory_space<hbm>> -> memref<1x1x640xf32, #tpu.memory_space<hbm>>
      %dma_start3A_65 = tpu.memref_squeeze %dma_start3A : memref<1x1x640xf32, #tpu.memory_space<hbm>> -> memref<640xf32, #tpu.memory_space<hbm>>
      %dma_start3A_66 = tpu.memref_slice %arg10[%mul3A_52] : memref<10240xf32, #tpu.memory_space<vmem_shared>> -> memref<640xf32, #tpu.memory_space<vmem_shared>>
      tpu.enqueue_dma source(%dma_start3A_66 : memref<640xf32, #tpu.memory_space<vmem_shared>>) target(%dma_start3A_65 : memref<640xf32, #tpu.memory_space<hbm>>) target_semaphore(%run_scoped3A_64 : memref<!tpu.dma_semaphore, #tpu.memory_space<semaphore_mem>>)
      %dma_wait3A = tpu.memref_slice %arg4[%arg0, %run_scoped3A_63, %mul3A_52] : memref<2x2x10240xf32, #tpu.memory_space<hbm>> -> memref<1x1x640xf32, #tpu.memory_space<hbm>>
      %dma_wait3A_67 = tpu.memref_squeeze %dma_wait3A : memref<1x1x640xf32, #tpu.memory_space<hbm>> -> memref<640xf32, #tpu.memory_space<hbm>>
      %dma_wait3A_68 = tpu.memref_slice %arg10[%mul3A_52] : memref<10240xf32, #tpu.memory_space<vmem_shared>> -> memref<640xf32, #tpu.memory_space<vmem_shared>>
      tpu.wait_dma2 semaphore(%run_scoped3A_64 : memref<!tpu.dma_semaphore, #tpu.memory_space<semaphore_mem>>) src(%dma_wait3A_68 : memref<640xf32, #tpu.memory_space<vmem_shared>>) dst(%dma_wait3A_67 : memref<640xf32, #tpu.memory_space<hbm>>)
      tpu.yield
    }) : () -> ()
    return
  }
}

module attributes {stable_mosaic.version = 14 : i64} {
  func.func @_tc1_body(%arg0: i32, %arg1: memref<1024x128xf32, #tpu.memory_space<vmem>>, %arg2: memref<1024x4xf32, #tpu.memory_space<vmem>>, %arg3: memref<128x128xf32, #tpu.memory_space<vmem>>, %arg4: memref<1024x128xf32, #tpu.memory_space<vmem>>) attributes {dimension_semantics = [#tpu.dimension_semantics<arbitrary>], iteration_bounds = array<i64: 10>, scalar_prefetch = 0 : i64, scratch_operands = 0 : i64, tpu.core_type = #tpu.core_type<tc>, window_params = [{transform_indices = @transform_0, window_bounds = array<i64: 1024, 128>}, {transform_indices = @transform_1, window_bounds = array<i64: 1024, 4>}, {pipeline_mode = #tpu.pipeline_mode<synchronous>, transform_indices = @transform_2, window_bounds = array<i64: 128, 128>}, {transform_indices = @transform_3, window_bounds = array<i64: 1024, 128>}]} {
    %get3A = arith.constant 0 : index
    %get3A_0 = arith.constant 0 : index
    %get3A_1 = vector.load %arg2[%get3A, %get3A_0] : memref<1024x4xf32, #tpu.memory_space<vmem>>, vector<1024x4xf32>
    %slice3A = vector.extract_strided_slice %get3A_1 {offsets = [0, 0], sizes = [1024, 1], strides = [1, 1]} : vector<1024x4xf32> to vector<1024x1xf32>
    %slice3A_2 = vector.extract_strided_slice %get3A_1 {offsets = [0, 2], sizes = [1024, 1], strides = [1, 1]} : vector<1024x4xf32> to vector<1024x1xf32>
    %add3A = arith.addf %slice3A, %slice3A_2 : vector<1024x1xf32>
    %max3A = arith.constant 1.000000e+00 : f32
    %max3A_3 = vector.broadcast %max3A : f32 to vector<1024x1xf32>
    %max3A_4 = arith.maximumf %add3A, %max3A_3 : vector<1024x1xf32>
    %rsqrt3A = math.rsqrt %max3A_4 : vector<1024x1xf32>
    %get3A_5 = arith.constant 0 : index
    %get3A_6 = arith.constant 0 : index
    %get3A_7 = vector.load %arg1[%get3A_5, %get3A_6] : memref<1024x128xf32, #tpu.memory_space<vmem>>, vector<1024x128xf32>
    %mul3A = vector.broadcast %rsqrt3A : vector<1024x1xf32> to vector<1024x128xf32>
    %mul3A_8 = arith.mulf %get3A_7, %mul3A : vector<1024x128xf32>
    %get3A_9 = arith.constant 0 : index
    %get3A_10 = arith.constant 0 : index
    %get3A_11 = vector.load %arg3[%get3A_9, %get3A_10] : memref<128x128xf32, #tpu.memory_space<vmem>>, vector<128x128xf32>
    %dot_general3A = arith.constant dense<0.000000e+00> : vector<1024x128xf32>
    %dot_general3A_12 = tpu.matmul %mul3A_8, %get3A_11, %dot_general3A {dimension_numbers = #tpu.dot_dimension_numbers<[1], [0], [0], [1], [0, 0, 1, 1], [], []>, transpose_lhs_hint = false} : vector<1024x128xf32>, vector<128x128xf32>, vector<1024x128xf32> -> vector<1024x128xf32>
    %swap3A = arith.constant 0 : index
    %swap3A_13 = arith.constant 0 : index
    %swap3A_14 = vector.load %arg4[%swap3A, %swap3A_13] : memref<1024x128xf32, #tpu.memory_space<vmem>>, vector<1024x128xf32>
    tpu.vector_store %arg4[%swap3A, %swap3A_13], %dot_general3A_12 {strides = array<i32>} : memref<1024x128xf32, #tpu.memory_space<vmem>>, vector<1024x128xf32>,
    return
  }
  func.func @transform_0(%arg0: i32) -> (i32, i32) {
    %c0_i32 = arith.constant 0 : i32
    %c0_i32_0 = arith.constant 0 : i32
    return %arg0, %c0_i32 : i32, i32
  }
  func.func @transform_1(%arg0: i32) -> (i32, i32) {
    %c0_i32 = arith.constant 0 : i32
    %c0_i32_0 = arith.constant 0 : i32
    return %arg0, %c0_i32 : i32, i32
  }
  func.func @transform_2(%arg0: i32) -> (i32, i32) {
    %c0_i32 = arith.constant 0 : i32
    %c0_i32_0 = arith.constant 0 : i32
    %c0_i32_1 = arith.constant 0 : i32
    return %c0_i32, %c0_i32_0 : i32, i32
  }
  func.func @transform_3(%arg0: i32) -> (i32, i32) {
    %c0_i32 = arith.constant 0 : i32
    %c0_i32_0 = arith.constant 0 : i32
    return %arg0, %c0_i32 : i32, i32
  }
}

module attributes {stable_mosaic.version = 14 : i64} {
  func.func @_tc3_body(%arg0: i32, %arg1: memref<2x1000x128xf32, #tpu.memory_space<vmem>>, %arg2: memref<1000x4xf32, #tpu.memory_space<vmem>>, %arg3: memref<1x128xf32, #tpu.memory_space<vmem>>, %arg4: memref<1x128xf32, #tpu.memory_space<vmem>>, %arg5: memref<1x128xf32, #tpu.memory_space<vmem>>, %arg6: memref<1000x128xf32, #tpu.memory_space<vmem>>) attributes {dimension_semantics = [#tpu.dimension_semantics<arbitrary>], iteration_bounds = array<i64: 10>, scalar_prefetch = 0 : i64, scratch_operands = 0 : i64, tpu.core_type = #tpu.core_type<tc>, window_params = [{transform_indices = @transform_0, window_bounds = array<i64: 2, 1000, 128>}, {transform_indices = @transform_1, window_bounds = array<i64: 1000, 4>}, {pipeline_mode = #tpu.pipeline_mode<synchronous>, transform_indices = @transform_2, window_bounds = array<i64: 1, 128>}, {pipeline_mode = #tpu.pipeline_mode<synchronous>, transform_indices = @transform_3, window_bounds = array<i64: 1, 128>}, {pipeline_mode = #tpu.pipeline_mode<synchronous>, transform_indices = @transform_4, window_bounds = array<i64: 1, 128>}, {transform_indices = @transform_5, window_bounds = array<i64: 1000, 128>}]} {
    %get3A = arith.constant 0 : index
    %get3A_0 = arith.constant 0 : index
    %get3A_1 = vector.load %arg2[%get3A, %get3A_0] : memref<1000x4xf32, #tpu.memory_space<vmem>>, vector<1000x4xf32>
    %slice3A = vector.extract_strided_slice %get3A_1 {offsets = [0, 1], sizes = [1000, 1], strides = [1, 1]} : vector<1000x4xf32> to vector<1000x1xf32>
    %slice3A_2 = vector.extract_strided_slice %get3A_1 {offsets = [0, 3], sizes = [1000, 1], strides = [1, 1]} : vector<1000x4xf32> to vector<1000x1xf32>
    %add3A = arith.addf %slice3A, %slice3A_2 : vector<1000x1xf32>
    %max3A = arith.constant 1.000000e+00 : f32
    %max3A_3 = vector.broadcast %max3A : f32 to vector<1000x1xf32>
    %max3A_4 = arith.maximumf %add3A, %max3A_3 : vector<1000x1xf32>
    %rsqrt3A = math.rsqrt %max3A_4 : vector<1000x1xf32>
    %get3A_5 = arith.constant 0 : index
    %get3A_6 = arith.constant 0 : index
    %get3A_7 = arith.constant 0 : index
    %get3A_8 = vector.load %arg1[%get3A_5, %get3A_6, %get3A_7] : memref<2x1000x128xf32, #tpu.memory_space<vmem>>, vector<1x1000x128xf32>
    %get3A_9 = vector.shape_cast %get3A_8 : vector<1x1000x128xf32> to vector<1000x128xf32>
    %get3A_10 = arith.constant 1 : index
    %get3A_11 = arith.constant 0 : index
    %get3A_12 = arith.constant 0 : index
    %get3A_13 = vector.load %arg1[%get3A_10, %get3A_11, %get3A_12] : memref<2x1000x128xf32, #tpu.memory_space<vmem>>, vector<1x1000x128xf32>
    %get3A_14 = vector.shape_cast %get3A_13 : vector<1x1000x128xf32> to vector<1000x128xf32>
    %add3A_15 = arith.addf %get3A_9, %get3A_14 : vector<1000x128xf32>
    %mul3A = vector.broadcast %rsqrt3A : vector<1000x1xf32> to vector<1000x128xf32>
    %mul3A_16 = arith.mulf %add3A_15, %mul3A : vector<1000x128xf32>
    %get3A_17 = arith.constant 0 : index
    %get3A_18 = arith.constant 0 : index
    %get3A_19 = vector.load %arg3[%get3A_17, %get3A_18] : memref<1x128xf32, #tpu.memory_space<vmem>>, vector<1x128xf32>
    %add3A_20 = vector.broadcast %get3A_19 : vector<1x128xf32> to vector<1000x128xf32>
    %add3A_21 = arith.addf %mul3A_16, %add3A_20 : vector<1000x128xf32>
    %get3A_22 = arith.constant 0 : index
    %get3A_23 = arith.constant 0 : index
    %get3A_24 = vector.load %arg4[%get3A_22, %get3A_23] : memref<1x128xf32, #tpu.memory_space<vmem>>, vector<1x128xf32>
    %get3A_25 = arith.constant 0 : index
    %get3A_26 = arith.constant 0 : index
    %get3A_27 = vector.load %arg5[%get3A_25, %get3A_26] : memref<1x128xf32, #tpu.memory_space<vmem>>, vector<1x128xf32>
    %reduce_sum3A = arith.constant dense<0.000000e+00> : vector<1000xf32>
    %reduce_sum3A_28 = vector.multi_reduction <add>, %add3A_21, %reduce_sum3A [1] : vector<1000x128xf32> to vector<1000xf32>
    %broadcast_in_dim3A = vector.shape_cast %reduce_sum3A_28 : vector<1000xf32> to vector<1000x1xf32>
    %div3A = arith.constant 1.280000e+02 : f32
    %div3A_29 = vector.broadcast %div3A : f32 to vector<1000x1xf32>
    %div3A_30 = arith.divf %broadcast_in_dim3A, %div3A_29 : vector<1000x1xf32>
    %sub3A = vector.broadcast %div3A_30 : vector<1000x1xf32> to vector<1000x128xf32>
    %sub3A_31 = arith.subf %add3A_21, %sub3A : vector<1000x128xf32>
    %integer_pow3A = arith.mulf %sub3A_31, %sub3A_31 : vector<1000x128xf32>
    %reduce_sum3A_32 = arith.constant dense<0.000000e+00> : vector<1000xf32>
    %reduce_sum3A_33 = vector.multi_reduction <add>, %integer_pow3A, %reduce_sum3A_32 [1] : vector<1000x128xf32> to vector<1000xf32>
    %broadcast_in_dim3A_34 = vector.shape_cast %reduce_sum3A_33 : vector<1000xf32> to vector<1000x1xf32>
    %div3A_35 = arith.constant 1.280000e+02 : f32
    %div3A_36 = vector.broadcast %div3A_35 : f32 to vector<1000x1xf32>
    %div3A_37 = arith.divf %broadcast_in_dim3A_34, %div3A_36 : vector<1000x1xf32>
    %sub3A_38 = vector.broadcast %div3A_30 : vector<1000x1xf32> to vector<1000x128xf32>
    %sub3A_39 = arith.subf %add3A_21, %sub3A_38 : vector<1000x128xf32>
    %add3A_40 = arith.constant 9.99999974E-6 : f32
    %add3A_41 = vector.broadcast %add3A_40 : f32 to vector<1000x1xf32>
    %add3A_42 = arith.addf %div3A_37, %add3A_41 : vector<1000x1xf32>
    %rsqrt3A_43 = math.rsqrt %add3A_42 : vector<1000x1xf32>
    %mul3A_44 = vector.broadcast %rsqrt3A_43 : vector<1000x1xf32> to vector<1000x128xf32>
    %mul3A_45 = arith.mulf %sub3A_39, %mul3A_44 : vector<1000x128xf32>
    %mul3A_46 = vector.broadcast %get3A_24 : vector<1x128xf32> to vector<1000x128xf32>
    %mul3A_47 = arith.mulf %mul3A_45, %mul3A_46 : vector<1000x128xf32>
    %add3A_48 = vector.broadcast %get3A_27 : vector<1x128xf32> to vector<1000x128xf32>
    %add3A_49 = arith.addf %mul3A_47, %add3A_48 : vector<1000x128xf32>
    %max3A_50 = arith.constant 0.000000e+00 : f32
    %max3A_51 = vector.broadcast %max3A_50 : f32 to vector<1000x128xf32>
    %max3A_52 = arith.maximumf %add3A_49, %max3A_51 : vector<1000x128xf32>
    %swap3A = arith.constant 0 : index
    %swap3A_53 = arith.constant 0 : index
    %swap3A_54 = vector.load %arg6[%swap3A, %swap3A_53] : memref<1000x128xf32, #tpu.memory_space<vmem>>, vector<1000x128xf32>
    tpu.vector_store %arg6[%swap3A, %swap3A_53], %max3A_52 {strides = array<i32>} : memref<1000x128xf32, #tpu.memory_space<vmem>>, vector<1000x128xf32>,
    return
  }
  func.func @transform_0(%arg0: i32) -> (i32, i32, i32) {
    %c0_i32 = arith.constant 0 : i32
    %c0_i32_0 = arith.constant 0 : i32
    %c0_i32_1 = arith.constant 0 : i32
    return %c0_i32, %arg0, %c0_i32_0 : i32, i32, i32
  }
  func.func @transform_1(%arg0: i32) -> (i32, i32) {
    %c0_i32 = arith.constant 0 : i32
    %c0_i32_0 = arith.constant 0 : i32
    return %arg0, %c0_i32 : i32, i32
  }
  func.func @transform_2(%arg0: i32) -> (i32, i32) {
    %c0_i32 = arith.constant 0 : i32
    %c0_i32_0 = arith.constant 0 : i32
    %c0_i32_1 = arith.constant 0 : i32
    return %c0_i32, %c0_i32_0 : i32, i32
  }
  func.func @transform_3(%arg0: i32) -> (i32, i32) {
    %c0_i32 = arith.constant 0 : i32
    %c0_i32_0 = arith.constant 0 : i32
    %c0_i32_1 = arith.constant 0 : i32
    return %c0_i32, %c0_i32_0 : i32, i32
  }
  func.func @transform_4(%arg0: i32) -> (i32, i32) {
    %c0_i32 = arith.constant 0 : i32
    %c0_i32_0 = arith.constant 0 : i32
    %c0_i32_1 = arith.constant 0 : i32
    return %c0_i32, %c0_i32_0 : i32, i32
  }
  func.func @transform_5(%arg0: i32) -> (i32, i32) {
    %c0_i32 = arith.constant 0 : i32
    %c0_i32_0 = arith.constant 0 : i32
    return %arg0, %c0_i32 : i32, i32
  }
}

module attributes {stable_mosaic.version = 14 : i64} {
  func.func @_tc2_body(%arg0: i32, %arg1: memref<2x1024x128xf32, #tpu.memory_space<vmem>>, %arg2: memref<1024x4xf32, #tpu.memory_space<vmem>>, %arg3: memref<1x128xf32, #tpu.memory_space<vmem>>, %arg4: memref<1x128xf32, #tpu.memory_space<vmem>>, %arg5: memref<1x128xf32, #tpu.memory_space<vmem>>, %arg6: memref<128x128xf32, #tpu.memory_space<vmem>>, %arg7: memref<1024x128xf32, #tpu.memory_space<vmem>>) attributes {dimension_semantics = [#tpu.dimension_semantics<arbitrary>], iteration_bounds = array<i64: 10>, scalar_prefetch = 0 : i64, scratch_operands = 0 : i64, tpu.core_type = #tpu.core_type<tc>, window_params = [{transform_indices = @transform_0, window_bounds = array<i64: 2, 1024, 128>}, {transform_indices = @transform_1, window_bounds = array<i64: 1024, 4>}, {pipeline_mode = #tpu.pipeline_mode<synchronous>, transform_indices = @transform_2, window_bounds = array<i64: 1, 128>}, {pipeline_mode = #tpu.pipeline_mode<synchronous>, transform_indices = @transform_3, window_bounds = array<i64: 1, 128>}, {pipeline_mode = #tpu.pipeline_mode<synchronous>, transform_indices = @transform_4, window_bounds = array<i64: 1, 128>}, {pipeline_mode = #tpu.pipeline_mode<synchronous>, transform_indices = @transform_5, window_bounds = array<i64: 128, 128>}, {transform_indices = @transform_6, window_bounds = array<i64: 1024, 128>}]} {
    %get3A = arith.constant 0 : index
    %get3A_0 = arith.constant 0 : index
    %get3A_1 = vector.load %arg2[%get3A, %get3A_0] : memref<1024x4xf32, #tpu.memory_space<vmem>>, vector<1024x4xf32>
    %slice3A = vector.extract_strided_slice %get3A_1 {offsets = [0, 0], sizes = [1024, 1], strides = [1, 1]} : vector<1024x4xf32> to vector<1024x1xf32>
    %slice3A_2 = vector.extract_strided_slice %get3A_1 {offsets = [0, 2], sizes = [1024, 1], strides = [1, 1]} : vector<1024x4xf32> to vector<1024x1xf32>
    %add3A = arith.addf %slice3A, %slice3A_2 : vector<1024x1xf32>
    %slice3A_3 = vector.extract_strided_slice %get3A_1 {offsets = [0, 1], sizes = [1024, 1], strides = [1, 1]} : vector<1024x4xf32> to vector<1024x1xf32>
    %slice3A_4 = vector.extract_strided_slice %get3A_1 {offsets = [0, 3], sizes = [1024, 1], strides = [1, 1]} : vector<1024x4xf32> to vector<1024x1xf32>
    %add3A_5 = arith.addf %slice3A_3, %slice3A_4 : vector<1024x1xf32>
    %max3A = arith.constant 1.000000e+00 : f32
    %max3A_6 = vector.broadcast %max3A : f32 to vector<1024x1xf32>
    %max3A_7 = arith.maximumf %add3A, %max3A_6 : vector<1024x1xf32>
    %rsqrt3A = math.rsqrt %max3A_7 : vector<1024x1xf32>
    %max3A_8 = arith.constant 1.000000e+00 : f32
    %max3A_9 = vector.broadcast %max3A_8 : f32 to vector<1024x1xf32>
    %max3A_10 = arith.maximumf %add3A_5, %max3A_9 : vector<1024x1xf32>
    %rsqrt3A_11 = math.rsqrt %max3A_10 : vector<1024x1xf32>
    %get3A_12 = arith.constant 0 : index
    %get3A_13 = arith.constant 0 : index
    %get3A_14 = arith.constant 0 : index
    %get3A_15 = vector.load %arg1[%get3A_12, %get3A_13, %get3A_14] : memref<2x1024x128xf32, #tpu.memory_space<vmem>>, vector<1x1024x128xf32>
    %get3A_16 = vector.shape_cast %get3A_15 : vector<1x1024x128xf32> to vector<1024x128xf32>
    %get3A_17 = arith.constant 1 : index
    %get3A_18 = arith.constant 0 : index
    %get3A_19 = arith.constant 0 : index
    %get3A_20 = vector.load %arg1[%get3A_17, %get3A_18, %get3A_19] : memref<2x1024x128xf32, #tpu.memory_space<vmem>>, vector<1x1024x128xf32>
    %get3A_21 = vector.shape_cast %get3A_20 : vector<1x1024x128xf32> to vector<1024x128xf32>
    %add3A_22 = arith.addf %get3A_16, %get3A_21 : vector<1024x128xf32>
    %mul3A = vector.broadcast %rsqrt3A_11 : vector<1024x1xf32> to vector<1024x128xf32>
    %mul3A_23 = arith.mulf %add3A_22, %mul3A : vector<1024x128xf32>
    %get3A_24 = arith.constant 0 : index
    %get3A_25 = arith.constant 0 : index
    %get3A_26 = vector.load %arg3[%get3A_24, %get3A_25] : memref<1x128xf32, #tpu.memory_space<vmem>>, vector<1x128xf32>
    %add3A_27 = vector.broadcast %get3A_26 : vector<1x128xf32> to vector<1024x128xf32>
    %add3A_28 = arith.addf %mul3A_23, %add3A_27 : vector<1024x128xf32>
    %get3A_29 = arith.constant 0 : index
    %get3A_30 = arith.constant 0 : index
    %get3A_31 = vector.load %arg4[%get3A_29, %get3A_30] : memref<1x128xf32, #tpu.memory_space<vmem>>, vector<1x128xf32>
    %get3A_32 = arith.constant 0 : index
    %get3A_33 = arith.constant 0 : index
    %get3A_34 = vector.load %arg5[%get3A_32, %get3A_33] : memref<1x128xf32, #tpu.memory_space<vmem>>, vector<1x128xf32>
    %reduce_sum3A = arith.constant dense<0.000000e+00> : vector<1024xf32>
    %reduce_sum3A_35 = vector.multi_reduction <add>, %add3A_28, %reduce_sum3A [1] : vector<1024x128xf32> to vector<1024xf32>
    %broadcast_in_dim3A = vector.shape_cast %reduce_sum3A_35 : vector<1024xf32> to vector<1024x1xf32>
    %div3A = arith.constant 1.280000e+02 : f32
    %div3A_36 = vector.broadcast %div3A : f32 to vector<1024x1xf32>
    %div3A_37 = arith.divf %broadcast_in_dim3A, %div3A_36 : vector<1024x1xf32>
    %sub3A = vector.broadcast %div3A_37 : vector<1024x1xf32> to vector<1024x128xf32>
    %sub3A_38 = arith.subf %add3A_28, %sub3A : vector<1024x128xf32>
    %integer_pow3A = arith.mulf %sub3A_38, %sub3A_38 : vector<1024x128xf32>
    %reduce_sum3A_39 = arith.constant dense<0.000000e+00> : vector<1024xf32>
    %reduce_sum3A_40 = vector.multi_reduction <add>, %integer_pow3A, %reduce_sum3A_39 [1] : vector<1024x128xf32> to vector<1024xf32>
    %broadcast_in_dim3A_41 = vector.shape_cast %reduce_sum3A_40 : vector<1024xf32> to vector<1024x1xf32>
    %div3A_42 = arith.constant 1.280000e+02 : f32
    %div3A_43 = vector.broadcast %div3A_42 : f32 to vector<1024x1xf32>
    %div3A_44 = arith.divf %broadcast_in_dim3A_41, %div3A_43 : vector<1024x1xf32>
    %sub3A_45 = vector.broadcast %div3A_37 : vector<1024x1xf32> to vector<1024x128xf32>
    %sub3A_46 = arith.subf %add3A_28, %sub3A_45 : vector<1024x128xf32>
    %add3A_47 = arith.constant 9.99999974E-6 : f32
    %add3A_48 = vector.broadcast %add3A_47 : f32 to vector<1024x1xf32>
    %add3A_49 = arith.addf %div3A_44, %add3A_48 : vector<1024x1xf32>
    %rsqrt3A_50 = math.rsqrt %add3A_49 : vector<1024x1xf32>
    %mul3A_51 = vector.broadcast %rsqrt3A_50 : vector<1024x1xf32> to vector<1024x128xf32>
    %mul3A_52 = arith.mulf %sub3A_46, %mul3A_51 : vector<1024x128xf32>
    %mul3A_53 = vector.broadcast %get3A_31 : vector<1x128xf32> to vector<1024x128xf32>
    %mul3A_54 = arith.mulf %mul3A_52, %mul3A_53 : vector<1024x128xf32>
    %add3A_55 = vector.broadcast %get3A_34 : vector<1x128xf32> to vector<1024x128xf32>
    %add3A_56 = arith.addf %mul3A_54, %add3A_55 : vector<1024x128xf32>
    %max3A_57 = arith.constant 0.000000e+00 : f32
    %max3A_58 = vector.broadcast %max3A_57 : f32 to vector<1024x128xf32>
    %max3A_59 = arith.maximumf %add3A_56, %max3A_58 : vector<1024x128xf32>
    %mul3A_60 = vector.broadcast %rsqrt3A : vector<1024x1xf32> to vector<1024x128xf32>
    %mul3A_61 = arith.mulf %max3A_59, %mul3A_60 : vector<1024x128xf32>
    %get3A_62 = arith.constant 0 : index
    %get3A_63 = arith.constant 0 : index
    %get3A_64 = vector.load %arg6[%get3A_62, %get3A_63] : memref<128x128xf32, #tpu.memory_space<vmem>>, vector<128x128xf32>
    %dot_general3A = arith.constant dense<0.000000e+00> : vector<1024x128xf32>
    %dot_general3A_65 = tpu.matmul %mul3A_61, %get3A_64, %dot_general3A {dimension_numbers = #tpu.dot_dimension_numbers<[1], [0], [0], [1], [0, 0, 1, 1], [], []>, transpose_lhs_hint = false} : vector<1024x128xf32>, vector<128x128xf32>, vector<1024x128xf32> -> vector<1024x128xf32>
    %swap3A = arith.constant 0 : index
    %swap3A_66 = arith.constant 0 : index
    %swap3A_67 = vector.load %arg7[%swap3A, %swap3A_66] : memref<1024x128xf32, #tpu.memory_space<vmem>>, vector<1024x128xf32>
    tpu.vector_store %arg7[%swap3A, %swap3A_66], %dot_general3A_65 {strides = array<i32>} : memref<1024x128xf32, #tpu.memory_space<vmem>>, vector<1024x128xf32>,
    return
  }
  func.func @transform_0(%arg0: i32) -> (i32, i32, i32) {
    %c0_i32 = arith.constant 0 : i32
    %c0_i32_0 = arith.constant 0 : i32
    %c0_i32_1 = arith.constant 0 : i32
    return %c0_i32, %arg0, %c0_i32_0 : i32, i32, i32
  }
  func.func @transform_1(%arg0: i32) -> (i32, i32) {
    %c0_i32 = arith.constant 0 : i32
    %c0_i32_0 = arith.constant 0 : i32
    return %arg0, %c0_i32 : i32, i32
  }
  func.func @transform_2(%arg0: i32) -> (i32, i32) {
    %c0_i32 = arith.constant 0 : i32
    %c0_i32_0 = arith.constant 0 : i32
    %c0_i32_1 = arith.constant 0 : i32
    return %c0_i32, %c0_i32_0 : i32, i32
  }
  func.func @transform_3(%arg0: i32) -> (i32, i32) {
    %c0_i32 = arith.constant 0 : i32
    %c0_i32_0 = arith.constant 0 : i32
    %c0_i32_1 = arith.constant 0 : i32
    return %c0_i32, %c0_i32_0 : i32, i32
  }
  func.func @transform_4(%arg0: i32) -> (i32, i32) {
    %c0_i32 = arith.constant 0 : i32
    %c0_i32_0 = arith.constant 0 : i32
    %c0_i32_1 = arith.constant 0 : i32
    return %c0_i32, %c0_i32_0 : i32, i32
  }
  func.func @transform_5(%arg0: i32) -> (i32, i32) {
    %c0_i32 = arith.constant 0 : i32
    %c0_i32_0 = arith.constant 0 : i32
    %c0_i32_1 = arith.constant 0 : i32
    return %c0_i32, %c0_i32_0 : i32, i32
  }
  func.func @transform_6(%arg0: i32) -> (i32, i32) {
    %c0_i32 = arith.constant 0 : i32
    %c0_i32_0 = arith.constant 0 : i32
    return %arg0, %c0_i32 : i32, i32
  }
}

</mosaic_0001>

<sc_bundles>
// kernel: kernel.11.cloned.1.call-start
scs
__scs_entry_jumppad:
0x0: {  	(pc) =	sbr.rel $0x88, $3  }
0x1: {  	(tag) =	ssettag $0x0;
	lr =	simm.s32 $0x1  }
0x2: {  	[smem:$0x3F97] =	sst lr;
	_ =	strace $0xD0000000  }
0x3: {  	_ = 	snop  }
0x4: {  	_ = 	snop  }
0x5: {  	_ = 	snop  }
0x6: {  	_ = 	snop  }
0x7: {  	_ = 	snop  }
__scs_overlays_trampoline_lowered:
0x8: {  	[smem:$0x3FA6] =	sst s0  }
0x9: {  	[smem:$0x3FA7] =	sst s1  }
0xa: {  	[smem:$0x3FA8] =	sst s2  }
0xb: {  	[smem:$0x3FA9] =	sst s3  }
0xc: {  	[smem:$0x3FAA] =	sst s4  }
0xd: {  	[smem:$0x3FAB] =	sst s5  }
0xe: {  	[smem:$0x3FAC] =	sst s6  }
0xf: {  	[smem:$0x3FAD] =	sst s7  }
0x10: {  	[smem:$0x3FAE] =	sst s8  }
0x11: {  	[smem:$0x3FAF] =	sst s9;
	s0 =	simm.s32 @!p0 $0x0  }
0x12: {  	s1 =	sld [smem:$0x3F95];
	s0 =	simm.s32 @p0 $0x1  }
0x13: {  	[smem:$0x3FB0] =	sst s0;
	s0 =	simm.s32 @!p1 $0x0  }
0x14: {  	s2 =	sld [smem:$0x3F94];
	s0 =	simm.s32 @p1 $0x1  }
0x15: {  	[smem:$0x3FB1] =	sst s0;
	s0 =	simm.s32 @!p2 $0x0  }
0x16: {  	s3 =	sld [smem:$0x3FDB];
	s0 =	simm.s32 @p2 $0x1  }
0x17: {  	s4 =	simm.s32 $0x1BF5;
	[smem:$0x3FB3] =	sst s0  }
0x18: {  	s0 =	sld [smem:$0x3F96];
	_ =	swait.ge [sflag:s4], $0x0  }
0x19: {  	s7 =	sld [smem:$0x3F97]  }
0x1a: {  	s8 =	sadd.s32 $0xFFFFE003, lr  }
0x1b: {  	s9 =	sadd.s32 $0xFFFFFEF7, lr;
	s5 =	simm.s32 $0xFFFFFFFF;
	p2 =	slt.u32 s8, $0xFFFFF086  }
0x1c: {  	p1 =	slt.u32 s9, $0xF7A;
	s5 =	simm.s32 @!p2 $0x0  }
0x1d: {  	s5 =	simm.s32 @p1 $0x1;
	p0 =	seq.s32 s7, s2  }
0x1e: {  	s7 =	smul.u32 @!p0 $0xF7A, s2;
	p2 =	seq.s32 @!p0 s5, $0x0  }
0x1f: {  	s9 =	smul.u32 $0xF7A, s1;
	s8 =	simm.s32 @!p0 $0x1BF5;
	p2 =	por !p2, p0  }
0x20: {  	[sflag:s8] =	ssyncset.s32 @!p0 $0xFFFFF086;
	s6 =	sadd.s32 @!p0 s3, s7;
	s7 =	simm.s32 @!p0 $0x108  }
0x21: {  	s3 =	sadd.s32 s3, s9;
	s6 =	sadd.s32 @!p0 $0x88, s6;
	s7 =	simm.s32 @p2 $0x1082  }
0x22: {  	[simem:s7], [sflag:s8] =	dma.local @!p0 [hbm:s6], $0xF7A  }
0x23: {  	s9 =	sor.u32 $0xD0000000, s2;
	s6 =	simm.s32 $0x108;
	_ =	swait.ge @!p0 [sflag:s8], $0x0  }
0x24: {  	s3 =	sadd.s32 $0x88, s3;
	s6 =	simm.s32 @!p1 $0x1082;
	[sflag:s4] =	ssyncset.s32 $0xFFFFF086  }
0x25: {  	[simem:s6], [sflag:s4] =	dma.local [hbm:s3], $0xF7A  }
0x26: {  	[smem:$0x3F97] =	sst s1;
	(tag) =	ssettag s2;
	_ =	strace s9  }
0x27: {  	s1 =	sld [smem:$0x3FA7]  }
0x28: {  	s2 =	sld [smem:$0x3FA8]  }
0x29: {  	s4 =	sld [smem:$0x3FAA]  }
0x2a: {  	p0 =	seq.s32 s5, $0x0;
	s5 =	sld [smem:$0x3FAB]  }
0x2b: {  	s6 =	sld [smem:$0x3FAC]  }
0x2c: {  	s7 =	sld [smem:$0x3FAD]  }
0x2d: {  	s3 =	simm.s32 $0x108;
	s8 =	sld [smem:$0x3FAE]  }
0x2e: {  	s3 =	simm.s32 @!p0 $0x1082;
	s9 =	sld [smem:$0x3FAF]  }
0x2f: {  	lr =	sadd.s32 s0, s3;
	s0 =	sld [smem:$0x3FA6]  }
0x30: {  	s3 =	sld [smem:$0x3FA9]  }
0x31: {  	[smem:$0x3FB2] =	sst s10  }
0x32: {  	s10 =	sld [smem:$0x3FB0];
	_ =	sdelay $0x3  }
0x33: {  	p0 =	seq.s32 s10, $0x1;
	s10 =	sld [smem:$0x3FB2];
	_ =	sdelay $0x3  }
0x34: {  	[smem:$0x3FB2] =	sst s10  }
0x35: {  	s10 =	sld [smem:$0x3FB1];
	_ =	sdelay $0x3  }
0x36: {  	p1 =	seq.s32 s10, $0x1;
	s10 =	sld [smem:$0x3FB2];
	_ =	sdelay $0x3  }
0x37: {  	[smem:$0x3FB2] =	sst s10  }
0x38: {  	s10 =	sld [smem:$0x3FB3]  }
0x39: {  	_ = 	snop;
	(pc) =	sbr.ind lr, $3  }
0x3a: {  	_ = 	snop  }
0x3b: {  	_ = 	snop  }
0x3c: {  	p2 =	seq.s32 s10, $0x1;
	s10 =	sld [smem:$0x3FB2]  }
0x3d: {  	_ =	shalt  }
0x3e: {  	_ =	shalt  }
0x3f: {  	_ =	shalt  }
0x40: {  	_ =	shalt  }
0x41: {  	_ =	shalt  }
0x42: {  	_ =	shalt  }
0x43: {  	_ =	shalt  }
0x44: {  	_ =	shalt  }
0x45: {  	_ =	shalt  }
0x46: {  	_ =	shalt  }
0x47: {  	_ =	shalt  }
0x48: {  	_ =	shalt  }
0x49: {  	_ =	shalt  }
0x4a: {  	_ =	shalt  }
0x4b: {  	_ =	shalt  }
0x4c: {  	_ =	shalt  }
0x4d: {  	_ =	shalt  }
0x4e: {  	_ =	shalt  }
0x4f: {  	_ =	shalt  }
0x50: {  	_ =	shalt  }
0x51: {  	_ =	shalt  }
0x52: {  	_ =	shalt  }
0x53: {  	_ =	shalt  }
0x54: {  	_ =	shalt  }
0x55: {  	_ =	shalt  }
0x56: {  	_ =	shalt  }
0x57: {  	_ =	shalt  }
0x58: {  	_ =	shalt  }
0x59: {  	_ =	shalt  }
0x5a: {  	_ =	shalt  }
0x5b: {  	_ =	shalt  }
0x5c: {  	_ =	shalt  }
0x5d: {  	_ =	shalt  }
0x5e: {  	_ =	shalt  }
0x5f: {  	_ =	shalt  }
0x60: {  	_ =	shalt  }
0x61: {  	_ =	shalt  }
0x62: {  	_ =	shalt  }
0x63: {  	_ =	shalt  }
0x64: {  	_ =	shalt  }
0x65: {  	_ =	shalt  }
0x66: {  	_ =	shalt  }
0x67: {  	_ =	shalt  }
0x68: {  	_ =	shalt  }
0x69: {  	_ =	shalt  }
0x6a: {  	_ =	shalt  }
0x6b: {  	_ =	shalt  }
0x6c: {  	_ =	shalt  }
0x6d: {  	_ =	shalt  }
0x6e: {  	_ =	shalt  }
0x6f: {  	_ =	shalt  }
0x70: {  	_ =	shalt  }
0x71: {  	_ =	shalt  }
0x72: {  	_ =	shalt  }
0x73: {  	_ =	shalt  }
0x74: {  	_ =	shalt  }
0x75: {  	_ =	shalt  }
0x76: {  	_ =	shalt  }
0x77: {  	_ =	shalt  }
0x78: {  	_ =	shalt  }
0x79: {  	_ =	shalt  }
0x7a: {  	_ =	shalt  }
0x7b: {  	_ =	shalt  }
0x7c: {  	_ =	shalt  }
0x7d: {  	_ =	shalt  }
0x7e: {  	_ =	shalt  }
0x7f: {  	_ =	shalt  }
0x80: {  	_ =	shalt  }
0x81: {  	_ =	shalt  }
0x82: {  	_ =	shalt  }
0x83: {  	_ =	shalt  }
0x84: {  	_ =	shalt  }
0x85: {  	_ =	shalt  }
0x86: {  	_ =	shalt  }
0x87: {  	_ =	shalt  }
.Lfunc_end0:
.L_simem_size_0:
called_computation.1_lowered:
.L_overlay_start_0:
0x88: {  	s2 =	sld [smem:$0x3FD9]  }
0x89: {  	s3 =	sld [smem:$0x3FFE];
	_ =	sdelay $0x1  }
0x8a: {  	s1 =	srdreg.scid  }
0x8b: {  	s0 =	sand.u32 $0x1, s1  }
0x8c: {  	s17 =	sshll.u32 s0, $0xA;
	s2 =	sadd.s32 s3, s2  }
0x8d: {  	s2 =	sadd.s32 s2, s17  }
0x8e: {  	[smem:$0x3FBE] =	sst s2  }
0x8f: {  	_ = 	snop  }
0x90: {  	s2 =	sld [smem:$0x3FD0];
	(tm) =	ssettm $0x1  }
0x91: {  	s18 =	sld [smem:$0x3FFB];
	_ =	sdelay $0x3  }
0x92: {  	_ =	strace s18  }
0x93: {  	s3 =	sld [smem:$0x3FFC];
	_ =	sdelay $0x3  }
0x94: {  	_ =	strace s3  }
0x95: {  	s3 =	sld [smem:$0x3FFD];
	_ =	sdelay $0x3  }
0x96: {  	_ =	strace s3  }
0x97: {  	_ =	strace $0x8FFFFFFF  }
0x98: {  	s19 =	sld [smem:$0x3FDB];
	_ =	sdelay $0x1  }
0x99: {  	s4 =	simm.s32 $_scs_section_size  }
0x9a: {  	s5 =	simm.s32 $_size__tile_overlayer_lowered;
	s6 =	simm.s32 $_tile_overlayer_lowered  }
0x9b: {  	s22 =	simm.s32 $0x1BFF;
	s21 =	sshll.u32 s6, $0x1;
	s3 =	sadd.s32 s4, s19  }
0x9c: {  	s7 =	simm.s32 $0x0;
	s20 =	sshll.u32 s5, $0x1;
	s5 =	sadd.s32 s21, s3  }
0x9d: {  	[timem:s7], [sflag:s22] =	dma.local [hbm:s5], s20  }
0x9e: {  	_ =	swait.ge [sflag:s22], s20  }
0x9f: {  	s4 =	ssub.s32 $0x0, s20;
	[sflag:s22] =	ssyncset.done $0x0  }
0xa0: {  	[sflag:s22] =	ssyncadd.s32 s4;
	_ =	sdelay $0x1  }
0xa1: {  	s23 =	simm.s32 $0x1B8B  }
0xa2: {  	_ =	swait.ge [sflag:s23], $0x1  }
0xa3: {  	[sflag:s23] =	ssyncset.done $0x0  }
0xa4: {  	s25 =	simm.s32 $0x1B8E;
	s24 =	sld [smem:$0x3FFE];
	[sflag:s23] =	ssyncadd.s32 $0xFFFFFFFF  }
0xa5: {  	s26 =	simm.s32 $execute0_lowered;
	[smem:$0x3FD2] =	sst s25  }
0xa6: {  	s5 =	sshll.u32 s26, $0x1;
	_ =	strace $0x80000049;
	[dreg:$0x1] =	wrdreg $0xFFFFFFFF  }
0xa7: {  	s28 =	simm.s32 $_size_execute0_lowered;
	s3 =	sadd.s32 s3, s5;
	[dreg:$0x0] =	wrdreg $0x0  }
0xa8: {  	s5 =	sshll.u32 s28, $0x1;
	[dreg:$0x2] =	wrdreg s3  }
0xa9: {  	[dreg:$0x3] =	wrdreg s5  }
0xaa: {  	[dreg:$0x4] =	wrdreg $0xC0  }
0xab: {  	_ =	task [dreg:s7], $0x5FFFF  }
0xac: {  	[dreg:$0x1] =	wrdreg $0xFFFFFFFF  }
0xad: {  	[dreg:$0x0] =	wrdreg $0x60  }
0xae: {  	[dreg:$0x2] =	wrdreg s24  }
0xaf: {  	[dreg:$0x3] =	wrdreg s2  }
0xb0: {  	[dreg:$0x4] =	wrdreg $0xA8000  }
0xb1: {  	[dreg:$0x5] =	wrdreg $0x9  }
0xb2: {  	_ =	task.clear_ibuf [dreg:s7], $0x6FFFF;
	_ =	strace $0x90000049  }
0xb3: {  	s29 =	simm.s32 $0x9;
	_ =	strace $0x8000004B  }
0xb4: {  	_ =	swait.ge [sflag:s29], $0x1  }
0xb5: {  	[sflag:s29] =	ssyncadd.s32 $0xFFFFFFFF  }
0xb6: {  	_ =	strace $0x9000004B  }
0xb7: {  	_ =	sfence  }
0xb8: {  	s30 =	sld [smem:$0x0];
	_ =	sdelay $0x2  }
0xb9: {  	s31 =	sshll.u32 s1, $0xD;
	s1 =	sshrl.u32 s1, $0x2  }
0xba: {  	s3 =	sand.u32 $0x4000, s31;
	s1 =	sadd.s32 s1, s30  }
0xbb: {  	s0 =	sor.u32 s3, s0;
	s1 =	sshll.u32 s1, $0x11  }
0xbc: {  	s0 =	sor.u32 s1, s0  }
0xbd: {  	s0 =	sadd.s32 $0x8F2B, s0  }
0xbe: {  	[sflag:s0] =	ssyncadd.remote.s32 $0x1  }
0xbf: {  	_ =	sfence.sel $0xFFFF  }
0xc0: {  	[dreg:$0x0] =	wrdreg $0xFFFFFFFF;
	(pc) =	sbr.abs _section_cstart, $3  }
0xc1: {  	[dreg:$0x1] =	wrdreg $0xFFFFFFFF  }
0xc2: {  	_ =	task.clear_ibuf [dreg:s7], $0x2FFFF;
	_ =	strace $0x9FFFFFFF  }
0xc3: {  	(tm) =	ssettm $0x7FFFFFFF  }
tec
execute0_lowered:
.L_overlay_start_1:
0x0: {  	(tag) =	ssettag $0x1  }
0x1: {  	s5 =	rddreg [dreg:$0x0]  }
0x2: {  	s15 =	rddreg [dreg:$0x1]  }
0x3: {  	s0 =	srdreg.scid;
	s2 =	rddreg [dreg:$0x2]  }
0x4: {  	s1 =	stileid.u32;
	s3 =	simm.s32 $0x0;
	s17 =	simm.s32 $0x3  }
0x5: {  	s18 =	simm.s32 $0x1400;
	s19 =	simm.s32 $0x80;
	s20 =	simm.s32 $0x6800  }
0x6: {  	s21 =	simm.s32 $0x1;
	s22 =	simm.s32 $0x2;
	s23 =	simm.s32 $0x2700  }
0x7: {  	s6 =	sand.u32 $0x1, s0;
	s0 =	rddreg [dreg:$0x3];
	s7 =	smul.u32 $0x14000, s1  }
0x8: {  	s24 =	simm.s32 $0x2780;
	[smem:$0x7FF] =	sst s3;
	s8 =	smul.u32 $0x50000, s1  }
0x9: {  	s14 =	sadd.s32 $0x2800, s5;
	s4 =	smul.u32 $0x140000, s6;
	s31 =	ssub.s32 $0x2, s6  }
0xa: {  	_ =	strace $0x8000004A;
	s6 =	sshll.u32 s6, $0x4;
	s9 =	sshrl.u32 s31, $0x1  }
0xb: {  	s8 =	sshrl.u32 s8, $0x2;
	s10 =	sor.u32 s1, s6;
	s7 =	sadd.s32 s7, s4  }
0xc: {  	s4 =	sadd.s32 $0xCC00, s5;
	s13 =	smul.u32 $0x500, s10;
	s7 =	sshrl.u32 s7, $0x3  }
0xd: {  	s9 =	ssub.s32 s31, s9;
	s7 =	sadd.s32 s7, s5;
	s5 =	sadd.s32 s8, s2  }
0xe: {  	s12 =	sadd.s32 s14, s13;
	s16 =	sadd.s32 $0x280, s13;
	s13 =	sadd.s32 s15, s13  }
0xf: {  	s6 =	sadd.s32 $0x34C00, s7;
	s7 =	smax.u32 s9, $0x1;
	s8 =	sadd.s32 $0x4000, s5  }
0x10: {  	s9 =	sadd.s32 $0x8000, s5;
	s10 =	sadd.s32 $0xC000, s5;
	s11 =	sadd.s32 $0x10000, s5  }
0x11: {  	v0 =	vimm.f32 $0.0e+00;
	s14 =	sadd.s32 s14, s16;
	s15 =	sadd.s32 s15, s16;
	s16 =	simm.s32 $0x2800  }
.LBB2_1:
0x12: {  	s25 =	simm.s32 $0x0;
	s26 =	simm.s32 $0x200  }
.LBB2_2:
0x13: {  	p0 =	sne.s32 s26, $0xFE00;
	[tilespmem:s25+$0x2870] =	vst v0  }
0x14: {  	[tilespmem:s25+$0x2800] =	vst v0  }
0x15: {  	[tilespmem:s25+$0x2810] =	vst v0  }
.Ltmp0:
0x16: {  	[tilespmem:s25+$0x2820] =	vst v0;
	(pc) =	sbr.rel @p0 .LBB2_2-.Ltmp0, $4  }
0x17: {  	[tilespmem:s25+$0x2830] =	vst v0  }
0x18: {  	[tilespmem:s25+$0x2840] =	vst v0  }
0x19: {  	[tilespmem:s25+$0x2850] =	vst v0  }
0x1a: {  	[tilespmem:s25+$0x2860] =	vst v0;
	s25 =	sshra.s32 s26, $0x2;
	s26 =	sadd.s32 $0x200, s26  }
0x1b: {  	[tilespmem:s25+$0x2870] =	vst v0  }
0x1c: {  	[tilespmem:s25+$0x2800] =	vst v0  }
0x1d: {  	[tilespmem:s25+$0x2810] =	vst v0  }
0x1e: {  	[tilespmem:s25+$0x2820] =	vst v0  }
0x1f: {  	[tilespmem:s25+$0x2830] =	vst v0  }
0x20: {  	[tilespmem:s25+$0x2840] =	vst v0  }
0x21: {  	[tilespmem:s25+$0x2850] =	vst v0  }
0x22: {  	[tilespmem:s25+$0x2860] =	vst v0  }
0x23: {  	[spmem:s5] =	stream.linear.scatter [tilespmem:s16], [sflag:$0x3], $0x4000, $0x38;
	[tilespmem:$0x1E800] =	vst v63  }
0x24: {  	_ =	swait.ge [sflag:s17], $0x4000  }
0x25: {  	[sflag:s17] =	ssyncset.done $0x0  }
0x26: {  	[sflag:s17] =	ssyncadd.s32 $0xFFFFC000  }
0x27: {  	[spmem:s8] =	stream.linear.scatter [tilespmem:s16], [sflag:$0x3], $0x4000, $0x38;
	[tilespmem:$0x1E800] =	vst v63  }
0x28: {  	_ =	swait.ge [sflag:s17], $0x4000  }
0x29: {  	[sflag:s17] =	ssyncset.done $0x0  }
0x2a: {  	[sflag:s17] =	ssyncadd.s32 $0xFFFFC000  }
0x2b: {  	[spmem:s9] =	stream.linear.scatter [tilespmem:s16], [sflag:$0x3], $0x4000, $0x38;
	[tilespmem:$0x1E800] =	vst v63  }
0x2c: {  	_ =	swait.ge [sflag:s17], $0x4000  }
0x2d: {  	[sflag:s17] =	ssyncset.done $0x0  }
0x2e: {  	[sflag:s17] =	ssyncadd.s32 $0xFFFFC000  }
0x2f: {  	[spmem:s10] =	stream.linear.scatter [tilespmem:s16], [sflag:$0x3], $0x4000, $0x38;
	[tilespmem:$0x1E800] =	vst v63  }
0x30: {  	_ =	swait.ge [sflag:s17], $0x4000  }
0x31: {  	[sflag:s17] =	ssyncset.done $0x0  }
0x32: {  	[sflag:s17] =	ssyncadd.s32 $0xFFFFC000  }
0x33: {  	[spmem:s11] =	stream.linear.scatter [tilespmem:s16], [sflag:$0x3], $0x4000, $0x38;
	[tilespmem:$0x1E800] =	vst v63  }
0x34: {  	_ =	swait.ge [sflag:s17], $0x4000  }
0x35: {  	[sflag:s17] =	ssyncset.done $0x0  }
0x36: {  	[sflag:s17] =	ssyncadd.s32 $0xFFFFC000  }
0x37: {  	s28 =	simm.s32 $0x0;
	[bflag:$0x0] =	sbarrier.arrive $0xFFFF  }
0x38: {  	[tilespmem:s28], [sflag:$0x3] =	stream.linear.gather [hbm4b:s12+s28], $0x1400, $0x38;
	[tilespmem:$0x1E800] =	vst v63  }
0x39: {  	_ =	swait.ge [sflag:s17], $0x1400  }
0x3a: {  	[sflag:s17] =	ssyncset.done $0x0  }
0x3b: {  	[sflag:s17] =	ssyncadd.s32 $0xFFFFEC00  }
0x3c: {  	[tilespmem:s18], [sflag:$0x3] =	stream.linear.gather [hbm4b:s13+s28], $0x1400, $0x38;
	[tilespmem:$0x1E800] =	vst v63  }
0x3d: {  	_ =	swait.ge [sflag:s17], $0x1400  }
0x3e: {  	[sflag:s17] =	ssyncset.done $0x0  }
0x3f: {  	[sflag:s17] =	ssyncadd.s32 $0xFFFFEC00  }
0x40: {  	[tilespmem:s16], [sflag:$0x1] =	stream.indirect.gather [hbm4b:s4+s19], $0x80, s28, s19, $0xb8;
	[tilespmem:$0x1E800] =	vst v63  }
0x41: {  	_ = 	snop  }
0x42: {  	[tilespmem:s20], [sflag:$0x2] =	stream.indirect.gather [hbm4b:s4+s19], $0x80, s19, s19, $0xb8;
	[tilespmem:$0x1E800] =	vst v63  }
0x43: {  	_ =	swait.ge [sflag:s21], $0x4000  }
0x44: {  	[sflag:s21] =	ssyncset.done $0x0  }
0x45: {  	s29 =	simm.s32 $0x1400;
	[sflag:s21] =	ssyncadd.s32 $0xFFFFC000  }
0x46: {  	[spmem:s2] =	stream.indirect.scatter.add.f32 [tilespmem:s16], [sflag:$0x3], $0x80, s29, s19, $0xb8;
	[tilespmem:$0x1E800] =	vst v63  }
0x47: {  	_ =	swait.ge [sflag:s17], $0x4000  }
0x48: {  	[sflag:s17] =	ssyncset.done $0x0  }
0x49: {  	s30 =	simm.s32 $0x100;
	[sflag:s17] =	ssyncadd.s32 $0xFFFFC000  }
0x4a: {  	[tilespmem:s16], [sflag:$0x1] =	stream.indirect.gather [hbm4b:s4+s19], $0x80, s30, s19, $0xb8;
	[tilespmem:$0x1E800] =	vst v63  }
0x4b: {  	_ =	swait.ge [sflag:s22], $0x4000  }
0x4c: {  	[sflag:s22] =	ssyncset.done $0x0  }
0x4d: {  	s31 =	simm.s32 $0x1480;
	[sflag:s22] =	ssyncadd.s32 $0xFFFFC000  }
0x4e: {  	[spmem:s2] =	stream.indirect.scatter.add.f32 [tilespmem:s20], [sflag:$0x3], $0x80, s31, s19, $0xb8;
	[tilespmem:$0x1E800] =	vst v63  }
0x4f: {  	_ =	swait.ge [sflag:s17], $0x4000  }
0x50: {  	[sflag:s17] =	ssyncset.done $0x0  }
0x51: {  	s25 =	simm.s32 $0x400;
	s26 =	simm.s32 $0x180;
	[sflag:s17] =	ssyncadd.s32 $0xFFFFC000  }
.LBB2_4:
0x52: {  	[tilespmem:s20], [sflag:$0x2] =	stream.indirect.gather [hbm4b:s4+s19], $0x80, s26, s19, $0xb8;
	[tilespmem:$0x1E800] =	vst v63  }
0x53: {  	s26 =	smov.u32 s25  }
0x54: {  	p0 =	sne.s32 s25, $0x4800;
	s25 =	sadd.s32 $0x400, s25;
	_ =	swait.ge [sflag:s21], $0x4000  }
0x55: {  	s26 =	sshra.s32 s26, $0x2;
	[sflag:s21] =	ssyncset.done $0x0  }
0x56: {  	s28 =	sadd.s32 $0x1400, s26;
	[sflag:s21] =	ssyncadd.s32 $0xFFFFC000  }
0x57: {  	[spmem:s2] =	stream.indirect.scatter.add.f32 [tilespmem:s16], [sflag:$0x3], $0x80, s28, s19, $0xb8;
	[tilespmem:$0x1E800] =	vst v63  }
0x58: {  	_ =	swait.ge [sflag:s17], $0x4000  }
0x59: {  	[sflag:s17] =	ssyncset.done $0x0  }
0x5a: {  	s28 =	sadd.s32 $0x100, s26;
	[sflag:s17] =	ssyncadd.s32 $0xFFFFC000  }
0x5b: {  	[tilespmem:s16], [sflag:$0x1] =	stream.indirect.gather [hbm4b:s4+s19], $0x80, s28, s19, $0xb8;
	[tilespmem:$0x1E800] =	vst v63  }
0x5c: {  	_ =	swait.ge [sflag:s22], $0x4000  }
0x5d: {  	[sflag:s22] =	ssyncset.done $0x0  }
.Ltmp1:
0x5e: {  	s28 =	sadd.s32 $0x1480, s26;
	[sflag:s22] =	ssyncadd.s32 $0xFFFFC000;
	(pc) =	sbr.rel @p0 .LBB2_4-.Ltmp1, $4  }
0x5f: {  	[spmem:s2] =	stream.indirect.scatter.add.f32 [tilespmem:s20], [sflag:$0x3], $0x80, s28, s19, $0xb8;
	[tilespmem:$0x1E800] =	vst v63  }
0x60: {  	_ =	swait.ge [sflag:s17], $0x4000  }
0x61: {  	[sflag:s17] =	ssyncset.done $0x0  }
0x62: {  	s26 =	sadd.s32 $0x180, s26;
	[sflag:s17] =	ssyncadd.s32 $0xFFFFC000  }
0x63: {  	[tilespmem:s20], [sflag:$0x2] =	stream.indirect.gather [hbm4b:s4+s19], $0x80, s26, s19, $0xb8;
	[tilespmem:$0x1E800] =	vst v63  }
0x64: {  	_ =	swait.ge [sflag:s21], $0x4000  }
0x65: {  	[sflag:s21] =	ssyncset.done $0x0  }
0x66: {  	[sflag:s21] =	ssyncadd.s32 $0xFFFFC000  }
0x67: {  	[spmem:s2] =	stream.indirect.scatter.add.f32 [tilespmem:s16], [sflag:$0x3], $0x80, s23, s19, $0xb8;
	[tilespmem:$0x1E800] =	vst v63  }
0x68: {  	_ =	swait.ge [sflag:s17], $0x4000  }
0x69: {  	[sflag:s17] =	ssyncset.done $0x0  }
0x6a: {  	[sflag:s17] =	ssyncadd.s32 $0xFFFFC000  }
0x6b: {  	_ =	swait.ge [sflag:s22], $0x4000  }
0x6c: {  	[sflag:s22] =	ssyncset.done $0x0  }
0x6d: {  	[sflag:s22] =	ssyncadd.s32 $0xFFFFC000  }
0x6e: {  	[spmem:s2] =	stream.indirect.scatter.add.f32 [tilespmem:s20], [sflag:$0x3], $0x80, s24, s19, $0xb8;
	[tilespmem:$0x1E800] =	vst v63  }
0x6f: {  	_ =	swait.ge [sflag:s17], $0x4000  }
0x70: {  	[sflag:s17] =	ssyncset.done $0x0  }
0x71: {  	s25 =	simm.s32 $0x0;
	[sflag:s17] =	ssyncadd.s32 $0xFFFFC000  }
0x72: {  	[tilespmem:s25], [sflag:$0x3] =	stream.linear.gather [hbm4b:s14+s25], $0x1400, $0x38;
	[tilespmem:$0x1E800] =	vst v63  }
0x73: {  	_ =	swait.ge [sflag:s17], $0x1400  }
0x74: {  	[sflag:s17] =	ssyncset.done $0x0  }
0x75: {  	[sflag:s17] =	ssyncadd.s32 $0xFFFFEC00  }
0x76: {  	[tilespmem:s18], [sflag:$0x3] =	stream.linear.gather [hbm4b:s15+s25], $0x1400, $0x38;
	[tilespmem:$0x1E800] =	vst v63  }
0x77: {  	_ =	swait.ge [sflag:s17], $0x1400  }
0x78: {  	[sflag:s17] =	ssyncset.done $0x0  }
0x79: {  	[sflag:s17] =	ssyncadd.s32 $0xFFFFEC00  }
0x7a: {  	[tilespmem:s16], [sflag:$0x1] =	stream.indirect.gather [hbm4b:s4+s19], $0x80, s25, s19, $0xb8;
	[tilespmem:$0x1E800] =	vst v63  }
0x7b: {  	_ = 	snop  }
0x7c: {  	[tilespmem:s20], [sflag:$0x2] =	stream.indirect.gather [hbm4b:s4+s19], $0x80, s19, s19, $0xb8;
	[tilespmem:$0x1E800] =	vst v63  }
0x7d: {  	_ =	swait.ge [sflag:s21], $0x4000  }
0x7e: {  	[sflag:s21] =	ssyncset.done $0x0  }
0x7f: {  	s29 =	simm.s32 $0x1400;
	[sflag:s21] =	ssyncadd.s32 $0xFFFFC000  }
0x80: {  	[spmem:s2] =	stream.indirect.scatter.add.f32 [tilespmem:s16], [sflag:$0x3], $0x80, s29, s19, $0xb8;
	[tilespmem:$0x1E800] =	vst v63  }
0x81: {  	_ =	swait.ge [sflag:s17], $0x4000  }
0x82: {  	[sflag:s17] =	ssyncset.done $0x0  }
0x83: {  	s30 =	simm.s32 $0x100;
	[sflag:s17] =	ssyncadd.s32 $0xFFFFC000  }
0x84: {  	[tilespmem:s16], [sflag:$0x1] =	stream.indirect.gather [hbm4b:s4+s19], $0x80, s30, s19, $0xb8;
	[tilespmem:$0x1E800] =	vst v63  }
0x85: {  	_ =	swait.ge [sflag:s22], $0x4000  }
0x86: {  	[sflag:s22] =	ssyncset.done $0x0  }
0x87: {  	s31 =	simm.s32 $0x1480;
	[sflag:s22] =	ssyncadd.s32 $0xFFFFC000  }
0x88: {  	[spmem:s2] =	stream.indirect.scatter.add.f32 [tilespmem:s20], [sflag:$0x3], $0x80, s31, s19, $0xb8;
	[tilespmem:$0x1E800] =	vst v63  }
0x89: {  	_ =	swait.ge [sflag:s17], $0x4000  }
0x8a: {  	[sflag:s17] =	ssyncset.done $0x0  }
0x8b: {  	s26 =	simm.s32 $0x180;
	s25 =	simm.s32 $0x400;
	[sflag:s17] =	ssyncadd.s32 $0xFFFFC000  }
.LBB2_6:
0x8c: {  	[tilespmem:s20], [sflag:$0x2] =	stream.indirect.gather [hbm4b:s4+s19], $0x80, s26, s19, $0xb8;
	[tilespmem:$0x1E800] =	vst v63  }
0x8d: {  	s26 =	smov.u32 s25  }
0x8e: {  	p0 =	sne.s32 s25, $0x4800;
	s25 =	sadd.s32 $0x400, s25;
	_ =	swait.ge [sflag:s21], $0x4000  }
0x8f: {  	s26 =	sshra.s32 s26, $0x2;
	[sflag:s21] =	ssyncset.done $0x0  }
0x90: {  	s28 =	sadd.s32 $0x1400, s26;
	[sflag:s21] =	ssyncadd.s32 $0xFFFFC000  }
0x91: {  	[spmem:s2] =	stream.indirect.scatter.add.f32 [tilespmem:s16], [sflag:$0x3], $0x80, s28, s19, $0xb8;
	[tilespmem:$0x1E800] =	vst v63  }
0x92: {  	_ =	swait.ge [sflag:s17], $0x4000  }
0x93: {  	[sflag:s17] =	ssyncset.done $0x0  }
0x94: {  	s28 =	sadd.s32 $0x100, s26;
	[sflag:s17] =	ssyncadd.s32 $0xFFFFC000  }
0x95: {  	[tilespmem:s16], [sflag:$0x1] =	stream.indirect.gather [hbm4b:s4+s19], $0x80, s28, s19, $0xb8;
	[tilespmem:$0x1E800] =	vst v63  }
0x96: {  	_ =	swait.ge [sflag:s22], $0x4000  }
0x97: {  	[sflag:s22] =	ssyncset.done $0x0  }
.Ltmp2:
0x98: {  	s28 =	sadd.s32 $0x1480, s26;
	[sflag:s22] =	ssyncadd.s32 $0xFFFFC000;
	(pc) =	sbr.rel @p0 .LBB2_6-.Ltmp2, $4  }
0x99: {  	[spmem:s2] =	stream.indirect.scatter.add.f32 [tilespmem:s20], [sflag:$0x3], $0x80, s28, s19, $0xb8;
	[tilespmem:$0x1E800] =	vst v63  }
0x9a: {  	_ =	swait.ge [sflag:s17], $0x4000  }
0x9b: {  	[sflag:s17] =	ssyncset.done $0x0  }
0x9c: {  	s26 =	sadd.s32 $0x180, s26;
	[sflag:s17] =	ssyncadd.s32 $0xFFFFC000  }
0x9d: {  	[tilespmem:s20], [sflag:$0x2] =	stream.indirect.gather [hbm4b:s4+s19], $0x80, s26, s19, $0xb8;
	[tilespmem:$0x1E800] =	vst v63  }
0x9e: {  	_ =	swait.ge [sflag:s21], $0x4000  }
0x9f: {  	[sflag:s21] =	ssyncset.done $0x0  }
0xa0: {  	[sflag:s21] =	ssyncadd.s32 $0xFFFFC000  }
0xa1: {  	[spmem:s2] =	stream.indirect.scatter.add.f32 [tilespmem:s16], [sflag:$0x3], $0x80, s23, s19, $0xb8;
	[tilespmem:$0x1E800] =	vst v63  }
0xa2: {  	_ =	swait.ge [sflag:s17], $0x4000  }
0xa3: {  	[sflag:s17] =	ssyncset.done $0x0  }
0xa4: {  	[sflag:s17] =	ssyncadd.s32 $0xFFFFC000  }
0xa5: {  	_ =	swait.ge [sflag:s22], $0x4000  }
0xa6: {  	[sflag:s22] =	ssyncset.done $0x0  }
0xa7: {  	[sflag:s22] =	ssyncadd.s32 $0xFFFFC000  }
0xa8: {  	[spmem:s2] =	stream.indirect.scatter.add.f32 [tilespmem:s20], [sflag:$0x3], $0x80, s24, s19, $0xb8;
	[tilespmem:$0x1E800] =	vst v63  }
0xa9: {  	_ =	swait.ge [sflag:s17], $0x4000  }
0xaa: {  	s25 =	sshll.u32 s1, $0x6;
	s3 =	sadd.s32 $0x1, s3;
	[sflag:s17] =	ssyncset.done $0x0  }
0xab: {  	s31 =	sshrl.u32 s5, $0x3;
	p0 =	sne.s32 s3, s7;
	[sflag:s17] =	ssyncadd.s32 $0xFFFFC000  }
.Ltmp3:
0xac: {  	s25 =	sor.u32 $0x1C03, s25;
	[bflag:$0x0] =	sbarrier.arrive $0xFFFF;
	(pc) =	sbr.rel @p0 .LBB2_1-.Ltmp3, $4  }
0xad: {  	[hbm:s6], [sflag:s25] =	dma.local [spmem:s31], $0x2800  }
0xae: {  	_ =	swait.ge [sflag:s17], $0x2800  }
0xaf: {  	[sflag:s17] =	ssyncset.done $0x0  }
0xb0: {  	[sflag:s17] =	ssyncadd.s32 $0xFFFFD800  }
0xb1: {  	_ =	sfence.sel $0x180000  }
0xb2: {  	[bflag:$0x0] =	sbarrier.arrive $0xFFFF  }
0xb3: {  	p0 =	sne.s32 s1, $0x0;
	_ =	strace $0x9000004A  }
0xb4: {  	s0 =	sadd.s32 @!p0 $0x100000, s0;
	[bflag:$0x2] =	sbarrier.arrive $0xFFFF  }
0xb5: {  	[sflag:s0] =	ssyncadd.tile.s32 @!p0 $0x1;
	_ =	shalt  }
.Lfunc_end2:
_tile_overlayer_lowered:
.L_overlay_start_2:
0xb6: {  	(tag) =	ssettag $0x2  }
0xb7: {  	s0 =	rddreg [dreg:$0x0];
	s2 =	stileid.u32  }
0xb8: {  	s1 =	rddreg [dreg:$0x1];
	p0 =	sne.s32 s2, $0x0  }
0xb9: {  	s3 =	rddreg [dreg:$0x2];
	[bflag:$0x3] =	sbarrier.arrive $0xFFFF;
	s2 =	simm.s32 @!p0 $0x1C03  }
0xba: {  	[timem:s3], [sflag:s2] =	dma.local @!p0 [hbm:s0], s1  }
0xbb: {  	s0 =	simm.s32 @!p0 $0x3  }
0xbc: {  	_ =	swait.ge @!p0 [sflag:s0], s1  }
0xbd: {  	s1 =	ssub.s32 @!p0 $0x0, s1;
	[sflag:s0] =	ssyncset.done @!p0 $0x0  }
0xbe: {  	[sflag:s0] =	ssyncadd.s32 @!p0 s1  }
0xbf: {  	[bflag:$0x3] =	sbarrier.arrive $0xFFFF  }
0xc0: {  	_ =	shalt  }

// kernel: kernel.14.cloned.1.call-start
scs
__scs_entry_jumppad:
0x0: {  	(pc) =	sbr.rel $0x88, $3  }
0x1: {  	(tag) =	ssettag $0x0;
	lr =	simm.s32 $0x1  }
0x2: {  	[smem:$0x3F97] =	sst lr;
	_ =	strace $0xD0000000  }
0x3: {  	_ = 	snop  }
0x4: {  	_ = 	snop  }
0x5: {  	_ = 	snop  }
0x6: {  	_ = 	snop  }
0x7: {  	_ = 	snop  }
__scs_overlays_trampoline_lowered:
0x8: {  	[smem:$0x3FA6] =	sst s0  }
0x9: {  	[smem:$0x3FA7] =	sst s1  }
0xa: {  	[smem:$0x3FA8] =	sst s2  }
0xb: {  	[smem:$0x3FA9] =	sst s3  }
0xc: {  	[smem:$0x3FAA] =	sst s4  }
0xd: {  	[smem:$0x3FAB] =	sst s5  }
0xe: {  	[smem:$0x3FAC] =	sst s6  }
0xf: {  	[smem:$0x3FAD] =	sst s7  }
0x10: {  	[smem:$0x3FAE] =	sst s8  }
0x11: {  	[smem:$0x3FAF] =	sst s9;
	s0 =	simm.s32 @!p0 $0x0  }
0x12: {  	s1 =	sld [smem:$0x3F95];
	s0 =	simm.s32 @p0 $0x1  }
0x13: {  	[smem:$0x3FB0] =	sst s0;
	s0 =	simm.s32 @!p1 $0x0  }
0x14: {  	s2 =	sld [smem:$0x3F94];
	s0 =	simm.s32 @p1 $0x1  }
0x15: {  	[smem:$0x3FB1] =	sst s0;
	s0 =	simm.s32 @!p2 $0x0  }
0x16: {  	s3 =	sld [smem:$0x3FDB];
	s0 =	simm.s32 @p2 $0x1  }
0x17: {  	s4 =	simm.s32 $0x1BF5;
	[smem:$0x3FB3] =	sst s0  }
0x18: {  	s0 =	sld [smem:$0x3F96];
	_ =	swait.ge [sflag:s4], $0x0  }
0x19: {  	s7 =	sld [smem:$0x3F97]  }
0x1a: {  	s8 =	sadd.s32 $0xFFFFE003, lr  }
0x1b: {  	s9 =	sadd.s32 $0xFFFFFEF7, lr;
	s5 =	simm.s32 $0xFFFFFFFF;
	p2 =	slt.u32 s8, $0xFFFFF086  }
0x1c: {  	p1 =	slt.u32 s9, $0xF7A;
	s5 =	simm.s32 @!p2 $0x0  }
0x1d: {  	s5 =	simm.s32 @p1 $0x1;
	p0 =	seq.s32 s7, s2  }
0x1e: {  	s7 =	smul.u32 @!p0 $0xF7A, s2;
	p2 =	seq.s32 @!p0 s5, $0x0  }
0x1f: {  	s9 =	smul.u32 $0xF7A, s1;
	s8 =	simm.s32 @!p0 $0x1BF5;
	p2 =	por !p2, p0  }
0x20: {  	[sflag:s8] =	ssyncset.s32 @!p0 $0xFFFFF086;
	s6 =	sadd.s32 @!p0 s3, s7;
	s7 =	simm.s32 @!p0 $0x108  }
0x21: {  	s3 =	sadd.s32 s3, s9;
	s6 =	sadd.s32 @!p0 $0x88, s6;
	s7 =	simm.s32 @p2 $0x1082  }
0x22: {  	[simem:s7], [sflag:s8] =	dma.local @!p0 [hbm:s6], $0xF7A  }
0x23: {  	s9 =	sor.u32 $0xD0000000, s2;
	s6 =	simm.s32 $0x108;
	_ =	swait.ge @!p0 [sflag:s8], $0x0  }
0x24: {  	s3 =	sadd.s32 $0x88, s3;
	s6 =	simm.s32 @!p1 $0x1082;
	[sflag:s4] =	ssyncset.s32 $0xFFFFF086  }
0x25: {  	[simem:s6], [sflag:s4] =	dma.local [hbm:s3], $0xF7A  }
0x26: {  	[smem:$0x3F97] =	sst s1;
	(tag) =	ssettag s2;
	_ =	strace s9  }
0x27: {  	s1 =	sld [smem:$0x3FA7]  }
0x28: {  	s2 =	sld [smem:$0x3FA8]  }
0x29: {  	s4 =	sld [smem:$0x3FAA]  }
0x2a: {  	p0 =	seq.s32 s5, $0x0;
	s5 =	sld [smem:$0x3FAB]  }
0x2b: {  	s6 =	sld [smem:$0x3FAC]  }
0x2c: {  	s7 =	sld [smem:$0x3FAD]  }
0x2d: {  	s3 =	simm.s32 $0x108;
	s8 =	sld [smem:$0x3FAE]  }
0x2e: {  	s3 =	simm.s32 @!p0 $0x1082;
	s9 =	sld [smem:$0x3FAF]  }
0x2f: {  	lr =	sadd.s32 s0, s3;
	s0 =	sld [smem:$0x3FA6]  }
0x30: {  	s3 =	sld [smem:$0x3FA9]  }
0x31: {  	[smem:$0x3FB2] =	sst s10  }
0x32: {  	s10 =	sld [smem:$0x3FB0];
	_ =	sdelay $0x3  }
0x33: {  	p0 =	seq.s32 s10, $0x1;
	s10 =	sld [smem:$0x3FB2];
	_ =	sdelay $0x3  }
0x34: {  	[smem:$0x3FB2] =	sst s10  }
0x35: {  	s10 =	sld [smem:$0x3FB1];
	_ =	sdelay $0x3  }
0x36: {  	p1 =	seq.s32 s10, $0x1;
	s10 =	sld [smem:$0x3FB2];
	_ =	sdelay $0x3  }
0x37: {  	[smem:$0x3FB2] =	sst s10  }
0x38: {  	s10 =	sld [smem:$0x3FB3]  }
0x39: {  	_ = 	snop;
	(pc) =	sbr.ind lr, $3  }
0x3a: {  	_ = 	snop  }
0x3b: {  	_ = 	snop  }
0x3c: {  	p2 =	seq.s32 s10, $0x1;
	s10 =	sld [smem:$0x3FB2]  }
0x3d: {  	_ =	shalt  }
0x3e: {  	_ =	shalt  }
0x3f: {  	_ =	shalt  }
0x40: {  	_ =	shalt  }
0x41: {  	_ =	shalt  }
0x42: {  	_ =	shalt  }
0x43: {  	_ =	shalt  }
0x44: {  	_ =	shalt  }
0x45: {  	_ =	shalt  }
0x46: {  	_ =	shalt  }
0x47: {  	_ =	shalt  }
0x48: {  	_ =	shalt  }
0x49: {  	_ =	shalt  }
0x4a: {  	_ =	shalt  }
0x4b: {  	_ =	shalt  }
0x4c: {  	_ =	shalt  }
0x4d: {  	_ =	shalt  }
0x4e: {  	_ =	shalt  }
0x4f: {  	_ =	shalt  }
0x50: {  	_ =	shalt  }
0x51: {  	_ =	shalt  }
0x52: {  	_ =	shalt  }
0x53: {  	_ =	shalt  }
0x54: {  	_ =	shalt  }
0x55: {  	_ =	shalt  }
0x56: {  	_ =	shalt  }
0x57: {  	_ =	shalt  }
0x58: {  	_ =	shalt  }
0x59: {  	_ =	shalt  }
0x5a: {  	_ =	shalt  }
0x5b: {  	_ =	shalt  }
0x5c: {  	_ =	shalt  }
0x5d: {  	_ =	shalt  }
0x5e: {  	_ =	shalt  }
0x5f: {  	_ =	shalt  }
0x60: {  	_ =	shalt  }
0x61: {  	_ =	shalt  }
0x62: {  	_ =	shalt  }
0x63: {  	_ =	shalt  }
0x64: {  	_ =	shalt  }
0x65: {  	_ =	shalt  }
0x66: {  	_ =	shalt  }
0x67: {  	_ =	shalt  }
0x68: {  	_ =	shalt  }
0x69: {  	_ =	shalt  }
0x6a: {  	_ =	shalt  }
0x6b: {  	_ =	shalt  }
0x6c: {  	_ =	shalt  }
0x6d: {  	_ =	shalt  }
0x6e: {  	_ =	shalt  }
0x6f: {  	_ =	shalt  }
0x70: {  	_ =	shalt  }
0x71: {  	_ =	shalt  }
0x72: {  	_ =	shalt  }
0x73: {  	_ =	shalt  }
0x74: {  	_ =	shalt  }
0x75: {  	_ =	shalt  }
0x76: {  	_ =	shalt  }
0x77: {  	_ =	shalt  }
0x78: {  	_ =	shalt  }
0x79: {  	_ =	shalt  }
0x7a: {  	_ =	shalt  }
0x7b: {  	_ =	shalt  }
0x7c: {  	_ =	shalt  }
0x7d: {  	_ =	shalt  }
0x7e: {  	_ =	shalt  }
0x7f: {  	_ =	shalt  }
0x80: {  	_ =	shalt  }
0x81: {  	_ =	shalt  }
0x82: {  	_ =	shalt  }
0x83: {  	_ =	shalt  }
0x84: {  	_ =	shalt  }
0x85: {  	_ =	shalt  }
0x86: {  	_ =	shalt  }
0x87: {  	_ =	shalt  }
.Lfunc_end0:
.L_simem_size_0:
called_computation.2_lowered:
.L_overlay_start_0:
0x88: {  	s2 =	sld [smem:$0x3FD9]  }
0x89: {  	s3 =	sld [smem:$0x3FFE];
	_ =	sdelay $0x1  }
0x8a: {  	s1 =	srdreg.scid  }
0x8b: {  	s0 =	sand.u32 $0x1, s1  }
0x8c: {  	s17 =	sshll.u32 s0, $0xA;
	s2 =	sadd.s32 s3, s2  }
0x8d: {  	s2 =	sadd.s32 s2, s17  }
0x8e: {  	[smem:$0x3FBE] =	sst s2  }
0x8f: {  	_ = 	snop  }
0x90: {  	s2 =	sld [smem:$0x3FD0];
	(tm) =	ssettm $0x1  }
0x91: {  	s18 =	sld [smem:$0x3FFB];
	_ =	sdelay $0x3  }
0x92: {  	_ =	strace s18  }
0x93: {  	s3 =	sld [smem:$0x3FFC];
	_ =	sdelay $0x3  }
0x94: {  	_ =	strace s3  }
0x95: {  	s3 =	sld [smem:$0x3FFD];
	_ =	sdelay $0x3  }
0x96: {  	_ =	strace s3  }
0x97: {  	_ =	strace $0x8FFFFFFF  }
0x98: {  	s19 =	sld [smem:$0x3FDB];
	_ =	sdelay $0x1  }
0x99: {  	s4 =	simm.s32 $_scs_section_size  }
0x9a: {  	s5 =	simm.s32 $_size__tile_overlayer_lowered;
	s6 =	simm.s32 $_tile_overlayer_lowered  }
0x9b: {  	s22 =	simm.s32 $0x1BFF;
	s21 =	sshll.u32 s6, $0x1;
	s3 =	sadd.s32 s4, s19  }
0x9c: {  	s7 =	simm.s32 $0x0;
	s20 =	sshll.u32 s5, $0x1;
	s5 =	sadd.s32 s21, s3  }
0x9d: {  	[timem:s7], [sflag:s22] =	dma.local [hbm:s5], s20  }
0x9e: {  	_ =	swait.ge [sflag:s22], s20  }
0x9f: {  	s4 =	ssub.s32 $0x0, s20;
	[sflag:s22] =	ssyncset.done $0x0  }
0xa0: {  	[sflag:s22] =	ssyncadd.s32 s4;
	_ =	sdelay $0x1  }
0xa1: {  	s23 =	simm.s32 $0x1B8B  }
0xa2: {  	_ =	swait.ge [sflag:s23], $0x1  }
0xa3: {  	[sflag:s23] =	ssyncset.done $0x0  }
0xa4: {  	s25 =	simm.s32 $0x1B8E;
	s24 =	sld [smem:$0x3FFE];
	[sflag:s23] =	ssyncadd.s32 $0xFFFFFFFF  }
0xa5: {  	s26 =	simm.s32 $execute0_lowered;
	[smem:$0x3FD2] =	sst s25  }
0xa6: {  	s5 =	sshll.u32 s26, $0x1;
	_ =	strace $0x8000004C;
	[dreg:$0x1] =	wrdreg $0xFFFFFFFF  }
0xa7: {  	s28 =	simm.s32 $_size_execute0_lowered;
	s3 =	sadd.s32 s3, s5;
	[dreg:$0x0] =	wrdreg $0x0  }
0xa8: {  	s5 =	sshll.u32 s28, $0x1;
	[dreg:$0x2] =	wrdreg s3  }
0xa9: {  	[dreg:$0x3] =	wrdreg s5  }
0xaa: {  	[dreg:$0x4] =	wrdreg $0xC0  }
0xab: {  	_ =	task [dreg:s7], $0x5FFFF  }
0xac: {  	[dreg:$0x1] =	wrdreg $0xFFFFFFFF  }
0xad: {  	[dreg:$0x0] =	wrdreg $0x60  }
0xae: {  	[dreg:$0x2] =	wrdreg s24  }
0xaf: {  	[dreg:$0x3] =	wrdreg s2  }
0xb0: {  	[dreg:$0x4] =	wrdreg $0xA8000  }
0xb1: {  	[dreg:$0x5] =	wrdreg $0x9  }
0xb2: {  	_ =	task.clear_ibuf [dreg:s7], $0x6FFFF;
	_ =	strace $0x9000004C  }
0xb3: {  	s29 =	simm.s32 $0x9;
	_ =	strace $0x8000004E  }
0xb4: {  	_ =	swait.ge [sflag:s29], $0x1  }
0xb5: {  	[sflag:s29] =	ssyncadd.s32 $0xFFFFFFFF  }
0xb6: {  	_ =	strace $0x9000004E  }
0xb7: {  	_ =	sfence  }
0xb8: {  	s30 =	sld [smem:$0x0];
	_ =	sdelay $0x2  }
0xb9: {  	s31 =	sshll.u32 s1, $0xD;
	s1 =	sshrl.u32 s1, $0x2  }
0xba: {  	s3 =	sand.u32 $0x4000, s31;
	s1 =	sadd.s32 s1, s30  }
0xbb: {  	s0 =	sor.u32 s3, s0;
	s1 =	sshll.u32 s1, $0x11  }
0xbc: {  	s0 =	sor.u32 s1, s0  }
0xbd: {  	s0 =	sadd.s32 $0x8F2B, s0  }
0xbe: {  	[sflag:s0] =	ssyncadd.remote.s32 $0x1  }
0xbf: {  	_ =	sfence.sel $0xFFFF  }
0xc0: {  	[dreg:$0x0] =	wrdreg $0xFFFFFFFF;
	(pc) =	sbr.abs _section_cstart, $3  }
0xc1: {  	[dreg:$0x1] =	wrdreg $0xFFFFFFFF  }
0xc2: {  	_ =	task.clear_ibuf [dreg:s7], $0x2FFFF;
	_ =	strace $0x9FFFFFFF  }
0xc3: {  	(tm) =	ssettm $0x7FFFFFFF  }
tec
execute0_lowered:
.L_overlay_start_1:
0x0: {  	(tag) =	ssettag $0x1  }
0x1: {  	s5 =	rddreg [dreg:$0x0]  }
0x2: {  	s15 =	rddreg [dreg:$0x1]  }
0x3: {  	s0 =	srdreg.scid;
	s2 =	rddreg [dreg:$0x2]  }
0x4: {  	s1 =	stileid.u32;
	s3 =	simm.s32 $0x0;
	s17 =	simm.s32 $0x3  }
0x5: {  	s18 =	simm.s32 $0x1400;
	s19 =	simm.s32 $0x80;
	s20 =	simm.s32 $0x6800  }
0x6: {  	s21 =	simm.s32 $0x1;
	s22 =	simm.s32 $0x2;
	s23 =	simm.s32 $0x2700  }
0x7: {  	s6 =	sand.u32 $0x1, s0;
	s0 =	rddreg [dreg:$0x3];
	s7 =	smul.u32 $0x14000, s1  }
0x8: {  	s24 =	simm.s32 $0x2780;
	[smem:$0x7FF] =	sst s3;
	s8 =	smul.u32 $0x50000, s1  }
0x9: {  	s14 =	sadd.s32 $0x2800, s5;
	s4 =	smul.u32 $0x140000, s6;
	s31 =	ssub.s32 $0x2, s6  }
0xa: {  	_ =	strace $0x8000004D;
	s6 =	sshll.u32 s6, $0x4;
	s9 =	sshrl.u32 s31, $0x1  }
0xb: {  	s8 =	sshrl.u32 s8, $0x2;
	s10 =	sor.u32 s1, s6;
	s7 =	sadd.s32 s7, s4  }
0xc: {  	s4 =	sadd.s32 $0xCC00, s5;
	s13 =	smul.u32 $0x500, s10;
	s7 =	sshrl.u32 s7, $0x3  }
0xd: {  	s9 =	ssub.s32 s31, s9;
	s7 =	sadd.s32 s7, s5;
	s5 =	sadd.s32 s8, s2  }
0xe: {  	s12 =	sadd.s32 s14, s13;
	s16 =	sadd.s32 $0x280, s13;
	s13 =	sadd.s32 s15, s13  }
0xf: {  	s6 =	sadd.s32 $0x34C00, s7;
	s7 =	smax.u32 s9, $0x1;
	s8 =	sadd.s32 $0x4000, s5  }
0x10: {  	s9 =	sadd.s32 $0x8000, s5;
	s10 =	sadd.s32 $0xC000, s5;
	s11 =	sadd.s32 $0x10000, s5  }
0x11: {  	v0 =	vimm.f32 $0.0e+00;
	s14 =	sadd.s32 s14, s16;
	s15 =	sadd.s32 s15, s16;
	s16 =	simm.s32 $0x2800  }
.LBB2_1:
0x12: {  	s25 =	simm.s32 $0x0;
	s26 =	simm.s32 $0x200  }
.LBB2_2:
0x13: {  	p0 =	sne.s32 s26, $0xFE00;
	[tilespmem:s25+$0x2870] =	vst v0  }
0x14: {  	[tilespmem:s25+$0x2800] =	vst v0  }
0x15: {  	[tilespmem:s25+$0x2810] =	vst v0  }
.Ltmp0:
0x16: {  	[tilespmem:s25+$0x2820] =	vst v0;
	(pc) =	sbr.rel @p0 .LBB2_2-.Ltmp0, $4  }
0x17: {  	[tilespmem:s25+$0x2830] =	vst v0  }
0x18: {  	[tilespmem:s25+$0x2840] =	vst v0  }
0x19: {  	[tilespmem:s25+$0x2850] =	vst v0  }
0x1a: {  	[tilespmem:s25+$0x2860] =	vst v0;
	s25 =	sshra.s32 s26, $0x2;
	s26 =	sadd.s32 $0x200, s26  }
0x1b: {  	[tilespmem:s25+$0x2870] =	vst v0  }
0x1c: {  	[tilespmem:s25+$0x2800] =	vst v0  }
0x1d: {  	[tilespmem:s25+$0x2810] =	vst v0  }
0x1e: {  	[tilespmem:s25+$0x2820] =	vst v0  }
0x1f: {  	[tilespmem:s25+$0x2830] =	vst v0  }
0x20: {  	[tilespmem:s25+$0x2840] =	vst v0  }
0x21: {  	[tilespmem:s25+$0x2850] =	vst v0  }
0x22: {  	[tilespmem:s25+$0x2860] =	vst v0  }
0x23: {  	[spmem:s5] =	stream.linear.scatter [tilespmem:s16], [sflag:$0x3], $0x4000, $0x38;
	[tilespmem:$0x1E800] =	vst v63  }
0x24: {  	_ =	swait.ge [sflag:s17], $0x4000  }
0x25: {  	[sflag:s17] =	ssyncset.done $0x0  }
0x26: {  	[sflag:s17] =	ssyncadd.s32 $0xFFFFC000  }
0x27: {  	[spmem:s8] =	stream.linear.scatter [tilespmem:s16], [sflag:$0x3], $0x4000, $0x38;
	[tilespmem:$0x1E800] =	vst v63  }
0x28: {  	_ =	swait.ge [sflag:s17], $0x4000  }
0x29: {  	[sflag:s17] =	ssyncset.done $0x0  }
0x2a: {  	[sflag:s17] =	ssyncadd.s32 $0xFFFFC000  }
0x2b: {  	[spmem:s9] =	stream.linear.scatter [tilespmem:s16], [sflag:$0x3], $0x4000, $0x38;
	[tilespmem:$0x1E800] =	vst v63  }
0x2c: {  	_ =	swait.ge [sflag:s17], $0x4000  }
0x2d: {  	[sflag:s17] =	ssyncset.done $0x0  }
0x2e: {  	[sflag:s17] =	ssyncadd.s32 $0xFFFFC000  }
0x2f: {  	[spmem:s10] =	stream.linear.scatter [tilespmem:s16], [sflag:$0x3], $0x4000, $0x38;
	[tilespmem:$0x1E800] =	vst v63  }
0x30: {  	_ =	swait.ge [sflag:s17], $0x4000  }
0x31: {  	[sflag:s17] =	ssyncset.done $0x0  }
0x32: {  	[sflag:s17] =	ssyncadd.s32 $0xFFFFC000  }
0x33: {  	[spmem:s11] =	stream.linear.scatter [tilespmem:s16], [sflag:$0x3], $0x4000, $0x38;
	[tilespmem:$0x1E800] =	vst v63  }
0x34: {  	_ =	swait.ge [sflag:s17], $0x4000  }
0x35: {  	[sflag:s17] =	ssyncset.done $0x0  }
0x36: {  	[sflag:s17] =	ssyncadd.s32 $0xFFFFC000  }
0x37: {  	s28 =	simm.s32 $0x0;
	[bflag:$0x0] =	sbarrier.arrive $0xFFFF  }
0x38: {  	[tilespmem:s28], [sflag:$0x3] =	stream.linear.gather [hbm4b:s12+s28], $0x1400, $0x38;
	[tilespmem:$0x1E800] =	vst v63  }
0x39: {  	_ =	swait.ge [sflag:s17], $0x1400  }
0x3a: {  	[sflag:s17] =	ssyncset.done $0x0  }
0x3b: {  	[sflag:s17] =	ssyncadd.s32 $0xFFFFEC00  }
0x3c: {  	[tilespmem:s18], [sflag:$0x3] =	stream.linear.gather [hbm4b:s13+s28], $0x1400, $0x38;
	[tilespmem:$0x1E800] =	vst v63  }
0x3d: {  	_ =	swait.ge [sflag:s17], $0x1400  }
0x3e: {  	[sflag:s17] =	ssyncset.done $0x0  }
0x3f: {  	[sflag:s17] =	ssyncadd.s32 $0xFFFFEC00  }
0x40: {  	[tilespmem:s16], [sflag:$0x1] =	stream.indirect.gather [hbm4b:s4+s19], $0x80, s28, s19, $0xb8;
	[tilespmem:$0x1E800] =	vst v63  }
0x41: {  	_ = 	snop  }
0x42: {  	[tilespmem:s20], [sflag:$0x2] =	stream.indirect.gather [hbm4b:s4+s19], $0x80, s19, s19, $0xb8;
	[tilespmem:$0x1E800] =	vst v63  }
0x43: {  	_ =	swait.ge [sflag:s21], $0x4000  }
0x44: {  	[sflag:s21] =	ssyncset.done $0x0  }
0x45: {  	s29 =	simm.s32 $0x1400;
	[sflag:s21] =	ssyncadd.s32 $0xFFFFC000  }
0x46: {  	[spmem:s2] =	stream.indirect.scatter.add.f32 [tilespmem:s16], [sflag:$0x3], $0x80, s29, s19, $0xb8;
	[tilespmem:$0x1E800] =	vst v63  }
0x47: {  	_ =	swait.ge [sflag:s17], $0x4000  }
0x48: {  	[sflag:s17] =	ssyncset.done $0x0  }
0x49: {  	s30 =	simm.s32 $0x100;
	[sflag:s17] =	ssyncadd.s32 $0xFFFFC000  }
0x4a: {  	[tilespmem:s16], [sflag:$0x1] =	stream.indirect.gather [hbm4b:s4+s19], $0x80, s30, s19, $0xb8;
	[tilespmem:$0x1E800] =	vst v63  }
0x4b: {  	_ =	swait.ge [sflag:s22], $0x4000  }
0x4c: {  	[sflag:s22] =	ssyncset.done $0x0  }
0x4d: {  	s31 =	simm.s32 $0x1480;
	[sflag:s22] =	ssyncadd.s32 $0xFFFFC000  }
0x4e: {  	[spmem:s2] =	stream.indirect.scatter.add.f32 [tilespmem:s20], [sflag:$0x3], $0x80, s31, s19, $0xb8;
	[tilespmem:$0x1E800] =	vst v63  }
0x4f: {  	_ =	swait.ge [sflag:s17], $0x4000  }
0x50: {  	[sflag:s17] =	ssyncset.done $0x0  }
0x51: {  	s25 =	simm.s32 $0x400;
	s26 =	simm.s32 $0x180;
	[sflag:s17] =	ssyncadd.s32 $0xFFFFC000  }
.LBB2_4:
0x52: {  	[tilespmem:s20], [sflag:$0x2] =	stream.indirect.gather [hbm4b:s4+s19], $0x80, s26, s19, $0xb8;
	[tilespmem:$0x1E800] =	vst v63  }
0x53: {  	s26 =	smov.u32 s25  }
0x54: {  	p0 =	sne.s32 s25, $0x4800;
	s25 =	sadd.s32 $0x400, s25;
	_ =	swait.ge [sflag:s21], $0x4000  }
0x55: {  	s26 =	sshra.s32 s26, $0x2;
	[sflag:s21] =	ssyncset.done $0x0  }
0x56: {  	s28 =	sadd.s32 $0x1400, s26;
	[sflag:s21] =	ssyncadd.s32 $0xFFFFC000  }
0x57: {  	[spmem:s2] =	stream.indirect.scatter.add.f32 [tilespmem:s16], [sflag:$0x3], $0x80, s28, s19, $0xb8;
	[tilespmem:$0x1E800] =	vst v63  }
0x58: {  	_ =	swait.ge [sflag:s17], $0x4000  }
0x59: {  	[sflag:s17] =	ssyncset.done $0x0  }
0x5a: {  	s28 =	sadd.s32 $0x100, s26;
	[sflag:s17] =	ssyncadd.s32 $0xFFFFC000  }
0x5b: {  	[tilespmem:s16], [sflag:$0x1] =	stream.indirect.gather [hbm4b:s4+s19], $0x80, s28, s19, $0xb8;
	[tilespmem:$0x1E800] =	vst v63  }
0x5c: {  	_ =	swait.ge [sflag:s22], $0x4000  }
0x5d: {  	[sflag:s22] =	ssyncset.done $0x0  }
.Ltmp1:
0x5e: {  	s28 =	sadd.s32 $0x1480, s26;
	[sflag:s22] =	ssyncadd.s32 $0xFFFFC000;
	(pc) =	sbr.rel @p0 .LBB2_4-.Ltmp1, $4  }
0x5f: {  	[spmem:s2] =	stream.indirect.scatter.add.f32 [tilespmem:s20], [sflag:$0x3], $0x80, s28, s19, $0xb8;
	[tilespmem:$0x1E800] =	vst v63  }
0x60: {  	_ =	swait.ge [sflag:s17], $0x4000  }
0x61: {  	[sflag:s17] =	ssyncset.done $0x0  }
0x62: {  	s26 =	sadd.s32 $0x180, s26;
	[sflag:s17] =	ssyncadd.s32 $0xFFFFC000  }
0x63: {  	[tilespmem:s20], [sflag:$0x2] =	stream.indirect.gather [hbm4b:s4+s19], $0x80, s26, s19, $0xb8;
	[tilespmem:$0x1E800] =	vst v63  }
0x64: {  	_ =	swait.ge [sflag:s21], $0x4000  }
0x65: {  	[sflag:s21] =	ssyncset.done $0x0  }
0x66: {  	[sflag:s21] =	ssyncadd.s32 $0xFFFFC000  }
0x67: {  	[spmem:s2] =	stream.indirect.scatter.add.f32 [tilespmem:s16], [sflag:$0x3], $0x80, s23, s19, $0xb8;
	[tilespmem:$0x1E800] =	vst v63  }
0x68: {  	_ =	swait.ge [sflag:s17], $0x4000  }
0x69: {  	[sflag:s17] =	ssyncset.done $0x0  }
0x6a: {  	[sflag:s17] =	ssyncadd.s32 $0xFFFFC000  }
0x6b: {  	_ =	swait.ge [sflag:s22], $0x4000  }
0x6c: {  	[sflag:s22] =	ssyncset.done $0x0  }
0x6d: {  	[sflag:s22] =	ssyncadd.s32 $0xFFFFC000  }
0x6e: {  	[spmem:s2] =	stream.indirect.scatter.add.f32 [tilespmem:s20], [sflag:$0x3], $0x80, s24, s19, $0xb8;
	[tilespmem:$0x1E800] =	vst v63  }
0x6f: {  	_ =	swait.ge [sflag:s17], $0x4000  }
0x70: {  	[sflag:s17] =	ssyncset.done $0x0  }
0x71: {  	s25 =	simm.s32 $0x0;
	[sflag:s17] =	ssyncadd.s32 $0xFFFFC000  }
0x72: {  	[tilespmem:s25], [sflag:$0x3] =	stream.linear.gather [hbm4b:s14+s25], $0x1400, $0x38;
	[tilespmem:$0x1E800] =	vst v63  }
0x73: {  	_ =	swait.ge [sflag:s17], $0x1400  }
0x74: {  	[sflag:s17] =	ssyncset.done $0x0  }
0x75: {  	[sflag:s17] =	ssyncadd.s32 $0xFFFFEC00  }
0x76: {  	[tilespmem:s18], [sflag:$0x3] =	stream.linear.gather [hbm4b:s15+s25], $0x1400, $0x38;
	[tilespmem:$0x1E800] =	vst v63  }
0x77: {  	_ =	swait.ge [sflag:s17], $0x1400  }
0x78: {  	[sflag:s17] =	ssyncset.done $0x0  }
0x79: {  	[sflag:s17] =	ssyncadd.s32 $0xFFFFEC00  }
0x7a: {  	[tilespmem:s16], [sflag:$0x1] =	stream.indirect.gather [hbm4b:s4+s19], $0x80, s25, s19, $0xb8;
	[tilespmem:$0x1E800] =	vst v63  }
0x7b: {  	_ = 	snop  }
0x7c: {  	[tilespmem:s20], [sflag:$0x2] =	stream.indirect.gather [hbm4b:s4+s19], $0x80, s19, s19, $0xb8;
	[tilespmem:$0x1E800] =	vst v63  }
0x7d: {  	_ =	swait.ge [sflag:s21], $0x4000  }
0x7e: {  	[sflag:s21] =	ssyncset.done $0x0  }
0x7f: {  	s29 =	simm.s32 $0x1400;
	[sflag:s21] =	ssyncadd.s32 $0xFFFFC000  }
0x80: {  	[spmem:s2] =	stream.indirect.scatter.add.f32 [tilespmem:s16], [sflag:$0x3], $0x80, s29, s19, $0xb8;
	[tilespmem:$0x1E800] =	vst v63  }
0x81: {  	_ =	swait.ge [sflag:s17], $0x4000  }
0x82: {  	[sflag:s17] =	ssyncset.done $0x0  }
0x83: {  	s30 =	simm.s32 $0x100;
	[sflag:s17] =	ssyncadd.s32 $0xFFFFC000  }
0x84: {  	[tilespmem:s16], [sflag:$0x1] =	stream.indirect.gather [hbm4b:s4+s19], $0x80, s30, s19, $0xb8;
	[tilespmem:$0x1E800] =	vst v63  }
0x85: {  	_ =	swait.ge [sflag:s22], $0x4000  }
0x86: {  	[sflag:s22] =	ssyncset.done $0x0  }
0x87: {  	s31 =	simm.s32 $0x1480;
	[sflag:s22] =	ssyncadd.s32 $0xFFFFC000  }
0x88: {  	[spmem:s2] =	stream.indirect.scatter.add.f32 [tilespmem:s20], [sflag:$0x3], $0x80, s31, s19, $0xb8;
	[tilespmem:$0x1E800] =	vst v63  }
0x89: {  	_ =	swait.ge [sflag:s17], $0x4000  }
0x8a: {  	[sflag:s17] =	ssyncset.done $0x0  }
0x8b: {  	s26 =	simm.s32 $0x180;
	s25 =	simm.s32 $0x400;
	[sflag:s17] =	ssyncadd.s32 $0xFFFFC000  }
.LBB2_6:
0x8c: {  	[tilespmem:s20], [sflag:$0x2] =	stream.indirect.gather [hbm4b:s4+s19], $0x80, s26, s19, $0xb8;
	[tilespmem:$0x1E800] =	vst v63  }
0x8d: {  	s26 =	smov.u32 s25  }
0x8e: {  	p0 =	sne.s32 s25, $0x4800;
	s25 =	sadd.s32 $0x400, s25;
	_ =	swait.ge [sflag:s21], $0x4000  }
0x8f: {  	s26 =	sshra.s32 s26, $0x2;
	[sflag:s21] =	ssyncset.done $0x0  }
0x90: {  	s28 =	sadd.s32 $0x1400, s26;
	[sflag:s21] =	ssyncadd.s32 $0xFFFFC000  }
0x91: {  	[spmem:s2] =	stream.indirect.scatter.add.f32 [tilespmem:s16], [sflag:$0x3], $0x80, s28, s19, $0xb8;
	[tilespmem:$0x1E800] =	vst v63  }
0x92: {  	_ =	swait.ge [sflag:s17], $0x4000  }
0x93: {  	[sflag:s17] =	ssyncset.done $0x0  }
0x94: {  	s28 =	sadd.s32 $0x100, s26;
	[sflag:s17] =	ssyncadd.s32 $0xFFFFC000  }
0x95: {  	[tilespmem:s16], [sflag:$0x1] =	stream.indirect.gather [hbm4b:s4+s19], $0x80, s28, s19, $0xb8;
	[tilespmem:$0x1E800] =	vst v63  }
0x96: {  	_ =	swait.ge [sflag:s22], $0x4000  }
0x97: {  	[sflag:s22] =	ssyncset.done $0x0  }
.Ltmp2:
0x98: {  	s28 =	sadd.s32 $0x1480, s26;
	[sflag:s22] =	ssyncadd.s32 $0xFFFFC000;
	(pc) =	sbr.rel @p0 .LBB2_6-.Ltmp2, $4  }
0x99: {  	[spmem:s2] =	stream.indirect.scatter.add.f32 [tilespmem:s20], [sflag:$0x3], $0x80, s28, s19, $0xb8;
	[tilespmem:$0x1E800] =	vst v63  }
0x9a: {  	_ =	swait.ge [sflag:s17], $0x4000  }
0x9b: {  	[sflag:s17] =	ssyncset.done $0x0  }
0x9c: {  	s26 =	sadd.s32 $0x180, s26;
	[sflag:s17] =	ssyncadd.s32 $0xFFFFC000  }
0x9d: {  	[tilespmem:s20], [sflag:$0x2] =	stream.indirect.gather [hbm4b:s4+s19], $0x80, s26, s19, $0xb8;
	[tilespmem:$0x1E800] =	vst v63  }
0x9e: {  	_ =	swait.ge [sflag:s21], $0x4000  }
0x9f: {  	[sflag:s21] =	ssyncset.done $0x0  }
0xa0: {  	[sflag:s21] =	ssyncadd.s32 $0xFFFFC000  }
0xa1: {  	[spmem:s2] =	stream.indirect.scatter.add.f32 [tilespmem:s16], [sflag:$0x3], $0x80, s23, s19, $0xb8;
	[tilespmem:$0x1E800] =	vst v63  }
0xa2: {  	_ =	swait.ge [sflag:s17], $0x4000  }
0xa3: {  	[sflag:s17] =	ssyncset.done $0x0  }
0xa4: {  	[sflag:s17] =	ssyncadd.s32 $0xFFFFC000  }
0xa5: {  	_ =	swait.ge [sflag:s22], $0x4000  }
0xa6: {  	[sflag:s22] =	ssyncset.done $0x0  }
0xa7: {  	[sflag:s22] =	ssyncadd.s32 $0xFFFFC000  }
0xa8: {  	[spmem:s2] =	stream.indirect.scatter.add.f32 [tilespmem:s20], [sflag:$0x3], $0x80, s24, s19, $0xb8;
	[tilespmem:$0x1E800] =	vst v63  }
0xa9: {  	_ =	swait.ge [sflag:s17], $0x4000  }
0xaa: {  	s25 =	sshll.u32 s1, $0x6;
	s3 =	sadd.s32 $0x1, s3;
	[sflag:s17] =	ssyncset.done $0x0  }
0xab: {  	s31 =	sshrl.u32 s5, $0x3;
	p0 =	sne.s32 s3, s7;
	[sflag:s17] =	ssyncadd.s32 $0xFFFFC000  }
.Ltmp3:
0xac: {  	s25 =	sor.u32 $0x1C03, s25;
	[bflag:$0x0] =	sbarrier.arrive $0xFFFF;
	(pc) =	sbr.rel @p0 .LBB2_1-.Ltmp3, $4  }
0xad: {  	[hbm:s6], [sflag:s25] =	dma.local [spmem:s31], $0x2800  }
0xae: {  	_ =	swait.ge [sflag:s17], $0x2800  }
0xaf: {  	[sflag:s17] =	ssyncset.done $0x0  }
0xb0: {  	[sflag:s17] =	ssyncadd.s32 $0xFFFFD800  }
0xb1: {  	_ =	sfence.sel $0x180000  }
0xb2: {  	[bflag:$0x0] =	sbarrier.arrive $0xFFFF  }
0xb3: {  	p0 =	sne.s32 s1, $0x0;
	_ =	strace $0x9000004D  }
0xb4: {  	s0 =	sadd.s32 @!p0 $0x100000, s0;
	[bflag:$0x2] =	sbarrier.arrive $0xFFFF  }
0xb5: {  	[sflag:s0] =	ssyncadd.tile.s32 @!p0 $0x1;
	_ =	shalt  }
.Lfunc_end2:
_tile_overlayer_lowered:
.L_overlay_start_2:
0xb6: {  	(tag) =	ssettag $0x2  }
0xb7: {  	s0 =	rddreg [dreg:$0x0];
	s2 =	stileid.u32  }
0xb8: {  	s1 =	rddreg [dreg:$0x1];
	p0 =	sne.s32 s2, $0x0  }
0xb9: {  	s3 =	rddreg [dreg:$0x2];
	[bflag:$0x3] =	sbarrier.arrive $0xFFFF;
	s2 =	simm.s32 @!p0 $0x1C03  }
0xba: {  	[timem:s3], [sflag:s2] =	dma.local @!p0 [hbm:s0], s1  }
0xbb: {  	s0 =	simm.s32 @!p0 $0x3  }
0xbc: {  	_ =	swait.ge @!p0 [sflag:s0], s1  }
0xbd: {  	s1 =	ssub.s32 @!p0 $0x0, s1;
	[sflag:s0] =	ssyncset.done @!p0 $0x0  }
0xbe: {  	[sflag:s0] =	ssyncadd.s32 @!p0 s1  }
0xbf: {  	[bflag:$0x3] =	sbarrier.arrive $0xFFFF  }
0xc0: {  	_ =	shalt  }

// kernel: kernel.8.cloned.1.call-start
scs
__scs_entry_jumppad:
0x0: {  	(pc) =	sbr.rel $0x88, $3  }
0x1: {  	(tag) =	ssettag $0x0;
	lr =	simm.s32 $0x1  }
0x2: {  	[smem:$0x3F97] =	sst lr;
	_ =	strace $0xD0000000  }
0x3: {  	_ = 	snop  }
0x4: {  	_ = 	snop  }
0x5: {  	_ = 	snop  }
0x6: {  	_ = 	snop  }
0x7: {  	_ = 	snop  }
__scs_overlays_trampoline_lowered:
0x8: {  	[smem:$0x3FA6] =	sst s0  }
0x9: {  	[smem:$0x3FA7] =	sst s1  }
0xa: {  	[smem:$0x3FA8] =	sst s2  }
0xb: {  	[smem:$0x3FA9] =	sst s3  }
0xc: {  	[smem:$0x3FAA] =	sst s4  }
0xd: {  	[smem:$0x3FAB] =	sst s5  }
0xe: {  	[smem:$0x3FAC] =	sst s6  }
0xf: {  	[smem:$0x3FAD] =	sst s7  }
0x10: {  	[smem:$0x3FAE] =	sst s8  }
0x11: {  	[smem:$0x3FAF] =	sst s9;
	s0 =	simm.s32 @!p0 $0x0  }
0x12: {  	s1 =	sld [smem:$0x3F95];
	s0 =	simm.s32 @p0 $0x1  }
0x13: {  	[smem:$0x3FB0] =	sst s0;
	s0 =	simm.s32 @!p1 $0x0  }
0x14: {  	s2 =	sld [smem:$0x3F94];
	s0 =	simm.s32 @p1 $0x1  }
0x15: {  	[smem:$0x3FB1] =	sst s0;
	s0 =	simm.s32 @!p2 $0x0  }
0x16: {  	s3 =	sld [smem:$0x3FDB];
	s0 =	simm.s32 @p2 $0x1  }
0x17: {  	s4 =	simm.s32 $0x1BF5;
	[smem:$0x3FB3] =	sst s0  }
0x18: {  	s0 =	sld [smem:$0x3F96];
	_ =	swait.ge [sflag:s4], $0x0  }
0x19: {  	s7 =	sld [smem:$0x3F97]  }
0x1a: {  	s8 =	sadd.s32 $0xFFFFE003, lr  }
0x1b: {  	s9 =	sadd.s32 $0xFFFFFEF7, lr;
	s5 =	simm.s32 $0xFFFFFFFF;
	p2 =	slt.u32 s8, $0xFFFFF086  }
0x1c: {  	p1 =	slt.u32 s9, $0xF7A;
	s5 =	simm.s32 @!p2 $0x0  }
0x1d: {  	s5 =	simm.s32 @p1 $0x1;
	p0 =	seq.s32 s7, s2  }
0x1e: {  	s7 =	smul.u32 @!p0 $0xF7A, s2;
	p2 =	seq.s32 @!p0 s5, $0x0  }
0x1f: {  	s9 =	smul.u32 $0xF7A, s1;
	s8 =	simm.s32 @!p0 $0x1BF5;
	p2 =	por !p2, p0  }
0x20: {  	[sflag:s8] =	ssyncset.s32 @!p0 $0xFFFFF086;
	s6 =	sadd.s32 @!p0 s3, s7;
	s7 =	simm.s32 @!p0 $0x108  }
0x21: {  	s3 =	sadd.s32 s3, s9;
	s6 =	sadd.s32 @!p0 $0x88, s6;
	s7 =	simm.s32 @p2 $0x1082  }
0x22: {  	[simem:s7], [sflag:s8] =	dma.local @!p0 [hbm:s6], $0xF7A  }
0x23: {  	s9 =	sor.u32 $0xD0000000, s2;
	s6 =	simm.s32 $0x108;
	_ =	swait.ge @!p0 [sflag:s8], $0x0  }
0x24: {  	s3 =	sadd.s32 $0x88, s3;
	s6 =	simm.s32 @!p1 $0x1082;
	[sflag:s4] =	ssyncset.s32 $0xFFFFF086  }
0x25: {  	[simem:s6], [sflag:s4] =	dma.local [hbm:s3], $0xF7A  }
0x26: {  	[smem:$0x3F97] =	sst s1;
	(tag) =	ssettag s2;
	_ =	strace s9  }
0x27: {  	s1 =	sld [smem:$0x3FA7]  }
0x28: {  	s2 =	sld [smem:$0x3FA8]  }
0x29: {  	s4 =	sld [smem:$0x3FAA]  }
0x2a: {  	p0 =	seq.s32 s5, $0x0;
	s5 =	sld [smem:$0x3FAB]  }
0x2b: {  	s6 =	sld [smem:$0x3FAC]  }
0x2c: {  	s7 =	sld [smem:$0x3FAD]  }
0x2d: {  	s3 =	simm.s32 $0x108;
	s8 =	sld [smem:$0x3FAE]  }
0x2e: {  	s3 =	simm.s32 @!p0 $0x1082;
	s9 =	sld [smem:$0x3FAF]  }
0x2f: {  	lr =	sadd.s32 s0, s3;
	s0 =	sld [smem:$0x3FA6]  }
0x30: {  	s3 =	sld [smem:$0x3FA9]  }
0x31: {  	[smem:$0x3FB2] =	sst s10  }
0x32: {  	s10 =	sld [smem:$0x3FB0];
	_ =	sdelay $0x3  }
0x33: {  	p0 =	seq.s32 s10, $0x1;
	s10 =	sld [smem:$0x3FB2];
	_ =	sdelay $0x3  }
0x34: {  	[smem:$0x3FB2] =	sst s10  }
0x35: {  	s10 =	sld [smem:$0x3FB1];
	_ =	sdelay $0x3  }
0x36: {  	p1 =	seq.s32 s10, $0x1;
	s10 =	sld [smem:$0x3FB2];
	_ =	sdelay $0x3  }
0x37: {  	[smem:$0x3FB2] =	sst s10  }
0x38: {  	s10 =	sld [smem:$0x3FB3]  }
0x39: {  	_ = 	snop;
	(pc) =	sbr.ind lr, $3  }
0x3a: {  	_ = 	snop  }
0x3b: {  	_ = 	snop  }
0x3c: {  	p2 =	seq.s32 s10, $0x1;
	s10 =	sld [smem:$0x3FB2]  }
0x3d: {  	_ =	shalt  }
0x3e: {  	_ =	shalt  }
0x3f: {  	_ =	shalt  }
0x40: {  	_ =	shalt  }
0x41: {  	_ =	shalt  }
0x42: {  	_ =	shalt  }
0x43: {  	_ =	shalt  }
0x44: {  	_ =	shalt  }
0x45: {  	_ =	shalt  }
0x46: {  	_ =	shalt  }
0x47: {  	_ =	shalt  }
0x48: {  	_ =	shalt  }
0x49: {  	_ =	shalt  }
0x4a: {  	_ =	shalt  }
0x4b: {  	_ =	shalt  }
0x4c: {  	_ =	shalt  }
0x4d: {  	_ =	shalt  }
0x4e: {  	_ =	shalt  }
0x4f: {  	_ =	shalt  }
0x50: {  	_ =	shalt  }
0x51: {  	_ =	shalt  }
0x52: {  	_ =	shalt  }
0x53: {  	_ =	shalt  }
0x54: {  	_ =	shalt  }
0x55: {  	_ =	shalt  }
0x56: {  	_ =	shalt  }
0x57: {  	_ =	shalt  }
0x58: {  	_ =	shalt  }
0x59: {  	_ =	shalt  }
0x5a: {  	_ =	shalt  }
0x5b: {  	_ =	shalt  }
0x5c: {  	_ =	shalt  }
0x5d: {  	_ =	shalt  }
0x5e: {  	_ =	shalt  }
0x5f: {  	_ =	shalt  }
0x60: {  	_ =	shalt  }
0x61: {  	_ =	shalt  }
0x62: {  	_ =	shalt  }
0x63: {  	_ =	shalt  }
0x64: {  	_ =	shalt  }
0x65: {  	_ =	shalt  }
0x66: {  	_ =	shalt  }
0x67: {  	_ =	shalt  }
0x68: {  	_ =	shalt  }
0x69: {  	_ =	shalt  }
0x6a: {  	_ =	shalt  }
0x6b: {  	_ =	shalt  }
0x6c: {  	_ =	shalt  }
0x6d: {  	_ =	shalt  }
0x6e: {  	_ =	shalt  }
0x6f: {  	_ =	shalt  }
0x70: {  	_ =	shalt  }
0x71: {  	_ =	shalt  }
0x72: {  	_ =	shalt  }
0x73: {  	_ =	shalt  }
0x74: {  	_ =	shalt  }
0x75: {  	_ =	shalt  }
0x76: {  	_ =	shalt  }
0x77: {  	_ =	shalt  }
0x78: {  	_ =	shalt  }
0x79: {  	_ =	shalt  }
0x7a: {  	_ =	shalt  }
0x7b: {  	_ =	shalt  }
0x7c: {  	_ =	shalt  }
0x7d: {  	_ =	shalt  }
0x7e: {  	_ =	shalt  }
0x7f: {  	_ =	shalt  }
0x80: {  	_ =	shalt  }
0x81: {  	_ =	shalt  }
0x82: {  	_ =	shalt  }
0x83: {  	_ =	shalt  }
0x84: {  	_ =	shalt  }
0x85: {  	_ =	shalt  }
0x86: {  	_ =	shalt  }
0x87: {  	_ =	shalt  }
.Lfunc_end0:
.L_simem_size_0:
called_computation_lowered:
.L_overlay_start_0:
0x88: {  	s2 =	sld [smem:$0x3FD9]  }
0x89: {  	s3 =	sld [smem:$0x3FFE];
	_ =	sdelay $0x1  }
0x8a: {  	s1 =	srdreg.scid  }
0x8b: {  	s0 =	sand.u32 $0x1, s1  }
0x8c: {  	s17 =	sshll.u32 s0, $0xA;
	s2 =	sadd.s32 s3, s2  }
0x8d: {  	s2 =	sadd.s32 s2, s17  }
0x8e: {  	[smem:$0x3FBE] =	sst s2  }
0x8f: {  	_ = 	snop  }
0x90: {  	s2 =	sld [smem:$0x3FD0];
	(tm) =	ssettm $0x1  }
0x91: {  	s18 =	sld [smem:$0x3FFB];
	_ =	sdelay $0x3  }
0x92: {  	_ =	strace s18  }
0x93: {  	s3 =	sld [smem:$0x3FFC];
	_ =	sdelay $0x3  }
0x94: {  	_ =	strace s3  }
0x95: {  	s3 =	sld [smem:$0x3FFD];
	_ =	sdelay $0x3  }
0x96: {  	_ =	strace s3  }
0x97: {  	_ =	strace $0x8FFFFFFF  }
0x98: {  	s19 =	sld [smem:$0x3FDB];
	_ =	sdelay $0x1  }
0x99: {  	s4 =	simm.s32 $_scs_section_size  }
0x9a: {  	s5 =	simm.s32 $_size__tile_overlayer_lowered;
	s6 =	simm.s32 $_tile_overlayer_lowered  }
0x9b: {  	s22 =	simm.s32 $0x1BFF;
	s21 =	sshll.u32 s6, $0x1;
	s3 =	sadd.s32 s4, s19  }
0x9c: {  	s7 =	simm.s32 $0x0;
	s20 =	sshll.u32 s5, $0x1;
	s5 =	sadd.s32 s21, s3  }
0x9d: {  	[timem:s7], [sflag:s22] =	dma.local [hbm:s5], s20  }
0x9e: {  	_ =	swait.ge [sflag:s22], s20  }
0x9f: {  	s4 =	ssub.s32 $0x0, s20;
	[sflag:s22] =	ssyncset.done $0x0  }
0xa0: {  	[sflag:s22] =	ssyncadd.s32 s4;
	_ =	sdelay $0x1  }
0xa1: {  	s23 =	simm.s32 $0x1B8B  }
0xa2: {  	_ =	swait.ge [sflag:s23], $0x1  }
0xa3: {  	[sflag:s23] =	ssyncset.done $0x0  }
0xa4: {  	s25 =	simm.s32 $0x1B8E;
	s24 =	sld [smem:$0x3FFE];
	[sflag:s23] =	ssyncadd.s32 $0xFFFFFFFF  }
0xa5: {  	s26 =	simm.s32 $execute0_lowered;
	[smem:$0x3FD2] =	sst s25  }
0xa6: {  	s5 =	sshll.u32 s26, $0x1;
	_ =	strace $0x80000046;
	[dreg:$0x1] =	wrdreg $0xFFFFFFFF  }
0xa7: {  	s28 =	simm.s32 $_size_execute0_lowered;
	s3 =	sadd.s32 s3, s5;
	[dreg:$0x0] =	wrdreg $0x0  }
0xa8: {  	s5 =	sshll.u32 s28, $0x1;
	[dreg:$0x2] =	wrdreg s3  }
0xa9: {  	[dreg:$0x3] =	wrdreg s5  }
0xaa: {  	[dreg:$0x4] =	wrdreg $0xC0  }
0xab: {  	_ =	task [dreg:s7], $0x5FFFF  }
0xac: {  	[dreg:$0x1] =	wrdreg $0xFFFFFFFF  }
0xad: {  	[dreg:$0x0] =	wrdreg $0x60  }
0xae: {  	[dreg:$0x2] =	wrdreg s24  }
0xaf: {  	[dreg:$0x3] =	wrdreg s2  }
0xb0: {  	[dreg:$0x4] =	wrdreg $0x53000  }
0xb1: {  	[dreg:$0x5] =	wrdreg $0x55800  }
0xb2: {  	[dreg:$0x6] =	wrdreg $0x9  }
0xb3: {  	_ =	task.clear_ibuf [dreg:s7], $0x7FFFF;
	_ =	strace $0x90000046  }
0xb4: {  	s29 =	simm.s32 $0x9;
	_ =	strace $0x80000048  }
0xb5: {  	_ =	swait.ge [sflag:s29], $0x1  }
0xb6: {  	[sflag:s29] =	ssyncadd.s32 $0xFFFFFFFF  }
0xb7: {  	_ =	strace $0x90000048  }
0xb8: {  	_ =	sfence  }
0xb9: {  	s30 =	sld [smem:$0x0];
	_ =	sdelay $0x2  }
0xba: {  	s31 =	sshll.u32 s1, $0xD;
	s1 =	sshrl.u32 s1, $0x2  }
0xbb: {  	s3 =	sand.u32 $0x4000, s31;
	s1 =	sadd.s32 s1, s30  }
0xbc: {  	s0 =	sor.u32 s3, s0;
	s1 =	sshll.u32 s1, $0x11  }
0xbd: {  	s0 =	sor.u32 s1, s0  }
0xbe: {  	s0 =	sadd.s32 $0x8F2B, s0  }
0xbf: {  	[sflag:s0] =	ssyncadd.remote.s32 $0x1  }
0xc0: {  	_ =	sfence.sel $0xFFFF  }
0xc1: {  	[dreg:$0x0] =	wrdreg $0xFFFFFFFF;
	(pc) =	sbr.abs _section_cstart, $3  }
0xc2: {  	[dreg:$0x1] =	wrdreg $0xFFFFFFFF  }
0xc3: {  	_ =	task.clear_ibuf [dreg:s7], $0x2FFFF;
	_ =	strace $0x9FFFFFFF  }
0xc4: {  	(tm) =	ssettm $0x7FFFFFFF  }
0xc5: {  	_ =	shalt  }
tec
execute0_lowered:
.L_overlay_start_1:
0x0: {  	(tag) =	ssettag $0x1  }
0x1: {  	s5 =	rddreg [dreg:$0x0]  }
0x2: {  	s8 =	rddreg [dreg:$0x1]  }
0x3: {  	s1 =	rddreg [dreg:$0x2]  }
0x4: {  	s3 =	rddreg [dreg:$0x3];
	s2 =	srdreg.scid  }
0x5: {  	s0 =	rddreg [dreg:$0x4];
	s4 =	simm.s32 $0x0;
	s14 =	simm.s32 $0x2800  }
0x6: {  	s15 =	simm.s32 $0x80;
	s16 =	simm.s32 $0x5000;
	s17 =	simm.s32 $0x1  }
0x7: {  	s20 =	simm.s32 $0x20;
	s21 =	simm.s32 $0x10;
	s6 =	sand.u32 $0x1, s2  }
0x8: {  	s23 =	simm.s32 $0x0;
	s2 =	stileid.u32;
	s7 =	smul.u32 $0x5000, s6  }
0x9: {  	[smem:$0x7FF] =	sst s4;
	s9 =	sshll.u32 s6, $0x4;
	s10 =	smul.u32 $0x500, s2  }
0xa: {  	_ =	strace $0x80000047;
	s6 =	ssub.s32 $0x2, s6;
	s30 =	smul.u32 $0x280, s2  }
0xb: {  	s18 =	sshll.u32 s2, $0x6;
	s9 =	sor.u32 s2, s9;
	s31 =	sshrl.u32 s6, $0x1  }
0xc: {  	s18 =	sor.u32 $0x1C02, s18;
	s9 =	smul.u32 $0x500, s9;
	s7 =	sadd.s32 s10, s7  }
0xd: {  	s13 =	ssub.s32 s6, s31;
	s6 =	sadd.s32 s30, s3;
	s7 =	sshrl.u32 s7, $0x3  }
0xe: {  	s22 =	sshrl.u32 s6, $0x3;
	s11 =	sadd.s32 s9, s5;
	s12 =	sadd.s32 s7, s5  }
0xf: {  	s5 =	sadd.s32 s30, s1;
	s8 =	sadd.s32 s8, s9;
	s7 =	sadd.s32 $0x2800, s11  }
0x10: {  	s9 =	sadd.s32 $0xCC00, s12;
	s10 =	sadd.s32 $0xCC10, s12;
	s11 =	smax.u32 s13, $0x1  }
0x11: {  	v0 =	vimm.f32 $1.000000000e+00;
	v1 =	vimm.f32 $0.0e+00;
	s12 =	simm.s32 $0x5080;
	s13 =	simm.s32 $0x2;
	s19 =	sshrl.u32 s5, $0x3  }
.LBB2_1:
0x12: {  	[tilespmem:$0x5000] =	vst v0  }
0x13: {  	[tilespmem:$0x5010] =	vst v0  }
0x14: {  	[tilespmem:$0x5020] =	vst v0  }
0x15: {  	[tilespmem:$0x5030] =	vst v0  }
0x16: {  	[tilespmem:$0x5040] =	vst v0  }
0x17: {  	[tilespmem:$0x5050] =	vst v0  }
0x18: {  	[tilespmem:$0x5060] =	vst v0  }
0x19: {  	[tilespmem:$0x5070] =	vst v0  }
0x1a: {  	[tilespmem:$0x5080] =	vst v1  }
0x1b: {  	[tilespmem:$0x5090] =	vst v1  }
0x1c: {  	[tilespmem:$0x50A0] =	vst v1  }
0x1d: {  	[tilespmem:$0x50B0] =	vst v1  }
0x1e: {  	[tilespmem:$0x50C0] =	vst v1  }
0x1f: {  	[tilespmem:$0x50D0] =	vst v1  }
0x20: {  	[tilespmem:$0x50E0] =	vst v1  }
0x21: {  	[tilespmem:$0x50F0] =	vst v1  }
0x22: {  	[tilespmem:$0x5100] =	vst v1  }
0x23: {  	[tilespmem:$0x5110] =	vst v1  }
0x24: {  	[tilespmem:$0x5120] =	vst v1  }
0x25: {  	[tilespmem:$0x5130] =	vst v1  }
0x26: {  	[tilespmem:$0x5140] =	vst v1  }
0x27: {  	[tilespmem:$0x5150] =	vst v1  }
0x28: {  	[tilespmem:$0x5160] =	vst v1  }
0x29: {  	[tilespmem:$0x5170] =	vst v1  }
0x2a: {  	[tilespmem:$0x5180] =	vst v1  }
0x2b: {  	[tilespmem:$0x5190] =	vst v1  }
0x2c: {  	[tilespmem:$0x51A0] =	vst v1  }
0x2d: {  	[tilespmem:$0x51B0] =	vst v1  }
0x2e: {  	[tilespmem:$0x51C0] =	vst v1  }
0x2f: {  	[tilespmem:$0x51D0] =	vst v1  }
0x30: {  	[tilespmem:$0x51E0] =	vst v1  }
0x31: {  	[tilespmem:$0x51F0] =	vst v1  }
0x32: {  	[tilespmem:$0x5200] =	vst v1  }
0x33: {  	[tilespmem:$0x5210] =	vst v1  }
0x34: {  	[tilespmem:$0x5220] =	vst v1  }
0x35: {  	[tilespmem:$0x5230] =	vst v1  }
0x36: {  	[tilespmem:$0x5240] =	vst v1  }
0x37: {  	[tilespmem:$0x5250] =	vst v1  }
0x38: {  	[tilespmem:$0x5260] =	vst v1  }
0x39: {  	[tilespmem:$0x5270] =	vst v1  }
0x3a: {  	[tilespmem:$0x5280] =	vst v1  }
0x3b: {  	[tilespmem:$0x5290] =	vst v1  }
0x3c: {  	[tilespmem:$0x52A0] =	vst v1  }
0x3d: {  	[tilespmem:$0x52B0] =	vst v1  }
0x3e: {  	[tilespmem:$0x52C0] =	vst v1  }
0x3f: {  	[tilespmem:$0x52D0] =	vst v1  }
0x40: {  	[tilespmem:$0x52E0] =	vst v1  }
0x41: {  	[tilespmem:$0x52F0] =	vst v1  }
0x42: {  	[spmem:s5] =	stream.linear.scatter [tilespmem:s12], [sflag:$0x2], $0x280, $0x38;
	[tilespmem:$0x5800] =	vst v63  }
0x43: {  	_ =	swait.ge [sflag:s13], $0x280  }
0x44: {  	[sflag:s13] =	ssyncset.done $0x0  }
0x45: {  	[sflag:s13] =	ssyncadd.s32 $0xFFFFFD80  }
0x46: {  	[spmem:s6] =	stream.linear.scatter [tilespmem:s12], [sflag:$0x2], $0x280, $0x38;
	[tilespmem:$0x5800] =	vst v63  }
0x47: {  	_ =	swait.ge [sflag:s13], $0x280  }
0x48: {  	[sflag:s13] =	ssyncset.done $0x0  }
0x49: {  	[sflag:s13] =	ssyncadd.s32 $0xFFFFFD80  }
0x4a: {  	[tilespmem:s4], [sflag:$0x2] =	stream.linear.gather [hbm4b:s7+s4], $0x2800, $0x38;
	[tilespmem:$0x5800] =	vst v63  }
0x4b: {  	_ =	swait.ge [sflag:s13], $0x2800  }
0x4c: {  	[sflag:s13] =	ssyncset.done $0x0  }
0x4d: {  	[sflag:s13] =	ssyncadd.s32 $0xFFFFD800  }
0x4e: {  	[tilespmem:s14], [sflag:$0x2] =	stream.linear.gather [hbm4b:s8+s4], $0x2800, $0x38;
	[tilespmem:$0x5800] =	vst v63  }
0x4f: {  	_ =	swait.ge [sflag:s13], $0x2800  }
0x50: {  	[sflag:s13] =	ssyncset.done $0x0  }
0x51: {  	[sflag:s13] =	ssyncadd.s32 $0xFFFFD800  }
0x52: {  	s24 =	simm.s32 $0x0;
	[bflag:$0x0] =	sbarrier.arrive $0xFFFF  }
0x53: {  	[spmem:s1] =	stream.indirect.scatter.add.f32 [tilespmem:s16], [sflag:$0x1], $0x1, s24, s15, $0xb8;
	[tilespmem:$0x5800] =	vst v63  }
0x54: {  	s31 =	simm.s32 $0x2800  }
0x55: {  	[spmem:s3] =	stream.indirect.scatter.add.f32 [tilespmem:s16], [sflag:$0x1], $0x1, s31, s15, $0xb8;
	[tilespmem:$0x5800] =	vst v63  }
0x56: {  	s25 =	simm.s32 $0x80  }
0x57: {  	[spmem:s1] =	stream.indirect.scatter.add.f32 [tilespmem:s16], [sflag:$0x1], $0x1, s25, s15, $0xb8;
	[tilespmem:$0x5800] =	vst v63  }
0x58: {  	s26 =	simm.s32 $0x2880  }
0x59: {  	[spmem:s3] =	stream.indirect.scatter.add.f32 [tilespmem:s16], [sflag:$0x1], $0x1, s26, s15, $0xb8;
	[tilespmem:$0x5800] =	vst v63  }
0x5a: {  	s29 =	simm.s32 $0x100  }
0x5b: {  	[spmem:s1] =	stream.indirect.scatter.add.f32 [tilespmem:s16], [sflag:$0x1], $0x1, s29, s15, $0xb8;
	[tilespmem:$0x5800] =	vst v63  }
0x5c: {  	s30 =	simm.s32 $0x2900  }
0x5d: {  	[spmem:s3] =	stream.indirect.scatter.add.f32 [tilespmem:s16], [sflag:$0x1], $0x1, s30, s15, $0xb8;
	[tilespmem:$0x5800] =	vst v63  }
0x5e: {  	s31 =	simm.s32 $0x180  }
0x5f: {  	[spmem:s1] =	stream.indirect.scatter.add.f32 [tilespmem:s16], [sflag:$0x1], $0x1, s31, s15, $0xb8;
	[tilespmem:$0x5800] =	vst v63  }
0x60: {  	s25 =	simm.s32 $0x2980  }
0x61: {  	[spmem:s3] =	stream.indirect.scatter.add.f32 [tilespmem:s16], [sflag:$0x1], $0x1, s25, s15, $0xb8;
	[tilespmem:$0x5800] =	vst v63  }
0x62: {  	s26 =	simm.s32 $0x200  }
0x63: {  	[spmem:s1] =	stream.indirect.scatter.add.f32 [tilespmem:s16], [sflag:$0x1], $0x1, s26, s15, $0xb8;
	[tilespmem:$0x5800] =	vst v63  }
0x64: {  	s29 =	simm.s32 $0x2A00  }
0x65: {  	[spmem:s3] =	stream.indirect.scatter.add.f32 [tilespmem:s16], [sflag:$0x1], $0x1, s29, s15, $0xb8;
	[tilespmem:$0x5800] =	vst v63  }
0x66: {  	s30 =	simm.s32 $0x280  }
0x67: {  	[spmem:s1] =	stream.indirect.scatter.add.f32 [tilespmem:s16], [sflag:$0x1], $0x1, s30, s15, $0xb8;
	[tilespmem:$0x5800] =	vst v63  }
0x68: {  	s31 =	simm.s32 $0x2A80  }
0x69: {  	[spmem:s3] =	stream.indirect.scatter.add.f32 [tilespmem:s16], [sflag:$0x1], $0x1, s31, s15, $0xb8;
	[tilespmem:$0x5800] =	vst v63  }
0x6a: {  	s25 =	simm.s32 $0x300  }
0x6b: {  	[spmem:s1] =	stream.indirect.scatter.add.f32 [tilespmem:s16], [sflag:$0x1], $0x1, s25, s15, $0xb8;
	[tilespmem:$0x5800] =	vst v63  }
0x6c: {  	s26 =	simm.s32 $0x2B00  }
0x6d: {  	[spmem:s3] =	stream.indirect.scatter.add.f32 [tilespmem:s16], [sflag:$0x1], $0x1, s26, s15, $0xb8;
	[tilespmem:$0x5800] =	vst v63  }
0x6e: {  	s29 =	simm.s32 $0x380  }
0x6f: {  	[spmem:s1] =	stream.indirect.scatter.add.f32 [tilespmem:s16], [sflag:$0x1], $0x1, s29, s15, $0xb8;
	[tilespmem:$0x5800] =	vst v63  }
0x70: {  	s30 =	simm.s32 $0x2B80  }
0x71: {  	[spmem:s3] =	stream.indirect.scatter.add.f32 [tilespmem:s16], [sflag:$0x1], $0x1, s30, s15, $0xb8;
	[tilespmem:$0x5800] =	vst v63  }
0x72: {  	s31 =	simm.s32 $0x400  }
0x73: {  	[spmem:s1] =	stream.indirect.scatter.add.f32 [tilespmem:s16], [sflag:$0x1], $0x1, s31, s15, $0xb8;
	[tilespmem:$0x5800] =	vst v63  }
0x74: {  	s25 =	simm.s32 $0x2C00  }
0x75: {  	[spmem:s3] =	stream.indirect.scatter.add.f32 [tilespmem:s16], [sflag:$0x1], $0x1, s25, s15, $0xb8;
	[tilespmem:$0x5800] =	vst v63  }
0x76: {  	s26 =	simm.s32 $0x480  }
0x77: {  	[spmem:s1] =	stream.indirect.scatter.add.f32 [tilespmem:s16], [sflag:$0x1], $0x1, s26, s15, $0xb8;
	[tilespmem:$0x5800] =	vst v63  }
0x78: {  	s29 =	simm.s32 $0x2C80  }
0x79: {  	[spmem:s3] =	stream.indirect.scatter.add.f32 [tilespmem:s16], [sflag:$0x1], $0x1, s29, s15, $0xb8;
	[tilespmem:$0x5800] =	vst v63  }
0x7a: {  	s30 =	simm.s32 $0x500  }
0x7b: {  	[spmem:s1] =	stream.indirect.scatter.add.f32 [tilespmem:s16], [sflag:$0x1], $0x1, s30, s15, $0xb8;
	[tilespmem:$0x5800] =	vst v63  }
0x7c: {  	s31 =	simm.s32 $0x2D00  }
0x7d: {  	[spmem:s3] =	stream.indirect.scatter.add.f32 [tilespmem:s16], [sflag:$0x1], $0x1, s31, s15, $0xb8;
	[tilespmem:$0x5800] =	vst v63  }
0x7e: {  	s25 =	simm.s32 $0x580  }
0x7f: {  	[spmem:s1] =	stream.indirect.scatter.add.f32 [tilespmem:s16], [sflag:$0x1], $0x1, s25, s15, $0xb8;
	[tilespmem:$0x5800] =	vst v63  }
0x80: {  	s26 =	simm.s32 $0x2D80  }
0x81: {  	[spmem:s3] =	stream.indirect.scatter.add.f32 [tilespmem:s16], [sflag:$0x1], $0x1, s26, s15, $0xb8;
	[tilespmem:$0x5800] =	vst v63  }
0x82: {  	s29 =	simm.s32 $0x600  }
0x83: {  	[spmem:s1] =	stream.indirect.scatter.add.f32 [tilespmem:s16], [sflag:$0x1], $0x1, s29, s15, $0xb8;
	[tilespmem:$0x5800] =	vst v63  }
0x84: {  	s30 =	simm.s32 $0x2E00  }
0x85: {  	[spmem:s3] =	stream.indirect.scatter.add.f32 [tilespmem:s16], [sflag:$0x1], $0x1, s30, s15, $0xb8;
	[tilespmem:$0x5800] =	vst v63  }
0x86: {  	s31 =	simm.s32 $0x680  }
0x87: {  	[spmem:s1] =	stream.indirect.scatter.add.f32 [tilespmem:s16], [sflag:$0x1], $0x1, s31, s15, $0xb8;
	[tilespmem:$0x5800] =	vst v63  }
0x88: {  	s25 =	simm.s32 $0x2E80  }
0x89: {  	[spmem:s3] =	stream.indirect.scatter.add.f32 [tilespmem:s16], [sflag:$0x1], $0x1, s25, s15, $0xb8;
	[tilespmem:$0x5800] =	vst v63  }
0x8a: {  	s26 =	simm.s32 $0x700  }
0x8b: {  	[spmem:s1] =	stream.indirect.scatter.add.f32 [tilespmem:s16], [sflag:$0x1], $0x1, s26, s15, $0xb8;
	[tilespmem:$0x5800] =	vst v63  }
0x8c: {  	s29 =	simm.s32 $0x2F00  }
0x8d: {  	[spmem:s3] =	stream.indirect.scatter.add.f32 [tilespmem:s16], [sflag:$0x1], $0x1, s29, s15, $0xb8;
	[tilespmem:$0x5800] =	vst v63  }
0x8e: {  	s30 =	simm.s32 $0x780  }
0x8f: {  	[spmem:s1] =	stream.indirect.scatter.add.f32 [tilespmem:s16], [sflag:$0x1], $0x1, s30, s15, $0xb8;
	[tilespmem:$0x5800] =	vst v63  }
0x90: {  	s31 =	simm.s32 $0x2F80  }
0x91: {  	[spmem:s3] =	stream.indirect.scatter.add.f32 [tilespmem:s16], [sflag:$0x1], $0x1, s31, s15, $0xb8;
	[tilespmem:$0x5800] =	vst v63  }
0x92: {  	_ =	swait.ge [sflag:s17], $0x80  }
0x93: {  	[sflag:s17] =	ssyncset.done $0x0  }
0x94: {  	[sflag:s17] =	ssyncadd.s32 $0xFFFFFF80  }
0x95: {  	_ =	swait.ge [sflag:s17], $0x80  }
0x96: {  	[sflag:s17] =	ssyncset.done $0x0  }
0x97: {  	[sflag:s17] =	ssyncadd.s32 $0xFFFFFF80  }
0x98: {  	_ =	swait.ge [sflag:s17], $0x80  }
0x99: {  	[sflag:s17] =	ssyncset.done $0x0  }
0x9a: {  	[sflag:s17] =	ssyncadd.s32 $0xFFFFFF80  }
0x9b: {  	_ =	swait.ge [sflag:s17], $0x80  }
0x9c: {  	[sflag:s17] =	ssyncset.done $0x0  }
0x9d: {  	[sflag:s17] =	ssyncadd.s32 $0xFFFFFF80  }
0x9e: {  	_ =	swait.ge [sflag:s17], $0x80  }
0x9f: {  	[sflag:s17] =	ssyncset.done $0x0  }
0xa0: {  	[sflag:s17] =	ssyncadd.s32 $0xFFFFFF80  }
0xa1: {  	_ =	swait.ge [sflag:s17], $0x80  }
0xa2: {  	[sflag:s17] =	ssyncset.done $0x0  }
0xa3: {  	[sflag:s17] =	ssyncadd.s32 $0xFFFFFF80  }
0xa4: {  	_ =	swait.ge [sflag:s17], $0x80  }
0xa5: {  	[sflag:s17] =	ssyncset.done $0x0  }
0xa6: {  	[sflag:s17] =	ssyncadd.s32 $0xFFFFFF80  }
0xa7: {  	_ =	swait.ge [sflag:s17], $0x80  }
0xa8: {  	[sflag:s17] =	ssyncset.done $0x0  }
0xa9: {  	[sflag:s17] =	ssyncadd.s32 $0xFFFFFF80  }
0xaa: {  	_ =	swait.ge [sflag:s17], $0x80  }
0xab: {  	[sflag:s17] =	ssyncset.done $0x0  }
0xac: {  	[sflag:s17] =	ssyncadd.s32 $0xFFFFFF80  }
0xad: {  	_ =	swait.ge [sflag:s17], $0x80  }
0xae: {  	[sflag:s17] =	ssyncset.done $0x0  }
0xaf: {  	[sflag:s17] =	ssyncadd.s32 $0xFFFFFF80  }
0xb0: {  	_ =	swait.ge [sflag:s17], $0x80  }
0xb1: {  	[sflag:s17] =	ssyncset.done $0x0  }
0xb2: {  	[sflag:s17] =	ssyncadd.s32 $0xFFFFFF80  }
0xb3: {  	_ =	swait.ge [sflag:s17], $0x80  }
0xb4: {  	[sflag:s17] =	ssyncset.done $0x0  }
0xb5: {  	[sflag:s17] =	ssyncadd.s32 $0xFFFFFF80  }
0xb6: {  	_ =	swait.ge [sflag:s17], $0x80  }
0xb7: {  	[sflag:s17] =	ssyncset.done $0x0  }
0xb8: {  	[sflag:s17] =	ssyncadd.s32 $0xFFFFFF80  }
0xb9: {  	_ =	swait.ge [sflag:s17], $0x80  }
0xba: {  	[sflag:s17] =	ssyncset.done $0x0  }
0xbb: {  	[sflag:s17] =	ssyncadd.s32 $0xFFFFFF80  }
0xbc: {  	_ =	swait.ge [sflag:s17], $0x80  }
0xbd: {  	[sflag:s17] =	ssyncset.done $0x0  }
0xbe: {  	[sflag:s17] =	ssyncadd.s32 $0xFFFFFF80  }
0xbf: {  	_ =	swait.ge [sflag:s17], $0x80  }
0xc0: {  	[sflag:s17] =	ssyncset.done $0x0  }
0xc1: {  	[sflag:s17] =	ssyncadd.s32 $0xFFFFFF80  }
0xc2: {  	_ =	swait.ge [sflag:s17], $0x80  }
0xc3: {  	[sflag:s17] =	ssyncset.done $0x0  }
0xc4: {  	[sflag:s17] =	ssyncadd.s32 $0xFFFFFF80  }
0xc5: {  	_ =	swait.ge [sflag:s17], $0x80  }
0xc6: {  	[sflag:s17] =	ssyncset.done $0x0  }
0xc7: {  	[sflag:s17] =	ssyncadd.s32 $0xFFFFFF80  }
0xc8: {  	_ =	swait.ge [sflag:s17], $0x80  }
0xc9: {  	[sflag:s17] =	ssyncset.done $0x0  }
0xca: {  	[sflag:s17] =	ssyncadd.s32 $0xFFFFFF80  }
0xcb: {  	_ =	swait.ge [sflag:s17], $0x80  }
0xcc: {  	[sflag:s17] =	ssyncset.done $0x0  }
0xcd: {  	[sflag:s17] =	ssyncadd.s32 $0xFFFFFF80  }
0xce: {  	_ =	swait.ge [sflag:s17], $0x80  }
0xcf: {  	[sflag:s17] =	ssyncset.done $0x0  }
0xd0: {  	[sflag:s17] =	ssyncadd.s32 $0xFFFFFF80  }
0xd1: {  	_ =	swait.ge [sflag:s17], $0x80  }
0xd2: {  	[sflag:s17] =	ssyncset.done $0x0  }
0xd3: {  	[sflag:s17] =	ssyncadd.s32 $0xFFFFFF80  }
0xd4: {  	_ =	swait.ge [sflag:s17], $0x80  }
0xd5: {  	[sflag:s17] =	ssyncset.done $0x0  }
0xd6: {  	[sflag:s17] =	ssyncadd.s32 $0xFFFFFF80  }
0xd7: {  	_ =	swait.ge [sflag:s17], $0x80  }
0xd8: {  	[sflag:s17] =	ssyncset.done $0x0  }
0xd9: {  	[sflag:s17] =	ssyncadd.s32 $0xFFFFFF80  }
0xda: {  	_ =	swait.ge [sflag:s17], $0x80  }
0xdb: {  	[sflag:s17] =	ssyncset.done $0x0  }
0xdc: {  	[sflag:s17] =	ssyncadd.s32 $0xFFFFFF80  }
0xdd: {  	_ =	swait.ge [sflag:s17], $0x80  }
0xde: {  	[sflag:s17] =	ssyncset.done $0x0  }
0xdf: {  	[sflag:s17] =	ssyncadd.s32 $0xFFFFFF80  }
0xe0: {  	_ =	swait.ge [sflag:s17], $0x80  }
0xe1: {  	[sflag:s17] =	ssyncset.done $0x0  }
0xe2: {  	[sflag:s17] =	ssyncadd.s32 $0xFFFFFF80  }
0xe3: {  	_ =	swait.ge [sflag:s17], $0x80  }
0xe4: {  	[sflag:s17] =	ssyncset.done $0x0  }
0xe5: {  	[sflag:s17] =	ssyncadd.s32 $0xFFFFFF80  }
0xe6: {  	_ =	swait.ge [sflag:s17], $0x80  }
0xe7: {  	[sflag:s17] =	ssyncset.done $0x0  }
0xe8: {  	[sflag:s17] =	ssyncadd.s32 $0xFFFFFF80  }
0xe9: {  	_ =	swait.ge [sflag:s17], $0x80  }
0xea: {  	[sflag:s17] =	ssyncset.done $0x0  }
0xeb: {  	[sflag:s17] =	ssyncadd.s32 $0xFFFFFF80  }
0xec: {  	_ =	swait.ge [sflag:s17], $0x80  }
0xed: {  	[sflag:s17] =	ssyncset.done $0x0  }
0xee: {  	[sflag:s17] =	ssyncadd.s32 $0xFFFFFF80  }
0xef: {  	_ =	swait.ge [sflag:s17], $0x80  }
0xf0: {  	s28 =	simm.s32 $0x4000;
	s24 =	simm.s32 $0x2000;
	[sflag:s17] =	ssyncset.done $0x0  }
.LBB2_2:
0xf1: {  	s26 =	sshra.s32 s24, $0x2  }
0xf2: {  	[sflag:s17] =	ssyncadd.s32 $0xFFFFFF80;
	s24 =	smov.u32 s28;
	s25 =	sadd.s32 $0x2000, s28  }
0xf3: {  	[spmem:s1] =	stream.indirect.scatter.add.f32 [tilespmem:s16], [sflag:$0x1], $0x1, s26, s15, $0xb8;
	[tilespmem:$0x5800] =	vst v63  }
0xf4: {  	p0 =	sne.s32 s28, $0x8000;
	s28 =	sadd.s32 $0x2800, s26  }
0xf5: {  	[spmem:s3] =	stream.indirect.scatter.add.f32 [tilespmem:s16], [sflag:$0x1], $0x1, s28, s15, $0xb8;
	[tilespmem:$0x5800] =	vst v63  }
0xf6: {  	s28 =	sadd.s32 $0x80, s26  }
0xf7: {  	[spmem:s1] =	stream.indirect.scatter.add.f32 [tilespmem:s16], [sflag:$0x1], $0x1, s28, s15, $0xb8;
	[tilespmem:$0x5800] =	vst v63  }
0xf8: {  	s28 =	sadd.s32 $0x2880, s26  }
0xf9: {  	[spmem:s3] =	stream.indirect.scatter.add.f32 [tilespmem:s16], [sflag:$0x1], $0x1, s28, s15, $0xb8;
	[tilespmem:$0x5800] =	vst v63  }
0xfa: {  	s28 =	sadd.s32 $0x100, s26  }
0xfb: {  	[spmem:s1] =	stream.indirect.scatter.add.f32 [tilespmem:s16], [sflag:$0x1], $0x1, s28, s15, $0xb8;
	[tilespmem:$0x5800] =	vst v63  }
0xfc: {  	s28 =	sadd.s32 $0x2900, s26  }
0xfd: {  	[spmem:s3] =	stream.indirect.scatter.add.f32 [tilespmem:s16], [sflag:$0x1], $0x1, s28, s15, $0xb8;
	[tilespmem:$0x5800] =	vst v63  }
0xfe: {  	s28 =	sadd.s32 $0x180, s26  }
0xff: {  	[spmem:s1] =	stream.indirect.scatter.add.f32 [tilespmem:s16], [sflag:$0x1], $0x1, s28, s15, $0xb8;
	[tilespmem:$0x5800] =	vst v63  }
0x100: {  	s28 =	sadd.s32 $0x2980, s26  }
0x101: {  	[spmem:s3] =	stream.indirect.scatter.add.f32 [tilespmem:s16], [sflag:$0x1], $0x1, s28, s15, $0xb8;
	[tilespmem:$0x5800] =	vst v63  }
0x102: {  	s28 =	sadd.s32 $0x200, s26  }
0x103: {  	[spmem:s1] =	stream.indirect.scatter.add.f32 [tilespmem:s16], [sflag:$0x1], $0x1, s28, s15, $0xb8;
	[tilespmem:$0x5800] =	vst v63  }
0x104: {  	s28 =	sadd.s32 $0x2A00, s26  }
0x105: {  	[spmem:s3] =	stream.indirect.scatter.add.f32 [tilespmem:s16], [sflag:$0x1], $0x1, s28, s15, $0xb8;
	[tilespmem:$0x5800] =	vst v63  }
0x106: {  	s28 =	sadd.s32 $0x280, s26  }
0x107: {  	[spmem:s1] =	stream.indirect.scatter.add.f32 [tilespmem:s16], [sflag:$0x1], $0x1, s28, s15, $0xb8;
	[tilespmem:$0x5800] =	vst v63  }
0x108: {  	s28 =	sadd.s32 $0x2A80, s26  }
0x109: {  	[spmem:s3] =	stream.indirect.scatter.add.f32 [tilespmem:s16], [sflag:$0x1], $0x1, s28, s15, $0xb8;
	[tilespmem:$0x5800] =	vst v63  }
0x10a: {  	s28 =	sadd.s32 $0x300, s26  }
0x10b: {  	[spmem:s1] =	stream.indirect.scatter.add.f32 [tilespmem:s16], [sflag:$0x1], $0x1, s28, s15, $0xb8;
	[tilespmem:$0x5800] =	vst v63  }
0x10c: {  	s28 =	sadd.s32 $0x2B00, s26  }
0x10d: {  	[spmem:s3] =	stream.indirect.scatter.add.f32 [tilespmem:s16], [sflag:$0x1], $0x1, s28, s15, $0xb8;
	[tilespmem:$0x5800] =	vst v63  }
0x10e: {  	s28 =	sadd.s32 $0x380, s26  }
0x10f: {  	[spmem:s1] =	stream.indirect.scatter.add.f32 [tilespmem:s16], [sflag:$0x1], $0x1, s28, s15, $0xb8;
	[tilespmem:$0x5800] =	vst v63  }
0x110: {  	s28 =	sadd.s32 $0x2B80, s26  }
0x111: {  	[spmem:s3] =	stream.indirect.scatter.add.f32 [tilespmem:s16], [sflag:$0x1], $0x1, s28, s15, $0xb8;
	[tilespmem:$0x5800] =	vst v63  }
0x112: {  	s28 =	sadd.s32 $0x400, s26  }
0x113: {  	[spmem:s1] =	stream.indirect.scatter.add.f32 [tilespmem:s16], [sflag:$0x1], $0x1, s28, s15, $0xb8;
	[tilespmem:$0x5800] =	vst v63  }
0x114: {  	s28 =	sadd.s32 $0x2C00, s26  }
0x115: {  	[spmem:s3] =	stream.indirect.scatter.add.f32 [tilespmem:s16], [sflag:$0x1], $0x1, s28, s15, $0xb8;
	[tilespmem:$0x5800] =	vst v63  }
0x116: {  	s28 =	sadd.s32 $0x480, s26  }
0x117: {  	[spmem:s1] =	stream.indirect.scatter.add.f32 [tilespmem:s16], [sflag:$0x1], $0x1, s28, s15, $0xb8;
	[tilespmem:$0x5800] =	vst v63  }
0x118: {  	s28 =	sadd.s32 $0x2C80, s26  }
0x119: {  	[spmem:s3] =	stream.indirect.scatter.add.f32 [tilespmem:s16], [sflag:$0x1], $0x1, s28, s15, $0xb8;
	[tilespmem:$0x5800] =	vst v63  }
0x11a: {  	s28 =	sadd.s32 $0x500, s26  }
0x11b: {  	[spmem:s1] =	stream.indirect.scatter.add.f32 [tilespmem:s16], [sflag:$0x1], $0x1, s28, s15, $0xb8;
	[tilespmem:$0x5800] =	vst v63  }
0x11c: {  	s28 =	sadd.s32 $0x2D00, s26  }
0x11d: {  	[spmem:s3] =	stream.indirect.scatter.add.f32 [tilespmem:s16], [sflag:$0x1], $0x1, s28, s15, $0xb8;
	[tilespmem:$0x5800] =	vst v63  }
0x11e: {  	s28 =	sadd.s32 $0x580, s26  }
0x11f: {  	[spmem:s1] =	stream.indirect.scatter.add.f32 [tilespmem:s16], [sflag:$0x1], $0x1, s28, s15, $0xb8;
	[tilespmem:$0x5800] =	vst v63  }
0x120: {  	s28 =	sadd.s32 $0x2D80, s26  }
0x121: {  	[spmem:s3] =	stream.indirect.scatter.add.f32 [tilespmem:s16], [sflag:$0x1], $0x1, s28, s15, $0xb8;
	[tilespmem:$0x5800] =	vst v63  }
0x122: {  	s28 =	sadd.s32 $0x600, s26  }
0x123: {  	[spmem:s1] =	stream.indirect.scatter.add.f32 [tilespmem:s16], [sflag:$0x1], $0x1, s28, s15, $0xb8;
	[tilespmem:$0x5800] =	vst v63  }
0x124: {  	s28 =	sadd.s32 $0x2E00, s26  }
0x125: {  	[spmem:s3] =	stream.indirect.scatter.add.f32 [tilespmem:s16], [sflag:$0x1], $0x1, s28, s15, $0xb8;
	[tilespmem:$0x5800] =	vst v63  }
0x126: {  	s28 =	sadd.s32 $0x680, s26  }
0x127: {  	[spmem:s1] =	stream.indirect.scatter.add.f32 [tilespmem:s16], [sflag:$0x1], $0x1, s28, s15, $0xb8;
	[tilespmem:$0x5800] =	vst v63  }
0x128: {  	s28 =	sadd.s32 $0x2E80, s26  }
0x129: {  	[spmem:s3] =	stream.indirect.scatter.add.f32 [tilespmem:s16], [sflag:$0x1], $0x1, s28, s15, $0xb8;
	[tilespmem:$0x5800] =	vst v63  }
0x12a: {  	s28 =	sadd.s32 $0x700, s26  }
0x12b: {  	[spmem:s1] =	stream.indirect.scatter.add.f32 [tilespmem:s16], [sflag:$0x1], $0x1, s28, s15, $0xb8;
	[tilespmem:$0x5800] =	vst v63  }
0x12c: {  	s28 =	sadd.s32 $0x2F00, s26  }
0x12d: {  	[spmem:s3] =	stream.indirect.scatter.add.f32 [tilespmem:s16], [sflag:$0x1], $0x1, s28, s15, $0xb8;
	[tilespmem:$0x5800] =	vst v63  }
0x12e: {  	s28 =	sadd.s32 $0x780, s26  }
0x12f: {  	[spmem:s1] =	stream.indirect.scatter.add.f32 [tilespmem:s16], [sflag:$0x1], $0x1, s28, s15, $0xb8;
	[tilespmem:$0x5800] =	vst v63  }
0x130: {  	s26 =	sadd.s32 $0x2F80, s26  }
0x131: {  	[spmem:s3] =	stream.indirect.scatter.add.f32 [tilespmem:s16], [sflag:$0x1], $0x1, s26, s15, $0xb8;
	[tilespmem:$0x5800] =	vst v63  }
0x132: {  	_ =	swait.ge [sflag:s17], $0x80  }
0x133: {  	[sflag:s17] =	ssyncset.done $0x0  }
0x134: {  	[sflag:s17] =	ssyncadd.s32 $0xFFFFFF80  }
0x135: {  	_ =	swait.ge [sflag:s17], $0x80  }
0x136: {  	[sflag:s17] =	ssyncset.done $0x0  }
0x137: {  	[sflag:s17] =	ssyncadd.s32 $0xFFFFFF80  }
0x138: {  	_ =	swait.ge [sflag:s17], $0x80  }
0x139: {  	[sflag:s17] =	ssyncset.done $0x0  }
0x13a: {  	[sflag:s17] =	ssyncadd.s32 $0xFFFFFF80  }
0x13b: {  	_ =	swait.ge [sflag:s17], $0x80  }
0x13c: {  	[sflag:s17] =	ssyncset.done $0x0  }
0x13d: {  	[sflag:s17] =	ssyncadd.s32 $0xFFFFFF80  }
0x13e: {  	_ =	swait.ge [sflag:s17], $0x80  }
0x13f: {  	[sflag:s17] =	ssyncset.done $0x0  }
0x140: {  	[sflag:s17] =	ssyncadd.s32 $0xFFFFFF80  }
0x141: {  	_ =	swait.ge [sflag:s17], $0x80  }
0x142: {  	[sflag:s17] =	ssyncset.done $0x0  }
0x143: {  	[sflag:s17] =	ssyncadd.s32 $0xFFFFFF80  }
0x144: {  	_ =	swait.ge [sflag:s17], $0x80  }
0x145: {  	[sflag:s17] =	ssyncset.done $0x0  }
0x146: {  	[sflag:s17] =	ssyncadd.s32 $0xFFFFFF80  }
0x147: {  	_ =	swait.ge [sflag:s17], $0x80  }
0x148: {  	[sflag:s17] =	ssyncset.done $0x0  }
0x149: {  	[sflag:s17] =	ssyncadd.s32 $0xFFFFFF80  }
0x14a: {  	_ =	swait.ge [sflag:s17], $0x80  }
0x14b: {  	[sflag:s17] =	ssyncset.done $0x0  }
0x14c: {  	[sflag:s17] =	ssyncadd.s32 $0xFFFFFF80  }
0x14d: {  	_ =	swait.ge [sflag:s17], $0x80  }
0x14e: {  	[sflag:s17] =	ssyncset.done $0x0  }
0x14f: {  	[sflag:s17] =	ssyncadd.s32 $0xFFFFFF80  }
0x150: {  	_ =	swait.ge [sflag:s17], $0x80  }
0x151: {  	[sflag:s17] =	ssyncset.done $0x0  }
0x152: {  	[sflag:s17] =	ssyncadd.s32 $0xFFFFFF80  }
0x153: {  	_ =	swait.ge [sflag:s17], $0x80  }
0x154: {  	[sflag:s17] =	ssyncset.done $0x0  }
0x155: {  	[sflag:s17] =	ssyncadd.s32 $0xFFFFFF80  }
0x156: {  	_ =	swait.ge [sflag:s17], $0x80  }
0x157: {  	[sflag:s17] =	ssyncset.done $0x0  }
0x158: {  	[sflag:s17] =	ssyncadd.s32 $0xFFFFFF80  }
0x159: {  	_ =	swait.ge [sflag:s17], $0x80  }
0x15a: {  	[sflag:s17] =	ssyncset.done $0x0  }
0x15b: {  	[sflag:s17] =	ssyncadd.s32 $0xFFFFFF80  }
0x15c: {  	_ =	swait.ge [sflag:s17], $0x80  }
0x15d: {  	[sflag:s17] =	ssyncset.done $0x0  }
0x15e: {  	[sflag:s17] =	ssyncadd.s32 $0xFFFFFF80  }
0x15f: {  	_ =	swait.ge [sflag:s17], $0x80  }
0x160: {  	[sflag:s17] =	ssyncset.done $0x0  }
0x161: {  	[sflag:s17] =	ssyncadd.s32 $0xFFFFFF80  }
0x162: {  	_ =	swait.ge [sflag:s17], $0x80  }
0x163: {  	[sflag:s17] =	ssyncset.done $0x0  }
0x164: {  	[sflag:s17] =	ssyncadd.s32 $0xFFFFFF80  }
0x165: {  	_ =	swait.ge [sflag:s17], $0x80  }
0x166: {  	[sflag:s17] =	ssyncset.done $0x0  }
0x167: {  	[sflag:s17] =	ssyncadd.s32 $0xFFFFFF80  }
0x168: {  	_ =	swait.ge [sflag:s17], $0x80  }
0x169: {  	[sflag:s17] =	ssyncset.done $0x0  }
0x16a: {  	[sflag:s17] =	ssyncadd.s32 $0xFFFFFF80  }
0x16b: {  	_ =	swait.ge [sflag:s17], $0x80  }
0x16c: {  	[sflag:s17] =	ssyncset.done $0x0  }
0x16d: {  	[sflag:s17] =	ssyncadd.s32 $0xFFFFFF80  }
0x16e: {  	_ =	swait.ge [sflag:s17], $0x80  }
0x16f: {  	[sflag:s17] =	ssyncset.done $0x0  }
0x170: {  	[sflag:s17] =	ssyncadd.s32 $0xFFFFFF80  }
0x171: {  	_ =	swait.ge [sflag:s17], $0x80  }
0x172: {  	[sflag:s17] =	ssyncset.done $0x0  }
0x173: {  	[sflag:s17] =	ssyncadd.s32 $0xFFFFFF80  }
0x174: {  	_ =	swait.ge [sflag:s17], $0x80  }
0x175: {  	[sflag:s17] =	ssyncset.done $0x0  }
0x176: {  	[sflag:s17] =	ssyncadd.s32 $0xFFFFFF80  }
0x177: {  	_ =	swait.ge [sflag:s17], $0x80  }
0x178: {  	[sflag:s17] =	ssyncset.done $0x0  }
0x179: {  	[sflag:s17] =	ssyncadd.s32 $0xFFFFFF80  }
0x17a: {  	_ =	swait.ge [sflag:s17], $0x80  }
0x17b: {  	[sflag:s17] =	ssyncset.done $0x0  }
0x17c: {  	[sflag:s17] =	ssyncadd.s32 $0xFFFFFF80  }
0x17d: {  	_ =	swait.ge [sflag:s17], $0x80  }
0x17e: {  	[sflag:s17] =	ssyncset.done $0x0  }
0x17f: {  	[sflag:s17] =	ssyncadd.s32 $0xFFFFFF80  }
0x180: {  	_ =	swait.ge [sflag:s17], $0x80  }
0x181: {  	[sflag:s17] =	ssyncset.done $0x0  }
0x182: {  	[sflag:s17] =	ssyncadd.s32 $0xFFFFFF80  }
0x183: {  	_ =	swait.ge [sflag:s17], $0x80  }
0x184: {  	[sflag:s17] =	ssyncset.done $0x0  }
0x185: {  	[sflag:s17] =	ssyncadd.s32 $0xFFFFFF80  }
0x186: {  	_ =	swait.ge [sflag:s17], $0x80  }
0x187: {  	[sflag:s17] =	ssyncset.done $0x0  }
0x188: {  	[sflag:s17] =	ssyncadd.s32 $0xFFFFFF80  }
0x189: {  	_ =	swait.ge [sflag:s17], $0x80  }
0x18a: {  	[sflag:s17] =	ssyncset.done $0x0  }
0x18b: {  	[sflag:s17] =	ssyncadd.s32 $0xFFFFFF80  }
.Ltmp0:
0x18c: {  	_ =	swait.ge [sflag:s17], $0x80;
	(pc) =	sbr.rel @p0 .LBB2_2-.Ltmp0, $4  }
0x18d: {  	[sflag:s17] =	ssyncset.done $0x0  }
0x18e: {  	[sflag:s17] =	ssyncadd.s32 $0xFFFFFF80  }
0x18f: {  	_ =	swait.ge [sflag:s17], $0x80  }
0x190: {  	s28 =	smov.u32 s25;
	[sflag:s17] =	ssyncset.done $0x0  }
0x191: {  	s24 =	sshra.s32 s24, $0x2;
	[sflag:s17] =	ssyncadd.s32 $0xFFFFFF80  }
0x192: {  	[spmem:s1] =	stream.indirect.scatter.add.f32 [tilespmem:s16], [sflag:$0x1], $0x1, s24, s15, $0xb8;
	[tilespmem:$0x5800] =	vst v63  }
0x193: {  	s25 =	sadd.s32 $0x2800, s24  }
0x194: {  	[spmem:s3] =	stream.indirect.scatter.add.f32 [tilespmem:s16], [sflag:$0x1], $0x1, s25, s15, $0xb8;
	[tilespmem:$0x5800] =	vst v63  }
0x195: {  	s28 =	sadd.s32 $0x80, s24  }
0x196: {  	[spmem:s1] =	stream.indirect.scatter.add.f32 [tilespmem:s16], [sflag:$0x1], $0x1, s28, s15, $0xb8;
	[tilespmem:$0x5800] =	vst v63  }
0x197: {  	s29 =	sadd.s32 $0x2880, s24  }
0x198: {  	[spmem:s3] =	stream.indirect.scatter.add.f32 [tilespmem:s16], [sflag:$0x1], $0x1, s29, s15, $0xb8;
	[tilespmem:$0x5800] =	vst v63  }
0x199: {  	s30 =	sadd.s32 $0x100, s24  }
0x19a: {  	[spmem:s1] =	stream.indirect.scatter.add.f32 [tilespmem:s16], [sflag:$0x1], $0x1, s30, s15, $0xb8;
	[tilespmem:$0x5800] =	vst v63  }
0x19b: {  	s31 =	sadd.s32 $0x2900, s24  }
0x19c: {  	[spmem:s3] =	stream.indirect.scatter.add.f32 [tilespmem:s16], [sflag:$0x1], $0x1, s31, s15, $0xb8;
	[tilespmem:$0x5800] =	vst v63  }
0x19d: {  	s26 =	sadd.s32 $0x180, s24  }
0x19e: {  	[spmem:s1] =	stream.indirect.scatter.add.f32 [tilespmem:s16], [sflag:$0x1], $0x1, s26, s15, $0xb8;
	[tilespmem:$0x5800] =	vst v63  }
0x19f: {  	s28 =	sadd.s32 $0x2980, s24  }
0x1a0: {  	[spmem:s3] =	stream.indirect.scatter.add.f32 [tilespmem:s16], [sflag:$0x1], $0x1, s28, s15, $0xb8;
	[tilespmem:$0x5800] =	vst v63  }
0x1a1: {  	s29 =	sadd.s32 $0x200, s24  }
0x1a2: {  	[spmem:s1] =	stream.indirect.scatter.add.f32 [tilespmem:s16], [sflag:$0x1], $0x1, s29, s15, $0xb8;
	[tilespmem:$0x5800] =	vst v63  }
0x1a3: {  	s30 =	sadd.s32 $0x2A00, s24  }
0x1a4: {  	[spmem:s3] =	stream.indirect.scatter.add.f32 [tilespmem:s16], [sflag:$0x1], $0x1, s30, s15, $0xb8;
	[tilespmem:$0x5800] =	vst v63  }
0x1a5: {  	s31 =	sadd.s32 $0x280, s24  }
0x1a6: {  	[spmem:s1] =	stream.indirect.scatter.add.f32 [tilespmem:s16], [sflag:$0x1], $0x1, s31, s15, $0xb8;
	[tilespmem:$0x5800] =	vst v63  }
0x1a7: {  	s26 =	sadd.s32 $0x2A80, s24  }
0x1a8: {  	[spmem:s3] =	stream.indirect.scatter.add.f32 [tilespmem:s16], [sflag:$0x1], $0x1, s26, s15, $0xb8;
	[tilespmem:$0x5800] =	vst v63  }
0x1a9: {  	s28 =	sadd.s32 $0x300, s24  }
0x1aa: {  	[spmem:s1] =	stream.indirect.scatter.add.f32 [tilespmem:s16], [sflag:$0x1], $0x1, s28, s15, $0xb8;
	[tilespmem:$0x5800] =	vst v63  }
0x1ab: {  	s29 =	sadd.s32 $0x2B00, s24  }
0x1ac: {  	[spmem:s3] =	stream.indirect.scatter.add.f32 [tilespmem:s16], [sflag:$0x1], $0x1, s29, s15, $0xb8;
	[tilespmem:$0x5800] =	vst v63  }
0x1ad: {  	s30 =	sadd.s32 $0x380, s24  }
0x1ae: {  	[spmem:s1] =	stream.indirect.scatter.add.f32 [tilespmem:s16], [sflag:$0x1], $0x1, s30, s15, $0xb8;
	[tilespmem:$0x5800] =	vst v63  }
0x1af: {  	s31 =	sadd.s32 $0x2B80, s24  }
0x1b0: {  	[spmem:s3] =	stream.indirect.scatter.add.f32 [tilespmem:s16], [sflag:$0x1], $0x1, s31, s15, $0xb8;
	[tilespmem:$0x5800] =	vst v63  }
0x1b1: {  	s26 =	sadd.s32 $0x400, s24  }
0x1b2: {  	[spmem:s1] =	stream.indirect.scatter.add.f32 [tilespmem:s16], [sflag:$0x1], $0x1, s26, s15, $0xb8;
	[tilespmem:$0x5800] =	vst v63  }
0x1b3: {  	s28 =	sadd.s32 $0x2C00, s24  }
0x1b4: {  	[spmem:s3] =	stream.indirect.scatter.add.f32 [tilespmem:s16], [sflag:$0x1], $0x1, s28, s15, $0xb8;
	[tilespmem:$0x5800] =	vst v63  }
0x1b5: {  	s29 =	sadd.s32 $0x480, s24  }
0x1b6: {  	[spmem:s1] =	stream.indirect.scatter.add.f32 [tilespmem:s16], [sflag:$0x1], $0x1, s29, s15, $0xb8;
	[tilespmem:$0x5800] =	vst v63  }
0x1b7: {  	s30 =	sadd.s32 $0x2C80, s24  }
0x1b8: {  	[spmem:s3] =	stream.indirect.scatter.add.f32 [tilespmem:s16], [sflag:$0x1], $0x1, s30, s15, $0xb8;
	[tilespmem:$0x5800] =	vst v63  }
0x1b9: {  	s31 =	sadd.s32 $0x500, s24  }
0x1ba: {  	[spmem:s1] =	stream.indirect.scatter.add.f32 [tilespmem:s16], [sflag:$0x1], $0x1, s31, s15, $0xb8;
	[tilespmem:$0x5800] =	vst v63  }
0x1bb: {  	s26 =	sadd.s32 $0x2D00, s24  }
0x1bc: {  	[spmem:s3] =	stream.indirect.scatter.add.f32 [tilespmem:s16], [sflag:$0x1], $0x1, s26, s15, $0xb8;
	[tilespmem:$0x5800] =	vst v63  }
0x1bd: {  	s28 =	sadd.s32 $0x580, s24  }
0x1be: {  	[spmem:s1] =	stream.indirect.scatter.add.f32 [tilespmem:s16], [sflag:$0x1], $0x1, s28, s15, $0xb8;
	[tilespmem:$0x5800] =	vst v63  }
0x1bf: {  	s29 =	sadd.s32 $0x2D80, s24  }
0x1c0: {  	[spmem:s3] =	stream.indirect.scatter.add.f32 [tilespmem:s16], [sflag:$0x1], $0x1, s29, s15, $0xb8;
	[tilespmem:$0x5800] =	vst v63  }
0x1c1: {  	s30 =	sadd.s32 $0x600, s24  }
0x1c2: {  	[spmem:s1] =	stream.indirect.scatter.add.f32 [tilespmem:s16], [sflag:$0x1], $0x1, s30, s15, $0xb8;
	[tilespmem:$0x5800] =	vst v63  }
0x1c3: {  	s31 =	sadd.s32 $0x2E00, s24  }
0x1c4: {  	[spmem:s3] =	stream.indirect.scatter.add.f32 [tilespmem:s16], [sflag:$0x1], $0x1, s31, s15, $0xb8;
	[tilespmem:$0x5800] =	vst v63  }
0x1c5: {  	s26 =	sadd.s32 $0x680, s24  }
0x1c6: {  	[spmem:s1] =	stream.indirect.scatter.add.f32 [tilespmem:s16], [sflag:$0x1], $0x1, s26, s15, $0xb8;
	[tilespmem:$0x5800] =	vst v63  }
0x1c7: {  	s28 =	sadd.s32 $0x2E80, s24  }
0x1c8: {  	[spmem:s3] =	stream.indirect.scatter.add.f32 [tilespmem:s16], [sflag:$0x1], $0x1, s28, s15, $0xb8;
	[tilespmem:$0x5800] =	vst v63  }
0x1c9: {  	s29 =	sadd.s32 $0x700, s24  }
0x1ca: {  	[spmem:s1] =	stream.indirect.scatter.add.f32 [tilespmem:s16], [sflag:$0x1], $0x1, s29, s15, $0xb8;
	[tilespmem:$0x5800] =	vst v63  }
0x1cb: {  	s30 =	sadd.s32 $0x2F00, s24  }
0x1cc: {  	[spmem:s3] =	stream.indirect.scatter.add.f32 [tilespmem:s16], [sflag:$0x1], $0x1, s30, s15, $0xb8;
	[tilespmem:$0x5800] =	vst v63  }
0x1cd: {  	s31 =	sadd.s32 $0x780, s24  }
0x1ce: {  	[spmem:s1] =	stream.indirect.scatter.add.f32 [tilespmem:s16], [sflag:$0x1], $0x1, s31, s15, $0xb8;
	[tilespmem:$0x5800] =	vst v63  }
0x1cf: {  	s24 =	sadd.s32 $0x2F80, s24  }
0x1d0: {  	[spmem:s3] =	stream.indirect.scatter.add.f32 [tilespmem:s16], [sflag:$0x1], $0x1, s24, s15, $0xb8;
	[tilespmem:$0x5800] =	vst v63  }
0x1d1: {  	_ =	swait.ge [sflag:s17], $0x80  }
0x1d2: {  	[sflag:s17] =	ssyncset.done $0x0  }
0x1d3: {  	[sflag:s17] =	ssyncadd.s32 $0xFFFFFF80  }
0x1d4: {  	_ =	swait.ge [sflag:s17], $0x80  }
0x1d5: {  	[sflag:s17] =	ssyncset.done $0x0  }
0x1d6: {  	[sflag:s17] =	ssyncadd.s32 $0xFFFFFF80  }
0x1d7: {  	_ =	swait.ge [sflag:s17], $0x80  }
0x1d8: {  	[sflag:s17] =	ssyncset.done $0x0  }
0x1d9: {  	[sflag:s17] =	ssyncadd.s32 $0xFFFFFF80  }
0x1da: {  	_ =	swait.ge [sflag:s17], $0x80  }
0x1db: {  	[sflag:s17] =	ssyncset.done $0x0  }
0x1dc: {  	[sflag:s17] =	ssyncadd.s32 $0xFFFFFF80  }
0x1dd: {  	_ =	swait.ge [sflag:s17], $0x80  }
0x1de: {  	[sflag:s17] =	ssyncset.done $0x0  }
0x1df: {  	[sflag:s17] =	ssyncadd.s32 $0xFFFFFF80  }
0x1e0: {  	_ =	swait.ge [sflag:s17], $0x80  }
0x1e1: {  	[sflag:s17] =	ssyncset.done $0x0  }
0x1e2: {  	[sflag:s17] =	ssyncadd.s32 $0xFFFFFF80  }
0x1e3: {  	_ =	swait.ge [sflag:s17], $0x80  }
0x1e4: {  	[sflag:s17] =	ssyncset.done $0x0  }
0x1e5: {  	[sflag:s17] =	ssyncadd.s32 $0xFFFFFF80  }
0x1e6: {  	_ =	swait.ge [sflag:s17], $0x80  }
0x1e7: {  	[sflag:s17] =	ssyncset.done $0x0  }
0x1e8: {  	[sflag:s17] =	ssyncadd.s32 $0xFFFFFF80  }
0x1e9: {  	_ =	swait.ge [sflag:s17], $0x80  }
0x1ea: {  	[sflag:s17] =	ssyncset.done $0x0  }
0x1eb: {  	[sflag:s17] =	ssyncadd.s32 $0xFFFFFF80  }
0x1ec: {  	_ =	swait.ge [sflag:s17], $0x80  }
0x1ed: {  	[sflag:s17] =	ssyncset.done $0x0  }
0x1ee: {  	[sflag:s17] =	ssyncadd.s32 $0xFFFFFF80  }
0x1ef: {  	_ =	swait.ge [sflag:s17], $0x80  }
0x1f0: {  	[sflag:s17] =	ssyncset.done $0x0  }
0x1f1: {  	[sflag:s17] =	ssyncadd.s32 $0xFFFFFF80  }
0x1f2: {  	_ =	swait.ge [sflag:s17], $0x80  }
0x1f3: {  	[sflag:s17] =	ssyncset.done $0x0  }
0x1f4: {  	[sflag:s17] =	ssyncadd.s32 $0xFFFFFF80  }
0x1f5: {  	_ =	swait.ge [sflag:s17], $0x80  }
0x1f6: {  	[sflag:s17] =	ssyncset.done $0x0  }
0x1f7: {  	[sflag:s17] =	ssyncadd.s32 $0xFFFFFF80  }
0x1f8: {  	_ =	swait.ge [sflag:s17], $0x80  }
0x1f9: {  	[sflag:s17] =	ssyncset.done $0x0  }
0x1fa: {  	[sflag:s17] =	ssyncadd.s32 $0xFFFFFF80  }
0x1fb: {  	_ =	swait.ge [sflag:s17], $0x80  }
0x1fc: {  	[sflag:s17] =	ssyncset.done $0x0  }
0x1fd: {  	[sflag:s17] =	ssyncadd.s32 $0xFFFFFF80  }
0x1fe: {  	_ =	swait.ge [sflag:s17], $0x80  }
0x1ff: {  	[sflag:s17] =	ssyncset.done $0x0  }
0x200: {  	[sflag:s17] =	ssyncadd.s32 $0xFFFFFF80  }
0x201: {  	_ =	swait.ge [sflag:s17], $0x80  }
0x202: {  	[sflag:s17] =	ssyncset.done $0x0  }
0x203: {  	[sflag:s17] =	ssyncadd.s32 $0xFFFFFF80  }
0x204: {  	_ =	swait.ge [sflag:s17], $0x80  }
0x205: {  	[sflag:s17] =	ssyncset.done $0x0  }
0x206: {  	[sflag:s17] =	ssyncadd.s32 $0xFFFFFF80  }
0x207: {  	_ =	swait.ge [sflag:s17], $0x80  }
0x208: {  	[sflag:s17] =	ssyncset.done $0x0  }
0x209: {  	[sflag:s17] =	ssyncadd.s32 $0xFFFFFF80  }
0x20a: {  	_ =	swait.ge [sflag:s17], $0x80  }
0x20b: {  	[sflag:s17] =	ssyncset.done $0x0  }
0x20c: {  	[sflag:s17] =	ssyncadd.s32 $0xFFFFFF80  }
0x20d: {  	_ =	swait.ge [sflag:s17], $0x80  }
0x20e: {  	[sflag:s17] =	ssyncset.done $0x0  }
0x20f: {  	[sflag:s17] =	ssyncadd.s32 $0xFFFFFF80  }
0x210: {  	_ =	swait.ge [sflag:s17], $0x80  }
0x211: {  	[sflag:s17] =	ssyncset.done $0x0  }
0x212: {  	[sflag:s17] =	ssyncadd.s32 $0xFFFFFF80  }
0x213: {  	_ =	swait.ge [sflag:s17], $0x80  }
0x214: {  	[sflag:s17] =	ssyncset.done $0x0  }
0x215: {  	[sflag:s17] =	ssyncadd.s32 $0xFFFFFF80  }
0x216: {  	_ =	swait.ge [sflag:s17], $0x80  }
0x217: {  	[sflag:s17] =	ssyncset.done $0x0  }
0x218: {  	[sflag:s17] =	ssyncadd.s32 $0xFFFFFF80  }
0x219: {  	_ =	swait.ge [sflag:s17], $0x80  }
0x21a: {  	[sflag:s17] =	ssyncset.done $0x0  }
0x21b: {  	[sflag:s17] =	ssyncadd.s32 $0xFFFFFF80  }
0x21c: {  	_ =	swait.ge [sflag:s17], $0x80  }
0x21d: {  	[sflag:s17] =	ssyncset.done $0x0  }
0x21e: {  	[sflag:s17] =	ssyncadd.s32 $0xFFFFFF80  }
0x21f: {  	_ =	swait.ge [sflag:s17], $0x80  }
0x220: {  	[sflag:s17] =	ssyncset.done $0x0  }
0x221: {  	[sflag:s17] =	ssyncadd.s32 $0xFFFFFF80  }
0x222: {  	_ =	swait.ge [sflag:s17], $0x80  }
0x223: {  	[sflag:s17] =	ssyncset.done $0x0  }
0x224: {  	[sflag:s17] =	ssyncadd.s32 $0xFFFFFF80  }
0x225: {  	_ =	swait.ge [sflag:s17], $0x80  }
0x226: {  	[sflag:s17] =	ssyncset.done $0x0  }
0x227: {  	[sflag:s17] =	ssyncadd.s32 $0xFFFFFF80  }
0x228: {  	_ =	swait.ge [sflag:s17], $0x80  }
0x229: {  	[sflag:s17] =	ssyncset.done $0x0  }
0x22a: {  	[sflag:s17] =	ssyncadd.s32 $0xFFFFFF80  }
0x22b: {  	_ =	swait.ge [sflag:s17], $0x80  }
0x22c: {  	[sflag:s17] =	ssyncset.done $0x0  }
0x22d: {  	[sflag:s17] =	ssyncadd.s32 $0xFFFFFF80  }
0x22e: {  	_ =	swait.ge [sflag:s17], $0x80  }
0x22f: {  	[sflag:s17] =	ssyncset.done $0x0  }
0x230: {  	[sflag:s17] =	ssyncadd.s32 $0xFFFFFF80  }
0x231: {  	[bflag:$0x0] =	sbarrier.arrive $0xFFFF  }
0x232: {  	[hbm:s9@s20], [sflag:s18] =	dma.strided [spmem:s19@s21], $0x50, s17, $0x10   }
0x233: {  	s23 =	sadd.s32 $0x1, s23;
	_ =	swait.ge [sflag:s13], $0x50  }
0x234: {  	p0 =	sne.s32 s23, s11;
	[sflag:s13] =	ssyncset.done $0x0  }
.Ltmp1:
0x235: {  	[sflag:s13] =	ssyncadd.s32 $0xFFFFFFB0;
	(pc) =	sbr.rel @p0 .LBB2_1-.Ltmp1, $4  }
0x236: {  	[hbm:s10@s20], [sflag:s18] =	dma.strided [spmem:s22@s21], $0x50, s17, $0x10   }
0x237: {  	_ =	swait.ge [sflag:s13], $0x50  }
0x238: {  	[sflag:s13] =	ssyncset.done $0x0  }
0x239: {  	[sflag:s13] =	ssyncadd.s32 $0xFFFFFFB0  }
0x23a: {  	_ =	sfence.sel $0x180000  }
0x23b: {  	[bflag:$0x0] =	sbarrier.arrive $0xFFFF  }
0x23c: {  	p0 =	sne.s32 s2, $0x0;
	_ =	strace $0x90000047  }
0x23d: {  	s0 =	sadd.s32 @!p0 $0x100000, s0;
	[bflag:$0x2] =	sbarrier.arrive $0xFFFF  }
0x23e: {  	[sflag:s0] =	ssyncadd.tile.s32 @!p0 $0x1;
	_ =	shalt  }
.Lfunc_end2:
_tile_overlayer_lowered:
.L_overlay_start_2:
0x23f: {  	(tag) =	ssettag $0x2  }
0x240: {  	s0 =	rddreg [dreg:$0x0];
	s2 =	stileid.u32  }
0x241: {  	s1 =	rddreg [dreg:$0x1];
	p0 =	sne.s32 s2, $0x0  }
0x242: {  	s3 =	rddreg [dreg:$0x2];
	[bflag:$0x3] =	sbarrier.arrive $0xFFFF;
	s2 =	simm.s32 @!p0 $0x1C02  }
0x243: {  	[timem:s3], [sflag:s2] =	dma.local @!p0 [hbm:s0], s1  }
0x244: {  	s0 =	simm.s32 @!p0 $0x2  }
0x245: {  	_ =	swait.ge @!p0 [sflag:s0], s1  }
0x246: {  	s1 =	ssub.s32 @!p0 $0x0, s1;
	[sflag:s0] =	ssyncset.done @!p0 $0x0  }
0x247: {  	[sflag:s0] =	ssyncadd.s32 @!p0 s1  }
0x248: {  	[bflag:$0x3] =	sbarrier.arrive $0xFFFF  }
0x249: {  	_ =	shalt  }

</sc_bundles>
